<compile_context>
chip_gen: v7x
topology: tpu7x:2x2x1
jax: 0.10.2.dev20260603
libtpu: 0.0.44.dev20260713+nightly
codegen_flags: <defaults>
</compile_context>

<pallas_src>
import functools

import jax
import jax.numpy as jnp
from jax import lax
from jax.experimental import pallas as pl
from jax.experimental.pallas import tpu as pltpu
from jax.experimental.pallas import tpu_sc as plsc

_NUM_DET = 100
_ROW_BASE = 100
_NPAD = 112
_LANES = 16
_NCHUNK = _NPAD // _LANES
_NCOLS_IN = 20
_NCOLS_OUT = 22
_LMK_COLS = (5, 6, 8, 9, 11, 12, 14, 15, 17, 18)
_MSK_COLS = (7, 10, 13, 16, 19)


def _sc_body(xflat, gidx, xfp, mb, out,
             gidx_v, xf_v, mb_v, cols_v, out_v, sem):
    cid = lax.axis_index("c")
    sid = lax.axis_index("s")

    @pl.when(jnp.logical_and(cid == 0, sid == 0))
    def _work():
        pltpu.sync_copy(gidx, gidx_v)
        pltpu.sync_copy(xfp, xf_v)
        pltpu.sync_copy(mb, mb_v)
        copies = [pltpu.async_copy(xflat.at[gidx_v.at[j]], cols_v.at[j], sem)
                  for j in range(_NCOLS_IN)]
        for cp in copies:
            cp.wait()

        zero = jnp.zeros((_LANES,), jnp.float32)
        for c in range(_NCHUNK):
            sl = pl.ds(c * _LANES, _LANES)
            col = [cols_v[j, sl] for j in range(_NCOLS_IN)]
            t = [col[0] * mb_v[j, :] + col[1] * mb_v[4 + j, :]
                 + col[2] * mb_v[8 + j, :] + col[3] * mb_v[12 + j, :]
                 for j in range(4)]
            out_v[0, sl] = xf_v[sl]
            for j in range(4):
                out_v[1 + j, sl] = t[j]
            out_v[5, sl] = zero
            out_v[6, sl] = col[4]
            for i, j in enumerate(_LMK_COLS):
                out_v[7 + i, sl] = col[j]
            for i, j in enumerate(_MSK_COLS):
                out_v[17 + i, sl] = col[j]
        pltpu.sync_copy(out_v, out)


@jax.jit
def _run(xflat, gidx, xfp, mb):
    mesh = plsc.VectorSubcoreMesh(core_axis_name="c", subcore_axis_name="s")
    return pl.kernel(
        _sc_body,
        out_type=jax.ShapeDtypeStruct((_NCOLS_OUT, _NPAD), jnp.float32),
        mesh=mesh,
        scratch_types=[
            pltpu.VMEM((_NCOLS_IN, _NPAD), jnp.int32),
            pltpu.VMEM((_NPAD,), jnp.float32),
            pltpu.VMEM((16, _LANES), jnp.float32),
            pltpu.VMEM((_NCOLS_IN, _NPAD), jnp.float32),
            pltpu.VMEM((_NCOLS_OUT, _NPAD), jnp.float32),
            pltpu.SemaphoreType.DMA,
        ],
    )(xflat, gidx, xfp, mb)


def kernel(x, convert_matrix):
    batch, n, c = x.shape
    batches = jnp.sort(jax.random.randint(
        jax.random.key(42), (_NUM_DET,), 0, batch, dtype=jnp.int32))
    xs = lax.slice(x, (0, _ROW_BASE, 0),
                   (batch, _ROW_BASE + _NUM_DET, c))
    xsflat = xs.reshape(batch * _NUM_DET * c)
    rowids = jnp.arange(_NUM_DET, dtype=jnp.int32)
    flat_row = batches * _NUM_DET + rowids
    flat_row_p = jnp.zeros((_NPAD,), jnp.int32).at[:_NUM_DET].set(flat_row)
    gidx = flat_row_p[None, :] * c + jnp.arange(c, dtype=jnp.int32)[:, None]
    xfp = jnp.zeros((_NPAD,), jnp.float32).at[:_NUM_DET].set(
        batches.astype(jnp.float32))
    mb = jnp.broadcast_to(convert_matrix.reshape(16, 1), (16, _LANES))
    out_t = _run(xsflat, gidx, xfp, mb)
    return out_t[:, :_NUM_DET].T

# --- scband reference (transcript-rebuilt; emitter-appended) ---
"""Pipeline reference for scband-onnx-ort-4355096838152 (READ-ONLY COPY).

The authoritative reference and input builder live on the scoring server;
editing this copy changes nothing except your own understanding.
"""

import jax, jax.numpy as jnp
import numpy as np

NUM_DET = 100  # deterministic stand-in for random.randint(0, 100) in the mock ORT_NMS
MAX_WH = 640.0


def setup_inputs(seed: int = 0) -> dict:
    key = jax.random.key(seed)
    kx = jax.random.fold_in(key, 0)
    x = jax.random.uniform(kx, (4, 20000, 20), dtype=jnp.float32)
    convert_matrix = jnp.array([[1.0, 0.0, 1.0, 0.0],
                                [0.0, 1.0, 0.0, 1.0],
                                [-0.5, 0.0, 0.5, 0.0],
                                [0.0, -0.5, 0.0, 0.5]], dtype=jnp.float32)
    return {"x": x, "convert_matrix": convert_matrix}


def _mock_ort_nms_indices(batch):
    # Faithful (deterministic) version of the mock ORT_NMS forward:
    # random batch ids (sorted), class id 0, box ids arange(100, 100+num_det)
    k = jax.random.key(42)
    batches = jnp.sort(jax.random.randint(k, (NUM_DET,), 0, batch, dtype=jnp.int32))
    zeros = jnp.zeros((NUM_DET,), dtype=jnp.int32)
    idxs = jnp.arange(100, 100 + NUM_DET, dtype=jnp.int32)
    selected_indices = jnp.stack([batches, zeros, idxs], axis=1)
    return selected_indices


def reference(x, convert_matrix):
    boxes = x[:, :, :4]
    scores = x[:, :, 4:5]
    lmk_idx = jnp.array([5, 6, 8, 9, 11, 12, 14, 15, 17, 18], dtype=jnp.int32)
    mask_idx = jnp.array([7, 10, 13, 16, 19], dtype=jnp.int32)
    lmks = jnp.take(x, lmk_idx, axis=2)
    lmks_mask = jnp.take(x, mask_idx, axis=2)
    boxes = boxes @ convert_matrix  # xywh (center) -> xyxy
    max_score = jnp.max(scores, axis=2, keepdims=True)
    category_id = jnp.argmax(scores, axis=2, keepdims=True)
    dis = category_id.astype(jnp.float32) * MAX_WH
    nmsbox = boxes + dis  # passed to NMS op (mock ignores values)
    max_score_tp = jnp.transpose(max_score, (0, 2, 1))
    del nmsbox, max_score_tp
    sel = _mock_ort_nms_indices(x.shape[0])
    X = sel[:, 0]
    Y = sel[:, 2]
    selected_boxes = boxes[X, Y, :]
    selected_categories = category_id[X, Y, :].astype(jnp.float32)
    selected_scores = max_score[X, Y, :]
    selected_lmks = lmks[X, Y, :]
    selected_lmks_mask = lmks_mask[X, Y, :]
    Xf = X[:, None].astype(jnp.float32)
    return jnp.concatenate([Xf, selected_boxes, selected_categories, selected_scores,
                            selected_lmks, selected_lmks_mask], axis=1)

if __name__ == "__main__":
    import jax
    _d = setup_inputs()
    print(jax.jit(kernel)(*tuple(_d.values())))

</pallas_src>

<mosaic_0001>
#map = affine_map<(d0, d1) -> (0)>
#map1 = affine_map<(d0, d1) -> (0, 0)>
module attributes {stable_mosaic.version = 14 : i64} {
  func.func @_sc_body(%arg0: i32, %arg1: i32, %arg2: memref<8000xf32, #tpu.memory_space<hbm>>, %arg3: memref<20x112xi32, #tpu.memory_space<hbm>>, %arg4: memref<112xf32, #tpu.memory_space<hbm>>, %arg5: memref<16x16xf32, #tpu.memory_space<hbm>>, %arg6: memref<22x112xf32, #tpu.memory_space<hbm>>, %arg7: memref<20x112xi32, #tpu.memory_space<vmem>>, %arg8: memref<112xf32, #tpu.memory_space<vmem>>, %arg9: memref<16x16xf32, #tpu.memory_space<vmem>>, %arg10: memref<20x112xf32, #tpu.memory_space<vmem>>, %arg11: memref<22x112xf32, #tpu.memory_space<vmem>>, %arg12: memref<!tpu.dma_semaphore, #tpu.memory_space<semaphore_mem>>) attributes {dimension_semantics = [#tpu.dimension_semantics<core_parallel>, #tpu.dimension_semantics<subcore_parallel>], iteration_bounds = array<i64: 2, 16>, scalar_prefetch = 0 : i64, scratch_operands = 6 : i64, tpu.core_type = #tpu.core_type<sc_vector_subcore>, window_params = [{transform_indices = #map}, {transform_indices = #map1}, {transform_indices = #map}, {transform_indices = #map1}, {transform_indices = #map1}]} {
    %eq3A = arith.constant 0 : i32
    %eq3A_0 = arith.cmpi eq, %arg0, %eq3A : i32
    %eq3A_1 = arith.constant 0 : i32
    %eq3A_2 = arith.cmpi eq, %arg1, %eq3A_1 : i32
    %and3A = arith.andi %eq3A_0, %eq3A_2 : i1
    %convert_element_type3A = arith.extui %and3A : i1 to i32
    %cond3A = arith.constant 0 : i32
    %cond3A_3 = arith.cmpi ne, %convert_element_type3A, %cond3A : i32
    scf.if %cond3A_3 {
      "tpu.region"() ({
        %run_scoped3A = tpu.sem_alloc : memref<!tpu.dma_semaphore, #tpu.memory_space<semaphore_mem>>
        tpu.enqueue_dma source(%arg3 : memref<20x112xi32, #tpu.memory_space<hbm>>) target(%arg7 : memref<20x112xi32, #tpu.memory_space<vmem>>) target_semaphore(%run_scoped3A : memref<!tpu.dma_semaphore, #tpu.memory_space<semaphore_mem>>)
        tpu.wait_dma2 semaphore(%run_scoped3A : memref<!tpu.dma_semaphore, #tpu.memory_space<semaphore_mem>>) src(%arg3 : memref<20x112xi32, #tpu.memory_space<hbm>>) dst(%arg7 : memref<20x112xi32, #tpu.memory_space<vmem>>)
        tpu.yield
      }) : () -> ()
      "tpu.region"() ({
        %run_scoped3A = tpu.sem_alloc : memref<!tpu.dma_semaphore, #tpu.memory_space<semaphore_mem>>
        tpu.enqueue_dma source(%arg4 : memref<112xf32, #tpu.memory_space<hbm>>) target(%arg8 : memref<112xf32, #tpu.memory_space<vmem>>) target_semaphore(%run_scoped3A : memref<!tpu.dma_semaphore, #tpu.memory_space<semaphore_mem>>)
        tpu.wait_dma2 semaphore(%run_scoped3A : memref<!tpu.dma_semaphore, #tpu.memory_space<semaphore_mem>>) src(%arg4 : memref<112xf32, #tpu.memory_space<hbm>>) dst(%arg8 : memref<112xf32, #tpu.memory_space<vmem>>)
        tpu.yield
      }) : () -> ()
      "tpu.region"() ({
        %run_scoped3A = tpu.sem_alloc : memref<!tpu.dma_semaphore, #tpu.memory_space<semaphore_mem>>
        tpu.enqueue_dma source(%arg5 : memref<16x16xf32, #tpu.memory_space<hbm>>) target(%arg9 : memref<16x16xf32, #tpu.memory_space<vmem>>) target_semaphore(%run_scoped3A : memref<!tpu.dma_semaphore, #tpu.memory_space<semaphore_mem>>)
        tpu.wait_dma2 semaphore(%run_scoped3A : memref<!tpu.dma_semaphore, #tpu.memory_space<semaphore_mem>>) src(%arg5 : memref<16x16xf32, #tpu.memory_space<hbm>>) dst(%arg9 : memref<16x16xf32, #tpu.memory_space<vmem>>)
        tpu.yield
      }) : () -> ()
      %dma_start3A = arith.constant 0 : i32
      %dma_start3A_4 = arith.constant 0 : i32
      %dma_start3A_5 = arith.constant 0 : i32
      %dma_start3A_6 = tpu.memref_slice %arg10[%dma_start3A_4, %dma_start3A_5] : memref<20x112xf32, #tpu.memory_space<vmem>> -> memref<1x112xf32, #tpu.memory_space<vmem>>
      %dma_start3A_7 = tpu.memref_squeeze %dma_start3A_6 : memref<1x112xf32, #tpu.memory_space<vmem>> -> memref<112xf32, #tpu.memory_space<vmem>>
      %dma_start3A_8 = arith.constant 0 : i32
      %dma_start3A_9 = tpu.memref_slice %arg7[%dma_start3A, %dma_start3A_8] : memref<20x112xi32, #tpu.memory_space<vmem>> -> memref<1x112xi32, #tpu.memory_space<vmem>>
      %dma_start3A_10 = tpu.memref_squeeze %dma_start3A_9 : memref<1x112xi32, #tpu.memory_space<vmem>> -> memref<112xi32, #tpu.memory_space<vmem>>
      %dma_start3A_11 = arith.constant 0 : i32
      %dma_start3A_12 = tpu.memref_slice %arg2[%dma_start3A_11] : memref<8000xf32, #tpu.memory_space<hbm>> -> memref<8000xf32, #tpu.memory_space<hbm>>
      tpu.enqueue_indirect_dma source(%dma_start3A_12 : memref<8000xf32, #tpu.memory_space<hbm>>) target(%dma_start3A_7 : memref<112xf32, #tpu.memory_space<vmem>>) offsets(%dma_start3A_10 : memref<112xi32, #tpu.memory_space<vmem>>) semaphore(%arg12 : memref<!tpu.dma_semaphore, #tpu.memory_space<semaphore_mem>>)
      %dma_start3A_13 = arith.constant 1 : i32
      %dma_start3A_14 = arith.constant 1 : i32
      %dma_start3A_15 = arith.constant 0 : i32
      %dma_start3A_16 = tpu.memref_slice %arg10[%dma_start3A_14, %dma_start3A_15] : memref<20x112xf32, #tpu.memory_space<vmem>> -> memref<1x112xf32, #tpu.memory_space<vmem>>
      %dma_start3A_17 = tpu.memref_squeeze %dma_start3A_16 : memref<1x112xf32, #tpu.memory_space<vmem>> -> memref<112xf32, #tpu.memory_space<vmem>>
      %dma_start3A_18 = arith.constant 0 : i32
      %dma_start3A_19 = tpu.memref_slice %arg7[%dma_start3A_13, %dma_start3A_18] : memref<20x112xi32, #tpu.memory_space<vmem>> -> memref<1x112xi32, #tpu.memory_space<vmem>>
      %dma_start3A_20 = tpu.memref_squeeze %dma_start3A_19 : memref<1x112xi32, #tpu.memory_space<vmem>> -> memref<112xi32, #tpu.memory_space<vmem>>
      %dma_start3A_21 = arith.constant 0 : i32
      %dma_start3A_22 = tpu.memref_slice %arg2[%dma_start3A_21] : memref<8000xf32, #tpu.memory_space<hbm>> -> memref<8000xf32, #tpu.memory_space<hbm>>
      tpu.enqueue_indirect_dma source(%dma_start3A_22 : memref<8000xf32, #tpu.memory_space<hbm>>) target(%dma_start3A_17 : memref<112xf32, #tpu.memory_space<vmem>>) offsets(%dma_start3A_20 : memref<112xi32, #tpu.memory_space<vmem>>) semaphore(%arg12 : memref<!tpu.dma_semaphore, #tpu.memory_space<semaphore_mem>>)
      %dma_start3A_23 = arith.constant 2 : i32
      %dma_start3A_24 = arith.constant 2 : i32
      %dma_start3A_25 = arith.constant 0 : i32
      %dma_start3A_26 = tpu.memref_slice %arg10[%dma_start3A_24, %dma_start3A_25] : memref<20x112xf32, #tpu.memory_space<vmem>> -> memref<1x112xf32, #tpu.memory_space<vmem>>
      %dma_start3A_27 = tpu.memref_squeeze %dma_start3A_26 : memref<1x112xf32, #tpu.memory_space<vmem>> -> memref<112xf32, #tpu.memory_space<vmem>>
      %dma_start3A_28 = arith.constant 0 : i32
      %dma_start3A_29 = tpu.memref_slice %arg7[%dma_start3A_23, %dma_start3A_28] : memref<20x112xi32, #tpu.memory_space<vmem>> -> memref<1x112xi32, #tpu.memory_space<vmem>>
      %dma_start3A_30 = tpu.memref_squeeze %dma_start3A_29 : memref<1x112xi32, #tpu.memory_space<vmem>> -> memref<112xi32, #tpu.memory_space<vmem>>
      %dma_start3A_31 = arith.constant 0 : i32
      %dma_start3A_32 = tpu.memref_slice %arg2[%dma_start3A_31] : memref<8000xf32, #tpu.memory_space<hbm>> -> memref<8000xf32, #tpu.memory_space<hbm>>
      tpu.enqueue_indirect_dma source(%dma_start3A_32 : memref<8000xf32, #tpu.memory_space<hbm>>) target(%dma_start3A_27 : memref<112xf32, #tpu.memory_space<vmem>>) offsets(%dma_start3A_30 : memref<112xi32, #tpu.memory_space<vmem>>) semaphore(%arg12 : memref<!tpu.dma_semaphore, #tpu.memory_space<semaphore_mem>>)
      %dma_start3A_33 = arith.constant 3 : i32
      %dma_start3A_34 = arith.constant 3 : i32
      %dma_start3A_35 = arith.constant 0 : i32
      %dma_start3A_36 = tpu.memref_slice %arg10[%dma_start3A_34, %dma_start3A_35] : memref<20x112xf32, #tpu.memory_space<vmem>> -> memref<1x112xf32, #tpu.memory_space<vmem>>
      %dma_start3A_37 = tpu.memref_squeeze %dma_start3A_36 : memref<1x112xf32, #tpu.memory_space<vmem>> -> memref<112xf32, #tpu.memory_space<vmem>>
      %dma_start3A_38 = arith.constant 0 : i32
      %dma_start3A_39 = tpu.memref_slice %arg7[%dma_start3A_33, %dma_start3A_38] : memref<20x112xi32, #tpu.memory_space<vmem>> -> memref<1x112xi32, #tpu.memory_space<vmem>>
      %dma_start3A_40 = tpu.memref_squeeze %dma_start3A_39 : memref<1x112xi32, #tpu.memory_space<vmem>> -> memref<112xi32, #tpu.memory_space<vmem>>
      %dma_start3A_41 = arith.constant 0 : i32
      %dma_start3A_42 = tpu.memref_slice %arg2[%dma_start3A_41] : memref<8000xf32, #tpu.memory_space<hbm>> -> memref<8000xf32, #tpu.memory_space<hbm>>
      tpu.enqueue_indirect_dma source(%dma_start3A_42 : memref<8000xf32, #tpu.memory_space<hbm>>) target(%dma_start3A_37 : memref<112xf32, #tpu.memory_space<vmem>>) offsets(%dma_start3A_40 : memref<112xi32, #tpu.memory_space<vmem>>) semaphore(%arg12 : memref<!tpu.dma_semaphore, #tpu.memory_space<semaphore_mem>>)
      %dma_start3A_43 = arith.constant 4 : i32
      %dma_start3A_44 = arith.constant 4 : i32
      %dma_start3A_45 = arith.constant 0 : i32
      %dma_start3A_46 = tpu.memref_slice %arg10[%dma_start3A_44, %dma_start3A_45] : memref<20x112xf32, #tpu.memory_space<vmem>> -> memref<1x112xf32, #tpu.memory_space<vmem>>
      %dma_start3A_47 = tpu.memref_squeeze %dma_start3A_46 : memref<1x112xf32, #tpu.memory_space<vmem>> -> memref<112xf32, #tpu.memory_space<vmem>>
      %dma_start3A_48 = arith.constant 0 : i32
      %dma_start3A_49 = tpu.memref_slice %arg7[%dma_start3A_43, %dma_start3A_48] : memref<20x112xi32, #tpu.memory_space<vmem>> -> memref<1x112xi32, #tpu.memory_space<vmem>>
      %dma_start3A_50 = tpu.memref_squeeze %dma_start3A_49 : memref<1x112xi32, #tpu.memory_space<vmem>> -> memref<112xi32, #tpu.memory_space<vmem>>
      %dma_start3A_51 = arith.constant 0 : i32
      %dma_start3A_52 = tpu.memref_slice %arg2[%dma_start3A_51] : memref<8000xf32, #tpu.memory_space<hbm>> -> memref<8000xf32, #tpu.memory_space<hbm>>
      tpu.enqueue_indirect_dma source(%dma_start3A_52 : memref<8000xf32, #tpu.memory_space<hbm>>) target(%dma_start3A_47 : memref<112xf32, #tpu.memory_space<vmem>>) offsets(%dma_start3A_50 : memref<112xi32, #tpu.memory_space<vmem>>) semaphore(%arg12 : memref<!tpu.dma_semaphore, #tpu.memory_space<semaphore_mem>>)
      %dma_start3A_53 = arith.constant 5 : i32
      %dma_start3A_54 = arith.constant 5 : i32
      %dma_start3A_55 = arith.constant 0 : i32
      %dma_start3A_56 = tpu.memref_slice %arg10[%dma_start3A_54, %dma_start3A_55] : memref<20x112xf32, #tpu.memory_space<vmem>> -> memref<1x112xf32, #tpu.memory_space<vmem>>
      %dma_start3A_57 = tpu.memref_squeeze %dma_start3A_56 : memref<1x112xf32, #tpu.memory_space<vmem>> -> memref<112xf32, #tpu.memory_space<vmem>>
      %dma_start3A_58 = arith.constant 0 : i32
      %dma_start3A_59 = tpu.memref_slice %arg7[%dma_start3A_53, %dma_start3A_58] : memref<20x112xi32, #tpu.memory_space<vmem>> -> memref<1x112xi32, #tpu.memory_space<vmem>>
      %dma_start3A_60 = tpu.memref_squeeze %dma_start3A_59 : memref<1x112xi32, #tpu.memory_space<vmem>> -> memref<112xi32, #tpu.memory_space<vmem>>
      %dma_start3A_61 = arith.constant 0 : i32
      %dma_start3A_62 = tpu.memref_slice %arg2[%dma_start3A_61] : memref<8000xf32, #tpu.memory_space<hbm>> -> memref<8000xf32, #tpu.memory_space<hbm>>
      tpu.enqueue_indirect_dma source(%dma_start3A_62 : memref<8000xf32, #tpu.memory_space<hbm>>) target(%dma_start3A_57 : memref<112xf32, #tpu.memory_space<vmem>>) offsets(%dma_start3A_60 : memref<112xi32, #tpu.memory_space<vmem>>) semaphore(%arg12 : memref<!tpu.dma_semaphore, #tpu.memory_space<semaphore_mem>>)
      %dma_start3A_63 = arith.constant 6 : i32
      %dma_start3A_64 = arith.constant 6 : i32
      %dma_start3A_65 = arith.constant 0 : i32
      %dma_start3A_66 = tpu.memref_slice %arg10[%dma_start3A_64, %dma_start3A_65] : memref<20x112xf32, #tpu.memory_space<vmem>> -> memref<1x112xf32, #tpu.memory_space<vmem>>
      %dma_start3A_67 = tpu.memref_squeeze %dma_start3A_66 : memref<1x112xf32, #tpu.memory_space<vmem>> -> memref<112xf32, #tpu.memory_space<vmem>>
      %dma_start3A_68 = arith.constant 0 : i32
      %dma_start3A_69 = tpu.memref_slice %arg7[%dma_start3A_63, %dma_start3A_68] : memref<20x112xi32, #tpu.memory_space<vmem>> -> memref<1x112xi32, #tpu.memory_space<vmem>>
      %dma_start3A_70 = tpu.memref_squeeze %dma_start3A_69 : memref<1x112xi32, #tpu.memory_space<vmem>> -> memref<112xi32, #tpu.memory_space<vmem>>
      %dma_start3A_71 = arith.constant 0 : i32
      %dma_start3A_72 = tpu.memref_slice %arg2[%dma_start3A_71] : memref<8000xf32, #tpu.memory_space<hbm>> -> memref<8000xf32, #tpu.memory_space<hbm>>
      tpu.enqueue_indirect_dma source(%dma_start3A_72 : memref<8000xf32, #tpu.memory_space<hbm>>) target(%dma_start3A_67 : memref<112xf32, #tpu.memory_space<vmem>>) offsets(%dma_start3A_70 : memref<112xi32, #tpu.memory_space<vmem>>) semaphore(%arg12 : memref<!tpu.dma_semaphore, #tpu.memory_space<semaphore_mem>>)
      %dma_start3A_73 = arith.constant 7 : i32
      %dma_start3A_74 = arith.constant 7 : i32
      %dma_start3A_75 = arith.constant 0 : i32
      %dma_start3A_76 = tpu.memref_slice %arg10[%dma_start3A_74, %dma_start3A_75] : memref<20x112xf32, #tpu.memory_space<vmem>> -> memref<1x112xf32, #tpu.memory_space<vmem>>
      %dma_start3A_77 = tpu.memref_squeeze %dma_start3A_76 : memref<1x112xf32, #tpu.memory_space<vmem>> -> memref<112xf32, #tpu.memory_space<vmem>>
      %dma_start3A_78 = arith.constant 0 : i32
      %dma_start3A_79 = tpu.memref_slice %arg7[%dma_start3A_73, %dma_start3A_78] : memref<20x112xi32, #tpu.memory_space<vmem>> -> memref<1x112xi32, #tpu.memory_space<vmem>>
      %dma_start3A_80 = tpu.memref_squeeze %dma_start3A_79 : memref<1x112xi32, #tpu.memory_space<vmem>> -> memref<112xi32, #tpu.memory_space<vmem>>
      %dma_start3A_81 = arith.constant 0 : i32
      %dma_start3A_82 = tpu.memref_slice %arg2[%dma_start3A_81] : memref<8000xf32, #tpu.memory_space<hbm>> -> memref<8000xf32, #tpu.memory_space<hbm>>
      tpu.enqueue_indirect_dma source(%dma_start3A_82 : memref<8000xf32, #tpu.memory_space<hbm>>) target(%dma_start3A_77 : memref<112xf32, #tpu.memory_space<vmem>>) offsets(%dma_start3A_80 : memref<112xi32, #tpu.memory_space<vmem>>) semaphore(%arg12 : memref<!tpu.dma_semaphore, #tpu.memory_space<semaphore_mem>>)
      %dma_start3A_83 = arith.constant 8 : i32
      %dma_start3A_84 = arith.constant 8 : i32
      %dma_start3A_85 = arith.constant 0 : i32
      %dma_start3A_86 = tpu.memref_slice %arg10[%dma_start3A_84, %dma_start3A_85] : memref<20x112xf32, #tpu.memory_space<vmem>> -> memref<1x112xf32, #tpu.memory_space<vmem>>
      %dma_start3A_87 = tpu.memref_squeeze %dma_start3A_86 : memref<1x112xf32, #tpu.memory_space<vmem>> -> memref<112xf32, #tpu.memory_space<vmem>>
      %dma_start3A_88 = arith.constant 0 : i32
      %dma_start3A_89 = tpu.memref_slice %arg7[%dma_start3A_83, %dma_start3A_88] : memref<20x112xi32, #tpu.memory_space<vmem>> -> memref<1x112xi32, #tpu.memory_space<vmem>>
      %dma_start3A_90 = tpu.memref_squeeze %dma_start3A_89 : memref<1x112xi32, #tpu.memory_space<vmem>> -> memref<112xi32, #tpu.memory_space<vmem>>
      %dma_start3A_91 = arith.constant 0 : i32
      %dma_start3A_92 = tpu.memref_slice %arg2[%dma_start3A_91] : memref<8000xf32, #tpu.memory_space<hbm>> -> memref<8000xf32, #tpu.memory_space<hbm>>
      tpu.enqueue_indirect_dma source(%dma_start3A_92 : memref<8000xf32, #tpu.memory_space<hbm>>) target(%dma_start3A_87 : memref<112xf32, #tpu.memory_space<vmem>>) offsets(%dma_start3A_90 : memref<112xi32, #tpu.memory_space<vmem>>) semaphore(%arg12 : memref<!tpu.dma_semaphore, #tpu.memory_space<semaphore_mem>>)
      %dma_start3A_93 = arith.constant 9 : i32
      %dma_start3A_94 = arith.constant 9 : i32
      %dma_start3A_95 = arith.constant 0 : i32
      %dma_start3A_96 = tpu.memref_slice %arg10[%dma_start3A_94, %dma_start3A_95] : memref<20x112xf32, #tpu.memory_space<vmem>> -> memref<1x112xf32, #tpu.memory_space<vmem>>
      %dma_start3A_97 = tpu.memref_squeeze %dma_start3A_96 : memref<1x112xf32, #tpu.memory_space<vmem>> -> memref<112xf32, #tpu.memory_space<vmem>>
      %dma_start3A_98 = arith.constant 0 : i32
      %dma_start3A_99 = tpu.memref_slice %arg7[%dma_start3A_93, %dma_start3A_98] : memref<20x112xi32, #tpu.memory_space<vmem>> -> memref<1x112xi32, #tpu.memory_space<vmem>>
      %dma_start3A_100 = tpu.memref_squeeze %dma_start3A_99 : memref<1x112xi32, #tpu.memory_space<vmem>> -> memref<112xi32, #tpu.memory_space<vmem>>
      %dma_start3A_101 = arith.constant 0 : i32
      %dma_start3A_102 = tpu.memref_slice %arg2[%dma_start3A_101] : memref<8000xf32, #tpu.memory_space<hbm>> -> memref<8000xf32, #tpu.memory_space<hbm>>
      tpu.enqueue_indirect_dma source(%dma_start3A_102 : memref<8000xf32, #tpu.memory_space<hbm>>) target(%dma_start3A_97 : memref<112xf32, #tpu.memory_space<vmem>>) offsets(%dma_start3A_100 : memref<112xi32, #tpu.memory_space<vmem>>) semaphore(%arg12 : memref<!tpu.dma_semaphore, #tpu.memory_space<semaphore_mem>>)
      %dma_start3A_103 = arith.constant 10 : i32
      %dma_start3A_104 = arith.constant 10 : i32
      %dma_start3A_105 = arith.constant 0 : i32
      %dma_start3A_106 = tpu.memref_slice %arg10[%dma_start3A_104, %dma_start3A_105] : memref<20x112xf32, #tpu.memory_space<vmem>> -> memref<1x112xf32, #tpu.memory_space<vmem>>
      %dma_start3A_107 = tpu.memref_squeeze %dma_start3A_106 : memref<1x112xf32, #tpu.memory_space<vmem>> -> memref<112xf32, #tpu.memory_space<vmem>>
      %dma_start3A_108 = arith.constant 0 : i32
      %dma_start3A_109 = tpu.memref_slice %arg7[%dma_start3A_103, %dma_start3A_108] : memref<20x112xi32, #tpu.memory_space<vmem>> -> memref<1x112xi32, #tpu.memory_space<vmem>>
      %dma_start3A_110 = tpu.memref_squeeze %dma_start3A_109 : memref<1x112xi32, #tpu.memory_space<vmem>> -> memref<112xi32, #tpu.memory_space<vmem>>
      %dma_start3A_111 = arith.constant 0 : i32
      %dma_start3A_112 = tpu.memref_slice %arg2[%dma_start3A_111] : memref<8000xf32, #tpu.memory_space<hbm>> -> memref<8000xf32, #tpu.memory_space<hbm>>
      tpu.enqueue_indirect_dma source(%dma_start3A_112 : memref<8000xf32, #tpu.memory_space<hbm>>) target(%dma_start3A_107 : memref<112xf32, #tpu.memory_space<vmem>>) offsets(%dma_start3A_110 : memref<112xi32, #tpu.memory_space<vmem>>) semaphore(%arg12 : memref<!tpu.dma_semaphore, #tpu.memory_space<semaphore_mem>>)
      %dma_start3A_113 = arith.constant 11 : i32
      %dma_start3A_114 = arith.constant 11 : i32
      %dma_start3A_115 = arith.constant 0 : i32
      %dma_start3A_116 = tpu.memref_slice %arg10[%dma_start3A_114, %dma_start3A_115] : memref<20x112xf32, #tpu.memory_space<vmem>> -> memref<1x112xf32, #tpu.memory_space<vmem>>
      %dma_start3A_117 = tpu.memref_squeeze %dma_start3A_116 : memref<1x112xf32, #tpu.memory_space<vmem>> -> memref<112xf32, #tpu.memory_space<vmem>>
      %dma_start3A_118 = arith.constant 0 : i32
      %dma_start3A_119 = tpu.memref_slice %arg7[%dma_start3A_113, %dma_start3A_118] : memref<20x112xi32, #tpu.memory_space<vmem>> -> memref<1x112xi32, #tpu.memory_space<vmem>>
      %dma_start3A_120 = tpu.memref_squeeze %dma_start3A_119 : memref<1x112xi32, #tpu.memory_space<vmem>> -> memref<112xi32, #tpu.memory_space<vmem>>
      %dma_start3A_121 = arith.constant 0 : i32
      %dma_start3A_122 = tpu.memref_slice %arg2[%dma_start3A_121] : memref<8000xf32, #tpu.memory_space<hbm>> -> memref<8000xf32, #tpu.memory_space<hbm>>
      tpu.enqueue_indirect_dma source(%dma_start3A_122 : memref<8000xf32, #tpu.memory_space<hbm>>) target(%dma_start3A_117 : memref<112xf32, #tpu.memory_space<vmem>>) offsets(%dma_start3A_120 : memref<112xi32, #tpu.memory_space<vmem>>) semaphore(%arg12 : memref<!tpu.dma_semaphore, #tpu.memory_space<semaphore_mem>>)
      %dma_start3A_123 = arith.constant 12 : i32
      %dma_start3A_124 = arith.constant 12 : i32
      %dma_start3A_125 = arith.constant 0 : i32
      %dma_start3A_126 = tpu.memref_slice %arg10[%dma_start3A_124, %dma_start3A_125] : memref<20x112xf32, #tpu.memory_space<vmem>> -> memref<1x112xf32, #tpu.memory_space<vmem>>
      %dma_start3A_127 = tpu.memref_squeeze %dma_start3A_126 : memref<1x112xf32, #tpu.memory_space<vmem>> -> memref<112xf32, #tpu.memory_space<vmem>>
      %dma_start3A_128 = arith.constant 0 : i32
      %dma_start3A_129 = tpu.memref_slice %arg7[%dma_start3A_123, %dma_start3A_128] : memref<20x112xi32, #tpu.memory_space<vmem>> -> memref<1x112xi32, #tpu.memory_space<vmem>>
      %dma_start3A_130 = tpu.memref_squeeze %dma_start3A_129 : memref<1x112xi32, #tpu.memory_space<vmem>> -> memref<112xi32, #tpu.memory_space<vmem>>
      %dma_start3A_131 = arith.constant 0 : i32
      %dma_start3A_132 = tpu.memref_slice %arg2[%dma_start3A_131] : memref<8000xf32, #tpu.memory_space<hbm>> -> memref<8000xf32, #tpu.memory_space<hbm>>
      tpu.enqueue_indirect_dma source(%dma_start3A_132 : memref<8000xf32, #tpu.memory_space<hbm>>) target(%dma_start3A_127 : memref<112xf32, #tpu.memory_space<vmem>>) offsets(%dma_start3A_130 : memref<112xi32, #tpu.memory_space<vmem>>) semaphore(%arg12 : memref<!tpu.dma_semaphore, #tpu.memory_space<semaphore_mem>>)
      %dma_start3A_133 = arith.constant 13 : i32
      %dma_start3A_134 = arith.constant 13 : i32
      %dma_start3A_135 = arith.constant 0 : i32
      %dma_start3A_136 = tpu.memref_slice %arg10[%dma_start3A_134, %dma_start3A_135] : memref<20x112xf32, #tpu.memory_space<vmem>> -> memref<1x112xf32, #tpu.memory_space<vmem>>
      %dma_start3A_137 = tpu.memref_squeeze %dma_start3A_136 : memref<1x112xf32, #tpu.memory_space<vmem>> -> memref<112xf32, #tpu.memory_space<vmem>>
      %dma_start3A_138 = arith.constant 0 : i32
      %dma_start3A_139 = tpu.memref_slice %arg7[%dma_start3A_133, %dma_start3A_138] : memref<20x112xi32, #tpu.memory_space<vmem>> -> memref<1x112xi32, #tpu.memory_space<vmem>>
      %dma_start3A_140 = tpu.memref_squeeze %dma_start3A_139 : memref<1x112xi32, #tpu.memory_space<vmem>> -> memref<112xi32, #tpu.memory_space<vmem>>
      %dma_start3A_141 = arith.constant 0 : i32
      %dma_start3A_142 = tpu.memref_slice %arg2[%dma_start3A_141] : memref<8000xf32, #tpu.memory_space<hbm>> -> memref<8000xf32, #tpu.memory_space<hbm>>
      tpu.enqueue_indirect_dma source(%dma_start3A_142 : memref<8000xf32, #tpu.memory_space<hbm>>) target(%dma_start3A_137 : memref<112xf32, #tpu.memory_space<vmem>>) offsets(%dma_start3A_140 : memref<112xi32, #tpu.memory_space<vmem>>) semaphore(%arg12 : memref<!tpu.dma_semaphore, #tpu.memory_space<semaphore_mem>>)
      %dma_start3A_143 = arith.constant 14 : i32
      %dma_start3A_144 = arith.constant 14 : i32
      %dma_start3A_145 = arith.constant 0 : i32
      %dma_start3A_146 = tpu.memref_slice %arg10[%dma_start3A_144, %dma_start3A_145] : memref<20x112xf32, #tpu.memory_space<vmem>> -> memref<1x112xf32, #tpu.memory_space<vmem>>
      %dma_start3A_147 = tpu.memref_squeeze %dma_start3A_146 : memref<1x112xf32, #tpu.memory_space<vmem>> -> memref<112xf32, #tpu.memory_space<vmem>>
      %dma_start3A_148 = arith.constant 0 : i32
      %dma_start3A_149 = tpu.memref_slice %arg7[%dma_start3A_143, %dma_start3A_148] : memref<20x112xi32, #tpu.memory_space<vmem>> -> memref<1x112xi32, #tpu.memory_space<vmem>>
      %dma_start3A_150 = tpu.memref_squeeze %dma_start3A_149 : memref<1x112xi32, #tpu.memory_space<vmem>> -> memref<112xi32, #tpu.memory_space<vmem>>
      %dma_start3A_151 = arith.constant 0 : i32
      %dma_start3A_152 = tpu.memref_slice %arg2[%dma_start3A_151] : memref<8000xf32, #tpu.memory_space<hbm>> -> memref<8000xf32, #tpu.memory_space<hbm>>
      tpu.enqueue_indirect_dma source(%dma_start3A_152 : memref<8000xf32, #tpu.memory_space<hbm>>) target(%dma_start3A_147 : memref<112xf32, #tpu.memory_space<vmem>>) offsets(%dma_start3A_150 : memref<112xi32, #tpu.memory_space<vmem>>) semaphore(%arg12 : memref<!tpu.dma_semaphore, #tpu.memory_space<semaphore_mem>>)
      %dma_start3A_153 = arith.constant 15 : i32
      %dma_start3A_154 = arith.constant 15 : i32
      %dma_start3A_155 = arith.constant 0 : i32
      %dma_start3A_156 = tpu.memref_slice %arg10[%dma_start3A_154, %dma_start3A_155] : memref<20x112xf32, #tpu.memory_space<vmem>> -> memref<1x112xf32, #tpu.memory_space<vmem>>
      %dma_start3A_157 = tpu.memref_squeeze %dma_start3A_156 : memref<1x112xf32, #tpu.memory_space<vmem>> -> memref<112xf32, #tpu.memory_space<vmem>>
      %dma_start3A_158 = arith.constant 0 : i32
      %dma_start3A_159 = tpu.memref_slice %arg7[%dma_start3A_153, %dma_start3A_158] : memref<20x112xi32, #tpu.memory_space<vmem>> -> memref<1x112xi32, #tpu.memory_space<vmem>>
      %dma_start3A_160 = tpu.memref_squeeze %dma_start3A_159 : memref<1x112xi32, #tpu.memory_space<vmem>> -> memref<112xi32, #tpu.memory_space<vmem>>
      %dma_start3A_161 = arith.constant 0 : i32
      %dma_start3A_162 = tpu.memref_slice %arg2[%dma_start3A_161] : memref<8000xf32, #tpu.memory_space<hbm>> -> memref<8000xf32, #tpu.memory_space<hbm>>
      tpu.enqueue_indirect_dma source(%dma_start3A_162 : memref<8000xf32, #tpu.memory_space<hbm>>) target(%dma_start3A_157 : memref<112xf32, #tpu.memory_space<vmem>>) offsets(%dma_start3A_160 : memref<112xi32, #tpu.memory_space<vmem>>) semaphore(%arg12 : memref<!tpu.dma_semaphore, #tpu.memory_space<semaphore_mem>>)
      %dma_start3A_163 = arith.constant 16 : i32
      %dma_start3A_164 = arith.constant 16 : i32
      %dma_start3A_165 = arith.constant 0 : i32
      %dma_start3A_166 = tpu.memref_slice %arg10[%dma_start3A_164, %dma_start3A_165] : memref<20x112xf32, #tpu.memory_space<vmem>> -> memref<1x112xf32, #tpu.memory_space<vmem>>
      %dma_start3A_167 = tpu.memref_squeeze %dma_start3A_166 : memref<1x112xf32, #tpu.memory_space<vmem>> -> memref<112xf32, #tpu.memory_space<vmem>>
      %dma_start3A_168 = arith.constant 0 : i32
      %dma_start3A_169 = tpu.memref_slice %arg7[%dma_start3A_163, %dma_start3A_168] : memref<20x112xi32, #tpu.memory_space<vmem>> -> memref<1x112xi32, #tpu.memory_space<vmem>>
      %dma_start3A_170 = tpu.memref_squeeze %dma_start3A_169 : memref<1x112xi32, #tpu.memory_space<vmem>> -> memref<112xi32, #tpu.memory_space<vmem>>
      %dma_start3A_171 = arith.constant 0 : i32
      %dma_start3A_172 = tpu.memref_slice %arg2[%dma_start3A_171] : memref<8000xf32, #tpu.memory_space<hbm>> -> memref<8000xf32, #tpu.memory_space<hbm>>
      tpu.enqueue_indirect_dma source(%dma_start3A_172 : memref<8000xf32, #tpu.memory_space<hbm>>) target(%dma_start3A_167 : memref<112xf32, #tpu.memory_space<vmem>>) offsets(%dma_start3A_170 : memref<112xi32, #tpu.memory_space<vmem>>) semaphore(%arg12 : memref<!tpu.dma_semaphore, #tpu.memory_space<semaphore_mem>>)
      %dma_start3A_173 = arith.constant 17 : i32
      %dma_start3A_174 = arith.constant 17 : i32
      %dma_start3A_175 = arith.constant 0 : i32
      %dma_start3A_176 = tpu.memref_slice %arg10[%dma_start3A_174, %dma_start3A_175] : memref<20x112xf32, #tpu.memory_space<vmem>> -> memref<1x112xf32, #tpu.memory_space<vmem>>
      %dma_start3A_177 = tpu.memref_squeeze %dma_start3A_176 : memref<1x112xf32, #tpu.memory_space<vmem>> -> memref<112xf32, #tpu.memory_space<vmem>>
      %dma_start3A_178 = arith.constant 0 : i32
      %dma_start3A_179 = tpu.memref_slice %arg7[%dma_start3A_173, %dma_start3A_178] : memref<20x112xi32, #tpu.memory_space<vmem>> -> memref<1x112xi32, #tpu.memory_space<vmem>>
      %dma_start3A_180 = tpu.memref_squeeze %dma_start3A_179 : memref<1x112xi32, #tpu.memory_space<vmem>> -> memref<112xi32, #tpu.memory_space<vmem>>
      %dma_start3A_181 = arith.constant 0 : i32
      %dma_start3A_182 = tpu.memref_slice %arg2[%dma_start3A_181] : memref<8000xf32, #tpu.memory_space<hbm>> -> memref<8000xf32, #tpu.memory_space<hbm>>
      tpu.enqueue_indirect_dma source(%dma_start3A_182 : memref<8000xf32, #tpu.memory_space<hbm>>) target(%dma_start3A_177 : memref<112xf32, #tpu.memory_space<vmem>>) offsets(%dma_start3A_180 : memref<112xi32, #tpu.memory_space<vmem>>) semaphore(%arg12 : memref<!tpu.dma_semaphore, #tpu.memory_space<semaphore_mem>>)
      %dma_start3A_183 = arith.constant 18 : i32
      %dma_start3A_184 = arith.constant 18 : i32
      %dma_start3A_185 = arith.constant 0 : i32
      %dma_start3A_186 = tpu.memref_slice %arg10[%dma_start3A_184, %dma_start3A_185] : memref<20x112xf32, #tpu.memory_space<vmem>> -> memref<1x112xf32, #tpu.memory_space<vmem>>
      %dma_start3A_187 = tpu.memref_squeeze %dma_start3A_186 : memref<1x112xf32, #tpu.memory_space<vmem>> -> memref<112xf32, #tpu.memory_space<vmem>>
      %dma_start3A_188 = arith.constant 0 : i32
      %dma_start3A_189 = tpu.memref_slice %arg7[%dma_start3A_183, %dma_start3A_188] : memref<20x112xi32, #tpu.memory_space<vmem>> -> memref<1x112xi32, #tpu.memory_space<vmem>>
      %dma_start3A_190 = tpu.memref_squeeze %dma_start3A_189 : memref<1x112xi32, #tpu.memory_space<vmem>> -> memref<112xi32, #tpu.memory_space<vmem>>
      %dma_start3A_191 = arith.constant 0 : i32
      %dma_start3A_192 = tpu.memref_slice %arg2[%dma_start3A_191] : memref<8000xf32, #tpu.memory_space<hbm>> -> memref<8000xf32, #tpu.memory_space<hbm>>
      tpu.enqueue_indirect_dma source(%dma_start3A_192 : memref<8000xf32, #tpu.memory_space<hbm>>) target(%dma_start3A_187 : memref<112xf32, #tpu.memory_space<vmem>>) offsets(%dma_start3A_190 : memref<112xi32, #tpu.memory_space<vmem>>) semaphore(%arg12 : memref<!tpu.dma_semaphore, #tpu.memory_space<semaphore_mem>>)
      %dma_start3A_193 = arith.constant 19 : i32
      %dma_start3A_194 = arith.constant 19 : i32
      %dma_start3A_195 = arith.constant 0 : i32
      %dma_start3A_196 = tpu.memref_slice %arg10[%dma_start3A_194, %dma_start3A_195] : memref<20x112xf32, #tpu.memory_space<vmem>> -> memref<1x112xf32, #tpu.memory_space<vmem>>
      %dma_start3A_197 = tpu.memref_squeeze %dma_start3A_196 : memref<1x112xf32, #tpu.memory_space<vmem>> -> memref<112xf32, #tpu.memory_space<vmem>>
      %dma_start3A_198 = arith.constant 0 : i32
      %dma_start3A_199 = tpu.memref_slice %arg7[%dma_start3A_193, %dma_start3A_198] : memref<20x112xi32, #tpu.memory_space<vmem>> -> memref<1x112xi32, #tpu.memory_space<vmem>>
      %dma_start3A_200 = tpu.memref_squeeze %dma_start3A_199 : memref<1x112xi32, #tpu.memory_space<vmem>> -> memref<112xi32, #tpu.memory_space<vmem>>
      %dma_start3A_201 = arith.constant 0 : i32
      %dma_start3A_202 = tpu.memref_slice %arg2[%dma_start3A_201] : memref<8000xf32, #tpu.memory_space<hbm>> -> memref<8000xf32, #tpu.memory_space<hbm>>
      tpu.enqueue_indirect_dma source(%dma_start3A_202 : memref<8000xf32, #tpu.memory_space<hbm>>) target(%dma_start3A_197 : memref<112xf32, #tpu.memory_space<vmem>>) offsets(%dma_start3A_200 : memref<112xi32, #tpu.memory_space<vmem>>) semaphore(%arg12 : memref<!tpu.dma_semaphore, #tpu.memory_space<semaphore_mem>>)
      %dma_wait3A = arith.constant 0 : i32
      %dma_wait3A_203 = arith.constant 0 : i32
      %dma_wait3A_204 = arith.constant 0 : i32
      %dma_wait3A_205 = tpu.memref_slice %arg10[%dma_wait3A_203, %dma_wait3A_204] : memref<20x112xf32, #tpu.memory_space<vmem>> -> memref<1x112xf32, #tpu.memory_space<vmem>>
      %dma_wait3A_206 = tpu.memref_squeeze %dma_wait3A_205 : memref<1x112xf32, #tpu.memory_space<vmem>> -> memref<112xf32, #tpu.memory_space<vmem>>
      %dma_wait3A_207 = arith.constant 0 : i32
      %dma_wait3A_208 = tpu.memref_slice %arg7[%dma_wait3A, %dma_wait3A_207] : memref<20x112xi32, #tpu.memory_space<vmem>> -> memref<1x112xi32, #tpu.memory_space<vmem>>
      %dma_wait3A_209 = tpu.memref_squeeze %dma_wait3A_208 : memref<1x112xi32, #tpu.memory_space<vmem>> -> memref<112xi32, #tpu.memory_space<vmem>>
      %dma_wait3A_210 = arith.constant 0 : i32
      %dma_wait3A_211 = tpu.memref_slice %arg2[%dma_wait3A_210] : memref<8000xf32, #tpu.memory_space<hbm>> -> memref<8000xf32, #tpu.memory_space<hbm>>
      tpu.wait_indirect_dma semaphore(%arg12 : memref<!tpu.dma_semaphore, #tpu.memory_space<semaphore_mem>>) src(%dma_wait3A_211 : memref<8000xf32, #tpu.memory_space<hbm>>) dst(%dma_wait3A_206 : memref<112xf32, #tpu.memory_space<vmem>>)
      %dma_wait3A_212 = arith.constant 1 : i32
      %dma_wait3A_213 = arith.constant 1 : i32
      %dma_wait3A_214 = arith.constant 0 : i32
      %dma_wait3A_215 = tpu.memref_slice %arg10[%dma_wait3A_213, %dma_wait3A_214] : memref<20x112xf32, #tpu.memory_space<vmem>> -> memref<1x112xf32, #tpu.memory_space<vmem>>
      %dma_wait3A_216 = tpu.memref_squeeze %dma_wait3A_215 : memref<1x112xf32, #tpu.memory_space<vmem>> -> memref<112xf32, #tpu.memory_space<vmem>>
      %dma_wait3A_217 = arith.constant 0 : i32
      %dma_wait3A_218 = tpu.memref_slice %arg7[%dma_wait3A_212, %dma_wait3A_217] : memref<20x112xi32, #tpu.memory_space<vmem>> -> memref<1x112xi32, #tpu.memory_space<vmem>>
      %dma_wait3A_219 = tpu.memref_squeeze %dma_wait3A_218 : memref<1x112xi32, #tpu.memory_space<vmem>> -> memref<112xi32, #tpu.memory_space<vmem>>
      %dma_wait3A_220 = arith.constant 0 : i32
      %dma_wait3A_221 = tpu.memref_slice %arg2[%dma_wait3A_220] : memref<8000xf32, #tpu.memory_space<hbm>> -> memref<8000xf32, #tpu.memory_space<hbm>>
      tpu.wait_indirect_dma semaphore(%arg12 : memref<!tpu.dma_semaphore, #tpu.memory_space<semaphore_mem>>) src(%dma_wait3A_221 : memref<8000xf32, #tpu.memory_space<hbm>>) dst(%dma_wait3A_216 : memref<112xf32, #tpu.memory_space<vmem>>)
      %dma_wait3A_222 = arith.constant 2 : i32
      %dma_wait3A_223 = arith.constant 2 : i32
      %dma_wait3A_224 = arith.constant 0 : i32
      %dma_wait3A_225 = tpu.memref_slice %arg10[%dma_wait3A_223, %dma_wait3A_224] : memref<20x112xf32, #tpu.memory_space<vmem>> -> memref<1x112xf32, #tpu.memory_space<vmem>>
      %dma_wait3A_226 = tpu.memref_squeeze %dma_wait3A_225 : memref<1x112xf32, #tpu.memory_space<vmem>> -> memref<112xf32, #tpu.memory_space<vmem>>
      %dma_wait3A_227 = arith.constant 0 : i32
      %dma_wait3A_228 = tpu.memref_slice %arg7[%dma_wait3A_222, %dma_wait3A_227] : memref<20x112xi32, #tpu.memory_space<vmem>> -> memref<1x112xi32, #tpu.memory_space<vmem>>
      %dma_wait3A_229 = tpu.memref_squeeze %dma_wait3A_228 : memref<1x112xi32, #tpu.memory_space<vmem>> -> memref<112xi32, #tpu.memory_space<vmem>>
      %dma_wait3A_230 = arith.constant 0 : i32
      %dma_wait3A_231 = tpu.memref_slice %arg2[%dma_wait3A_230] : memref<8000xf32, #tpu.memory_space<hbm>> -> memref<8000xf32, #tpu.memory_space<hbm>>
      tpu.wait_indirect_dma semaphore(%arg12 : memref<!tpu.dma_semaphore, #tpu.memory_space<semaphore_mem>>) src(%dma_wait3A_231 : memref<8000xf32, #tpu.memory_space<hbm>>) dst(%dma_wait3A_226 : memref<112xf32, #tpu.memory_space<vmem>>)
      %dma_wait3A_232 = arith.constant 3 : i32
      %dma_wait3A_233 = arith.constant 3 : i32
      %dma_wait3A_234 = arith.constant 0 : i32
      %dma_wait3A_235 = tpu.memref_slice %arg10[%dma_wait3A_233, %dma_wait3A_234] : memref<20x112xf32, #tpu.memory_space<vmem>> -> memref<1x112xf32, #tpu.memory_space<vmem>>
      %dma_wait3A_236 = tpu.memref_squeeze %dma_wait3A_235 : memref<1x112xf32, #tpu.memory_space<vmem>> -> memref<112xf32, #tpu.memory_space<vmem>>
      %dma_wait3A_237 = arith.constant 0 : i32
      %dma_wait3A_238 = tpu.memref_slice %arg7[%dma_wait3A_232, %dma_wait3A_237] : memref<20x112xi32, #tpu.memory_space<vmem>> -> memref<1x112xi32, #tpu.memory_space<vmem>>
      %dma_wait3A_239 = tpu.memref_squeeze %dma_wait3A_238 : memref<1x112xi32, #tpu.memory_space<vmem>> -> memref<112xi32, #tpu.memory_space<vmem>>
      %dma_wait3A_240 = arith.constant 0 : i32
      %dma_wait3A_241 = tpu.memref_slice %arg2[%dma_wait3A_240] : memref<8000xf32, #tpu.memory_space<hbm>> -> memref<8000xf32, #tpu.memory_space<hbm>>
      tpu.wait_indirect_dma semaphore(%arg12 : memref<!tpu.dma_semaphore, #tpu.memory_space<semaphore_mem>>) src(%dma_wait3A_241 : memref<8000xf32, #tpu.memory_space<hbm>>) dst(%dma_wait3A_236 : memref<112xf32, #tpu.memory_space<vmem>>)
      %dma_wait3A_242 = arith.constant 4 : i32
      %dma_wait3A_243 = arith.constant 4 : i32
      %dma_wait3A_244 = arith.constant 0 : i32
      %dma_wait3A_245 = tpu.memref_slice %arg10[%dma_wait3A_243, %dma_wait3A_244] : memref<20x112xf32, #tpu.memory_space<vmem>> -> memref<1x112xf32, #tpu.memory_space<vmem>>
      %dma_wait3A_246 = tpu.memref_squeeze %dma_wait3A_245 : memref<1x112xf32, #tpu.memory_space<vmem>> -> memref<112xf32, #tpu.memory_space<vmem>>
      %dma_wait3A_247 = arith.constant 0 : i32
      %dma_wait3A_248 = tpu.memref_slice %arg7[%dma_wait3A_242, %dma_wait3A_247] : memref<20x112xi32, #tpu.memory_space<vmem>> -> memref<1x112xi32, #tpu.memory_space<vmem>>
      %dma_wait3A_249 = tpu.memref_squeeze %dma_wait3A_248 : memref<1x112xi32, #tpu.memory_space<vmem>> -> memref<112xi32, #tpu.memory_space<vmem>>
      %dma_wait3A_250 = arith.constant 0 : i32
      %dma_wait3A_251 = tpu.memref_slice %arg2[%dma_wait3A_250] : memref<8000xf32, #tpu.memory_space<hbm>> -> memref<8000xf32, #tpu.memory_space<hbm>>
      tpu.wait_indirect_dma semaphore(%arg12 : memref<!tpu.dma_semaphore, #tpu.memory_space<semaphore_mem>>) src(%dma_wait3A_251 : memref<8000xf32, #tpu.memory_space<hbm>>) dst(%dma_wait3A_246 : memref<112xf32, #tpu.memory_space<vmem>>)
      %dma_wait3A_252 = arith.constant 5 : i32
      %dma_wait3A_253 = arith.constant 5 : i32
      %dma_wait3A_254 = arith.constant 0 : i32
      %dma_wait3A_255 = tpu.memref_slice %arg10[%dma_wait3A_253, %dma_wait3A_254] : memref<20x112xf32, #tpu.memory_space<vmem>> -> memref<1x112xf32, #tpu.memory_space<vmem>>
      %dma_wait3A_256 = tpu.memref_squeeze %dma_wait3A_255 : memref<1x112xf32, #tpu.memory_space<vmem>> -> memref<112xf32, #tpu.memory_space<vmem>>
      %dma_wait3A_257 = arith.constant 0 : i32
      %dma_wait3A_258 = tpu.memref_slice %arg7[%dma_wait3A_252, %dma_wait3A_257] : memref<20x112xi32, #tpu.memory_space<vmem>> -> memref<1x112xi32, #tpu.memory_space<vmem>>
      %dma_wait3A_259 = tpu.memref_squeeze %dma_wait3A_258 : memref<1x112xi32, #tpu.memory_space<vmem>> -> memref<112xi32, #tpu.memory_space<vmem>>
      %dma_wait3A_260 = arith.constant 0 : i32
      %dma_wait3A_261 = tpu.memref_slice %arg2[%dma_wait3A_260] : memref<8000xf32, #tpu.memory_space<hbm>> -> memref<8000xf32, #tpu.memory_space<hbm>>
      tpu.wait_indirect_dma semaphore(%arg12 : memref<!tpu.dma_semaphore, #tpu.memory_space<semaphore_mem>>) src(%dma_wait3A_261 : memref<8000xf32, #tpu.memory_space<hbm>>) dst(%dma_wait3A_256 : memref<112xf32, #tpu.memory_space<vmem>>)
      %dma_wait3A_262 = arith.constant 6 : i32
      %dma_wait3A_263 = arith.constant 6 : i32
      %dma_wait3A_264 = arith.constant 0 : i32
      %dma_wait3A_265 = tpu.memref_slice %arg10[%dma_wait3A_263, %dma_wait3A_264] : memref<20x112xf32, #tpu.memory_space<vmem>> -> memref<1x112xf32, #tpu.memory_space<vmem>>
      %dma_wait3A_266 = tpu.memref_squeeze %dma_wait3A_265 : memref<1x112xf32, #tpu.memory_space<vmem>> -> memref<112xf32, #tpu.memory_space<vmem>>
      %dma_wait3A_267 = arith.constant 0 : i32
      %dma_wait3A_268 = tpu.memref_slice %arg7[%dma_wait3A_262, %dma_wait3A_267] : memref<20x112xi32, #tpu.memory_space<vmem>> -> memref<1x112xi32, #tpu.memory_space<vmem>>
      %dma_wait3A_269 = tpu.memref_squeeze %dma_wait3A_268 : memref<1x112xi32, #tpu.memory_space<vmem>> -> memref<112xi32, #tpu.memory_space<vmem>>
      %dma_wait3A_270 = arith.constant 0 : i32
      %dma_wait3A_271 = tpu.memref_slice %arg2[%dma_wait3A_270] : memref<8000xf32, #tpu.memory_space<hbm>> -> memref<8000xf32, #tpu.memory_space<hbm>>
      tpu.wait_indirect_dma semaphore(%arg12 : memref<!tpu.dma_semaphore, #tpu.memory_space<semaphore_mem>>) src(%dma_wait3A_271 : memref<8000xf32, #tpu.memory_space<hbm>>) dst(%dma_wait3A_266 : memref<112xf32, #tpu.memory_space<vmem>>)
      %dma_wait3A_272 = arith.constant 7 : i32
      %dma_wait3A_273 = arith.constant 7 : i32
      %dma_wait3A_274 = arith.constant 0 : i32
      %dma_wait3A_275 = tpu.memref_slice %arg10[%dma_wait3A_273, %dma_wait3A_274] : memref<20x112xf32, #tpu.memory_space<vmem>> -> memref<1x112xf32, #tpu.memory_space<vmem>>
      %dma_wait3A_276 = tpu.memref_squeeze %dma_wait3A_275 : memref<1x112xf32, #tpu.memory_space<vmem>> -> memref<112xf32, #tpu.memory_space<vmem>>
      %dma_wait3A_277 = arith.constant 0 : i32
      %dma_wait3A_278 = tpu.memref_slice %arg7[%dma_wait3A_272, %dma_wait3A_277] : memref<20x112xi32, #tpu.memory_space<vmem>> -> memref<1x112xi32, #tpu.memory_space<vmem>>
      %dma_wait3A_279 = tpu.memref_squeeze %dma_wait3A_278 : memref<1x112xi32, #tpu.memory_space<vmem>> -> memref<112xi32, #tpu.memory_space<vmem>>
      %dma_wait3A_280 = arith.constant 0 : i32
      %dma_wait3A_281 = tpu.memref_slice %arg2[%dma_wait3A_280] : memref<8000xf32, #tpu.memory_space<hbm>> -> memref<8000xf32, #tpu.memory_space<hbm>>
      tpu.wait_indirect_dma semaphore(%arg12 : memref<!tpu.dma_semaphore, #tpu.memory_space<semaphore_mem>>) src(%dma_wait3A_281 : memref<8000xf32, #tpu.memory_space<hbm>>) dst(%dma_wait3A_276 : memref<112xf32, #tpu.memory_space<vmem>>)
      %dma_wait3A_282 = arith.constant 8 : i32
      %dma_wait3A_283 = arith.constant 8 : i32
      %dma_wait3A_284 = arith.constant 0 : i32
      %dma_wait3A_285 = tpu.memref_slice %arg10[%dma_wait3A_283, %dma_wait3A_284] : memref<20x112xf32, #tpu.memory_space<vmem>> -> memref<1x112xf32, #tpu.memory_space<vmem>>
      %dma_wait3A_286 = tpu.memref_squeeze %dma_wait3A_285 : memref<1x112xf32, #tpu.memory_space<vmem>> -> memref<112xf32, #tpu.memory_space<vmem>>
      %dma_wait3A_287 = arith.constant 0 : i32
      %dma_wait3A_288 = tpu.memref_slice %arg7[%dma_wait3A_282, %dma_wait3A_287] : memref<20x112xi32, #tpu.memory_space<vmem>> -> memref<1x112xi32, #tpu.memory_space<vmem>>
      %dma_wait3A_289 = tpu.memref_squeeze %dma_wait3A_288 : memref<1x112xi32, #tpu.memory_space<vmem>> -> memref<112xi32, #tpu.memory_space<vmem>>
      %dma_wait3A_290 = arith.constant 0 : i32
      %dma_wait3A_291 = tpu.memref_slice %arg2[%dma_wait3A_290] : memref<8000xf32, #tpu.memory_space<hbm>> -> memref<8000xf32, #tpu.memory_space<hbm>>
      tpu.wait_indirect_dma semaphore(%arg12 : memref<!tpu.dma_semaphore, #tpu.memory_space<semaphore_mem>>) src(%dma_wait3A_291 : memref<8000xf32, #tpu.memory_space<hbm>>) dst(%dma_wait3A_286 : memref<112xf32, #tpu.memory_space<vmem>>)
      %dma_wait3A_292 = arith.constant 9 : i32
      %dma_wait3A_293 = arith.constant 9 : i32
      %dma_wait3A_294 = arith.constant 0 : i32
      %dma_wait3A_295 = tpu.memref_slice %arg10[%dma_wait3A_293, %dma_wait3A_294] : memref<20x112xf32, #tpu.memory_space<vmem>> -> memref<1x112xf32, #tpu.memory_space<vmem>>
      %dma_wait3A_296 = tpu.memref_squeeze %dma_wait3A_295 : memref<1x112xf32, #tpu.memory_space<vmem>> -> memref<112xf32, #tpu.memory_space<vmem>>
      %dma_wait3A_297 = arith.constant 0 : i32
      %dma_wait3A_298 = tpu.memref_slice %arg7[%dma_wait3A_292, %dma_wait3A_297] : memref<20x112xi32, #tpu.memory_space<vmem>> -> memref<1x112xi32, #tpu.memory_space<vmem>>
      %dma_wait3A_299 = tpu.memref_squeeze %dma_wait3A_298 : memref<1x112xi32, #tpu.memory_space<vmem>> -> memref<112xi32, #tpu.memory_space<vmem>>
      %dma_wait3A_300 = arith.constant 0 : i32
      %dma_wait3A_301 = tpu.memref_slice %arg2[%dma_wait3A_300] : memref<8000xf32, #tpu.memory_space<hbm>> -> memref<8000xf32, #tpu.memory_space<hbm>>
      tpu.wait_indirect_dma semaphore(%arg12 : memref<!tpu.dma_semaphore, #tpu.memory_space<semaphore_mem>>) src(%dma_wait3A_301 : memref<8000xf32, #tpu.memory_space<hbm>>) dst(%dma_wait3A_296 : memref<112xf32, #tpu.memory_space<vmem>>)
      %dma_wait3A_302 = arith.constant 10 : i32
      %dma_wait3A_303 = arith.constant 10 : i32
      %dma_wait3A_304 = arith.constant 0 : i32
      %dma_wait3A_305 = tpu.memref_slice %arg10[%dma_wait3A_303, %dma_wait3A_304] : memref<20x112xf32, #tpu.memory_space<vmem>> -> memref<1x112xf32, #tpu.memory_space<vmem>>
      %dma_wait3A_306 = tpu.memref_squeeze %dma_wait3A_305 : memref<1x112xf32, #tpu.memory_space<vmem>> -> memref<112xf32, #tpu.memory_space<vmem>>
      %dma_wait3A_307 = arith.constant 0 : i32
      %dma_wait3A_308 = tpu.memref_slice %arg7[%dma_wait3A_302, %dma_wait3A_307] : memref<20x112xi32, #tpu.memory_space<vmem>> -> memref<1x112xi32, #tpu.memory_space<vmem>>
      %dma_wait3A_309 = tpu.memref_squeeze %dma_wait3A_308 : memref<1x112xi32, #tpu.memory_space<vmem>> -> memref<112xi32, #tpu.memory_space<vmem>>
      %dma_wait3A_310 = arith.constant 0 : i32
      %dma_wait3A_311 = tpu.memref_slice %arg2[%dma_wait3A_310] : memref<8000xf32, #tpu.memory_space<hbm>> -> memref<8000xf32, #tpu.memory_space<hbm>>
      tpu.wait_indirect_dma semaphore(%arg12 : memref<!tpu.dma_semaphore, #tpu.memory_space<semaphore_mem>>) src(%dma_wait3A_311 : memref<8000xf32, #tpu.memory_space<hbm>>) dst(%dma_wait3A_306 : memref<112xf32, #tpu.memory_space<vmem>>)
      %dma_wait3A_312 = arith.constant 11 : i32
      %dma_wait3A_313 = arith.constant 11 : i32
      %dma_wait3A_314 = arith.constant 0 : i32
      %dma_wait3A_315 = tpu.memref_slice %arg10[%dma_wait3A_313, %dma_wait3A_314] : memref<20x112xf32, #tpu.memory_space<vmem>> -> memref<1x112xf32, #tpu.memory_space<vmem>>
      %dma_wait3A_316 = tpu.memref_squeeze %dma_wait3A_315 : memref<1x112xf32, #tpu.memory_space<vmem>> -> memref<112xf32, #tpu.memory_space<vmem>>
      %dma_wait3A_317 = arith.constant 0 : i32
      %dma_wait3A_318 = tpu.memref_slice %arg7[%dma_wait3A_312, %dma_wait3A_317] : memref<20x112xi32, #tpu.memory_space<vmem>> -> memref<1x112xi32, #tpu.memory_space<vmem>>
      %dma_wait3A_319 = tpu.memref_squeeze %dma_wait3A_318 : memref<1x112xi32, #tpu.memory_space<vmem>> -> memref<112xi32, #tpu.memory_space<vmem>>
      %dma_wait3A_320 = arith.constant 0 : i32
      %dma_wait3A_321 = tpu.memref_slice %arg2[%dma_wait3A_320] : memref<8000xf32, #tpu.memory_space<hbm>> -> memref<8000xf32, #tpu.memory_space<hbm>>
      tpu.wait_indirect_dma semaphore(%arg12 : memref<!tpu.dma_semaphore, #tpu.memory_space<semaphore_mem>>) src(%dma_wait3A_321 : memref<8000xf32, #tpu.memory_space<hbm>>) dst(%dma_wait3A_316 : memref<112xf32, #tpu.memory_space<vmem>>)
      %dma_wait3A_322 = arith.constant 12 : i32
      %dma_wait3A_323 = arith.constant 12 : i32
      %dma_wait3A_324 = arith.constant 0 : i32
      %dma_wait3A_325 = tpu.memref_slice %arg10[%dma_wait3A_323, %dma_wait3A_324] : memref<20x112xf32, #tpu.memory_space<vmem>> -> memref<1x112xf32, #tpu.memory_space<vmem>>
      %dma_wait3A_326 = tpu.memref_squeeze %dma_wait3A_325 : memref<1x112xf32, #tpu.memory_space<vmem>> -> memref<112xf32, #tpu.memory_space<vmem>>
      %dma_wait3A_327 = arith.constant 0 : i32
      %dma_wait3A_328 = tpu.memref_slice %arg7[%dma_wait3A_322, %dma_wait3A_327] : memref<20x112xi32, #tpu.memory_space<vmem>> -> memref<1x112xi32, #tpu.memory_space<vmem>>
      %dma_wait3A_329 = tpu.memref_squeeze %dma_wait3A_328 : memref<1x112xi32, #tpu.memory_space<vmem>> -> memref<112xi32, #tpu.memory_space<vmem>>
      %dma_wait3A_330 = arith.constant 0 : i32
      %dma_wait3A_331 = tpu.memref_slice %arg2[%dma_wait3A_330] : memref<8000xf32, #tpu.memory_space<hbm>> -> memref<8000xf32, #tpu.memory_space<hbm>>
      tpu.wait_indirect_dma semaphore(%arg12 : memref<!tpu.dma_semaphore, #tpu.memory_space<semaphore_mem>>) src(%dma_wait3A_331 : memref<8000xf32, #tpu.memory_space<hbm>>) dst(%dma_wait3A_326 : memref<112xf32, #tpu.memory_space<vmem>>)
      %dma_wait3A_332 = arith.constant 13 : i32
      %dma_wait3A_333 = arith.constant 13 : i32
      %dma_wait3A_334 = arith.constant 0 : i32
      %dma_wait3A_335 = tpu.memref_slice %arg10[%dma_wait3A_333, %dma_wait3A_334] : memref<20x112xf32, #tpu.memory_space<vmem>> -> memref<1x112xf32, #tpu.memory_space<vmem>>
      %dma_wait3A_336 = tpu.memref_squeeze %dma_wait3A_335 : memref<1x112xf32, #tpu.memory_space<vmem>> -> memref<112xf32, #tpu.memory_space<vmem>>
      %dma_wait3A_337 = arith.constant 0 : i32
      %dma_wait3A_338 = tpu.memref_slice %arg7[%dma_wait3A_332, %dma_wait3A_337] : memref<20x112xi32, #tpu.memory_space<vmem>> -> memref<1x112xi32, #tpu.memory_space<vmem>>
      %dma_wait3A_339 = tpu.memref_squeeze %dma_wait3A_338 : memref<1x112xi32, #tpu.memory_space<vmem>> -> memref<112xi32, #tpu.memory_space<vmem>>
      %dma_wait3A_340 = arith.constant 0 : i32
      %dma_wait3A_341 = tpu.memref_slice %arg2[%dma_wait3A_340] : memref<8000xf32, #tpu.memory_space<hbm>> -> memref<8000xf32, #tpu.memory_space<hbm>>
      tpu.wait_indirect_dma semaphore(%arg12 : memref<!tpu.dma_semaphore, #tpu.memory_space<semaphore_mem>>) src(%dma_wait3A_341 : memref<8000xf32, #tpu.memory_space<hbm>>) dst(%dma_wait3A_336 : memref<112xf32, #tpu.memory_space<vmem>>)
      %dma_wait3A_342 = arith.constant 14 : i32
      %dma_wait3A_343 = arith.constant 14 : i32
      %dma_wait3A_344 = arith.constant 0 : i32
      %dma_wait3A_345 = tpu.memref_slice %arg10[%dma_wait3A_343, %dma_wait3A_344] : memref<20x112xf32, #tpu.memory_space<vmem>> -> memref<1x112xf32, #tpu.memory_space<vmem>>
      %dma_wait3A_346 = tpu.memref_squeeze %dma_wait3A_345 : memref<1x112xf32, #tpu.memory_space<vmem>> -> memref<112xf32, #tpu.memory_space<vmem>>
      %dma_wait3A_347 = arith.constant 0 : i32
      %dma_wait3A_348 = tpu.memref_slice %arg7[%dma_wait3A_342, %dma_wait3A_347] : memref<20x112xi32, #tpu.memory_space<vmem>> -> memref<1x112xi32, #tpu.memory_space<vmem>>
      %dma_wait3A_349 = tpu.memref_squeeze %dma_wait3A_348 : memref<1x112xi32, #tpu.memory_space<vmem>> -> memref<112xi32, #tpu.memory_space<vmem>>
      %dma_wait3A_350 = arith.constant 0 : i32
      %dma_wait3A_351 = tpu.memref_slice %arg2[%dma_wait3A_350] : memref<8000xf32, #tpu.memory_space<hbm>> -> memref<8000xf32, #tpu.memory_space<hbm>>
      tpu.wait_indirect_dma semaphore(%arg12 : memref<!tpu.dma_semaphore, #tpu.memory_space<semaphore_mem>>) src(%dma_wait3A_351 : memref<8000xf32, #tpu.memory_space<hbm>>) dst(%dma_wait3A_346 : memref<112xf32, #tpu.memory_space<vmem>>)
      %dma_wait3A_352 = arith.constant 15 : i32
      %dma_wait3A_353 = arith.constant 15 : i32
      %dma_wait3A_354 = arith.constant 0 : i32
      %dma_wait3A_355 = tpu.memref_slice %arg10[%dma_wait3A_353, %dma_wait3A_354] : memref<20x112xf32, #tpu.memory_space<vmem>> -> memref<1x112xf32, #tpu.memory_space<vmem>>
      %dma_wait3A_356 = tpu.memref_squeeze %dma_wait3A_355 : memref<1x112xf32, #tpu.memory_space<vmem>> -> memref<112xf32, #tpu.memory_space<vmem>>
      %dma_wait3A_357 = arith.constant 0 : i32
      %dma_wait3A_358 = tpu.memref_slice %arg7[%dma_wait3A_352, %dma_wait3A_357] : memref<20x112xi32, #tpu.memory_space<vmem>> -> memref<1x112xi32, #tpu.memory_space<vmem>>
      %dma_wait3A_359 = tpu.memref_squeeze %dma_wait3A_358 : memref<1x112xi32, #tpu.memory_space<vmem>> -> memref<112xi32, #tpu.memory_space<vmem>>
      %dma_wait3A_360 = arith.constant 0 : i32
      %dma_wait3A_361 = tpu.memref_slice %arg2[%dma_wait3A_360] : memref<8000xf32, #tpu.memory_space<hbm>> -> memref<8000xf32, #tpu.memory_space<hbm>>
      tpu.wait_indirect_dma semaphore(%arg12 : memref<!tpu.dma_semaphore, #tpu.memory_space<semaphore_mem>>) src(%dma_wait3A_361 : memref<8000xf32, #tpu.memory_space<hbm>>) dst(%dma_wait3A_356 : memref<112xf32, #tpu.memory_space<vmem>>)
      %dma_wait3A_362 = arith.constant 16 : i32
      %dma_wait3A_363 = arith.constant 16 : i32
      %dma_wait3A_364 = arith.constant 0 : i32
      %dma_wait3A_365 = tpu.memref_slice %arg10[%dma_wait3A_363, %dma_wait3A_364] : memref<20x112xf32, #tpu.memory_space<vmem>> -> memref<1x112xf32, #tpu.memory_space<vmem>>
      %dma_wait3A_366 = tpu.memref_squeeze %dma_wait3A_365 : memref<1x112xf32, #tpu.memory_space<vmem>> -> memref<112xf32, #tpu.memory_space<vmem>>
      %dma_wait3A_367 = arith.constant 0 : i32
      %dma_wait3A_368 = tpu.memref_slice %arg7[%dma_wait3A_362, %dma_wait3A_367] : memref<20x112xi32, #tpu.memory_space<vmem>> -> memref<1x112xi32, #tpu.memory_space<vmem>>
      %dma_wait3A_369 = tpu.memref_squeeze %dma_wait3A_368 : memref<1x112xi32, #tpu.memory_space<vmem>> -> memref<112xi32, #tpu.memory_space<vmem>>
      %dma_wait3A_370 = arith.constant 0 : i32
      %dma_wait3A_371 = tpu.memref_slice %arg2[%dma_wait3A_370] : memref<8000xf32, #tpu.memory_space<hbm>> -> memref<8000xf32, #tpu.memory_space<hbm>>
      tpu.wait_indirect_dma semaphore(%arg12 : memref<!tpu.dma_semaphore, #tpu.memory_space<semaphore_mem>>) src(%dma_wait3A_371 : memref<8000xf32, #tpu.memory_space<hbm>>) dst(%dma_wait3A_366 : memref<112xf32, #tpu.memory_space<vmem>>)
      %dma_wait3A_372 = arith.constant 17 : i32
      %dma_wait3A_373 = arith.constant 17 : i32
      %dma_wait3A_374 = arith.constant 0 : i32
      %dma_wait3A_375 = tpu.memref_slice %arg10[%dma_wait3A_373, %dma_wait3A_374] : memref<20x112xf32, #tpu.memory_space<vmem>> -> memref<1x112xf32, #tpu.memory_space<vmem>>
      %dma_wait3A_376 = tpu.memref_squeeze %dma_wait3A_375 : memref<1x112xf32, #tpu.memory_space<vmem>> -> memref<112xf32, #tpu.memory_space<vmem>>
      %dma_wait3A_377 = arith.constant 0 : i32
      %dma_wait3A_378 = tpu.memref_slice %arg7[%dma_wait3A_372, %dma_wait3A_377] : memref<20x112xi32, #tpu.memory_space<vmem>> -> memref<1x112xi32, #tpu.memory_space<vmem>>
      %dma_wait3A_379 = tpu.memref_squeeze %dma_wait3A_378 : memref<1x112xi32, #tpu.memory_space<vmem>> -> memref<112xi32, #tpu.memory_space<vmem>>
      %dma_wait3A_380 = arith.constant 0 : i32
      %dma_wait3A_381 = tpu.memref_slice %arg2[%dma_wait3A_380] : memref<8000xf32, #tpu.memory_space<hbm>> -> memref<8000xf32, #tpu.memory_space<hbm>>
      tpu.wait_indirect_dma semaphore(%arg12 : memref<!tpu.dma_semaphore, #tpu.memory_space<semaphore_mem>>) src(%dma_wait3A_381 : memref<8000xf32, #tpu.memory_space<hbm>>) dst(%dma_wait3A_376 : memref<112xf32, #tpu.memory_space<vmem>>)
      %dma_wait3A_382 = arith.constant 18 : i32
      %dma_wait3A_383 = arith.constant 18 : i32
      %dma_wait3A_384 = arith.constant 0 : i32
      %dma_wait3A_385 = tpu.memref_slice %arg10[%dma_wait3A_383, %dma_wait3A_384] : memref<20x112xf32, #tpu.memory_space<vmem>> -> memref<1x112xf32, #tpu.memory_space<vmem>>
      %dma_wait3A_386 = tpu.memref_squeeze %dma_wait3A_385 : memref<1x112xf32, #tpu.memory_space<vmem>> -> memref<112xf32, #tpu.memory_space<vmem>>
      %dma_wait3A_387 = arith.constant 0 : i32
      %dma_wait3A_388 = tpu.memref_slice %arg7[%dma_wait3A_382, %dma_wait3A_387] : memref<20x112xi32, #tpu.memory_space<vmem>> -> memref<1x112xi32, #tpu.memory_space<vmem>>
      %dma_wait3A_389 = tpu.memref_squeeze %dma_wait3A_388 : memref<1x112xi32, #tpu.memory_space<vmem>> -> memref<112xi32, #tpu.memory_space<vmem>>
      %dma_wait3A_390 = arith.constant 0 : i32
      %dma_wait3A_391 = tpu.memref_slice %arg2[%dma_wait3A_390] : memref<8000xf32, #tpu.memory_space<hbm>> -> memref<8000xf32, #tpu.memory_space<hbm>>
      tpu.wait_indirect_dma semaphore(%arg12 : memref<!tpu.dma_semaphore, #tpu.memory_space<semaphore_mem>>) src(%dma_wait3A_391 : memref<8000xf32, #tpu.memory_space<hbm>>) dst(%dma_wait3A_386 : memref<112xf32, #tpu.memory_space<vmem>>)
      %dma_wait3A_392 = arith.constant 19 : i32
      %dma_wait3A_393 = arith.constant 19 : i32
      %dma_wait3A_394 = arith.constant 0 : i32
      %dma_wait3A_395 = tpu.memref_slice %arg10[%dma_wait3A_393, %dma_wait3A_394] : memref<20x112xf32, #tpu.memory_space<vmem>> -> memref<1x112xf32, #tpu.memory_space<vmem>>
      %dma_wait3A_396 = tpu.memref_squeeze %dma_wait3A_395 : memref<1x112xf32, #tpu.memory_space<vmem>> -> memref<112xf32, #tpu.memory_space<vmem>>
      %dma_wait3A_397 = arith.constant 0 : i32
      %dma_wait3A_398 = tpu.memref_slice %arg7[%dma_wait3A_392, %dma_wait3A_397] : memref<20x112xi32, #tpu.memory_space<vmem>> -> memref<1x112xi32, #tpu.memory_space<vmem>>
      %dma_wait3A_399 = tpu.memref_squeeze %dma_wait3A_398 : memref<1x112xi32, #tpu.memory_space<vmem>> -> memref<112xi32, #tpu.memory_space<vmem>>
      %dma_wait3A_400 = arith.constant 0 : i32
      %dma_wait3A_401 = tpu.memref_slice %arg2[%dma_wait3A_400] : memref<8000xf32, #tpu.memory_space<hbm>> -> memref<8000xf32, #tpu.memory_space<hbm>>
      tpu.wait_indirect_dma semaphore(%arg12 : memref<!tpu.dma_semaphore, #tpu.memory_space<semaphore_mem>>) src(%dma_wait3A_401 : memref<8000xf32, #tpu.memory_space<hbm>>) dst(%dma_wait3A_396 : memref<112xf32, #tpu.memory_space<vmem>>)
      %broadcast_in_dim3A = arith.constant 0.000000e+00 : f32
      %broadcast_in_dim3A_402 = vector.broadcast %broadcast_in_dim3A : f32 to vector<16xf32>
      %get3A = arith.constant 0 : i32
      %get3A_403 = arith.index_cast %get3A : i32 to index
      %get3A_404 = arith.constant 0 : index
      %get3A_405 = tpu.vector_load %arg10[%get3A_403, %get3A_404] {strides = array<i32>} : memref<20x112xf32, #tpu.memory_space<vmem>>, vector<1x16xf32>,
      %get3A_406 = vector.shape_cast %get3A_405 : vector<1x16xf32> to vector<16xf32>
      %get3A_407 = arith.constant 1 : i32
      %get3A_408 = arith.index_cast %get3A_407 : i32 to index
      %get3A_409 = arith.constant 0 : index
      %get3A_410 = tpu.vector_load %arg10[%get3A_408, %get3A_409] {strides = array<i32>} : memref<20x112xf32, #tpu.memory_space<vmem>>, vector<1x16xf32>,
      %get3A_411 = vector.shape_cast %get3A_410 : vector<1x16xf32> to vector<16xf32>
      %get3A_412 = arith.constant 2 : i32
      %get3A_413 = arith.index_cast %get3A_412 : i32 to index
      %get3A_414 = arith.constant 0 : index
      %get3A_415 = tpu.vector_load %arg10[%get3A_413, %get3A_414] {strides = array<i32>} : memref<20x112xf32, #tpu.memory_space<vmem>>, vector<1x16xf32>,
      %get3A_416 = vector.shape_cast %get3A_415 : vector<1x16xf32> to vector<16xf32>
      %get3A_417 = arith.constant 3 : i32
      %get3A_418 = arith.index_cast %get3A_417 : i32 to index
      %get3A_419 = arith.constant 0 : index
      %get3A_420 = tpu.vector_load %arg10[%get3A_418, %get3A_419] {strides = array<i32>} : memref<20x112xf32, #tpu.memory_space<vmem>>, vector<1x16xf32>,
      %get3A_421 = vector.shape_cast %get3A_420 : vector<1x16xf32> to vector<16xf32>
      %get3A_422 = arith.constant 4 : i32
      %get3A_423 = arith.index_cast %get3A_422 : i32 to index
      %get3A_424 = arith.constant 0 : index
      %get3A_425 = tpu.vector_load %arg10[%get3A_423, %get3A_424] {strides = array<i32>} : memref<20x112xf32, #tpu.memory_space<vmem>>, vector<1x16xf32>,
      %get3A_426 = vector.shape_cast %get3A_425 : vector<1x16xf32> to vector<16xf32>
      %get3A_427 = arith.constant 5 : i32
      %get3A_428 = arith.index_cast %get3A_427 : i32 to index
      %get3A_429 = arith.constant 0 : index
      %get3A_430 = tpu.vector_load %arg10[%get3A_428, %get3A_429] {strides = array<i32>} : memref<20x112xf32, #tpu.memory_space<vmem>>, vector<1x16xf32>,
      %get3A_431 = vector.shape_cast %get3A_430 : vector<1x16xf32> to vector<16xf32>
      %get3A_432 = arith.constant 6 : i32
      %get3A_433 = arith.index_cast %get3A_432 : i32 to index
      %get3A_434 = arith.constant 0 : index
      %get3A_435 = tpu.vector_load %arg10[%get3A_433, %get3A_434] {strides = array<i32>} : memref<20x112xf32, #tpu.memory_space<vmem>>, vector<1x16xf32>,
      %get3A_436 = vector.shape_cast %get3A_435 : vector<1x16xf32> to vector<16xf32>
      %get3A_437 = arith.constant 7 : i32
      %get3A_438 = arith.index_cast %get3A_437 : i32 to index
      %get3A_439 = arith.constant 0 : index
      %get3A_440 = tpu.vector_load %arg10[%get3A_438, %get3A_439] {strides = array<i32>} : memref<20x112xf32, #tpu.memory_space<vmem>>, vector<1x16xf32>,
      %get3A_441 = vector.shape_cast %get3A_440 : vector<1x16xf32> to vector<16xf32>
      %get3A_442 = arith.constant 8 : i32
      %get3A_443 = arith.index_cast %get3A_442 : i32 to index
      %get3A_444 = arith.constant 0 : index
      %get3A_445 = tpu.vector_load %arg10[%get3A_443, %get3A_444] {strides = array<i32>} : memref<20x112xf32, #tpu.memory_space<vmem>>, vector<1x16xf32>,
      %get3A_446 = vector.shape_cast %get3A_445 : vector<1x16xf32> to vector<16xf32>
      %get3A_447 = arith.constant 9 : i32
      %get3A_448 = arith.index_cast %get3A_447 : i32 to index
      %get3A_449 = arith.constant 0 : index
      %get3A_450 = tpu.vector_load %arg10[%get3A_448, %get3A_449] {strides = array<i32>} : memref<20x112xf32, #tpu.memory_space<vmem>>, vector<1x16xf32>,
      %get3A_451 = vector.shape_cast %get3A_450 : vector<1x16xf32> to vector<16xf32>
      %get3A_452 = arith.constant 10 : i32
      %get3A_453 = arith.index_cast %get3A_452 : i32 to index
      %get3A_454 = arith.constant 0 : index
      %get3A_455 = tpu.vector_load %arg10[%get3A_453, %get3A_454] {strides = array<i32>} : memref<20x112xf32, #tpu.memory_space<vmem>>, vector<1x16xf32>,
      %get3A_456 = vector.shape_cast %get3A_455 : vector<1x16xf32> to vector<16xf32>
      %get3A_457 = arith.constant 11 : i32
      %get3A_458 = arith.index_cast %get3A_457 : i32 to index
      %get3A_459 = arith.constant 0 : index
      %get3A_460 = tpu.vector_load %arg10[%get3A_458, %get3A_459] {strides = array<i32>} : memref<20x112xf32, #tpu.memory_space<vmem>>, vector<1x16xf32>,
      %get3A_461 = vector.shape_cast %get3A_460 : vector<1x16xf32> to vector<16xf32>
      %get3A_462 = arith.constant 12 : i32
      %get3A_463 = arith.index_cast %get3A_462 : i32 to index
      %get3A_464 = arith.constant 0 : index
      %get3A_465 = tpu.vector_load %arg10[%get3A_463, %get3A_464] {strides = array<i32>} : memref<20x112xf32, #tpu.memory_space<vmem>>, vector<1x16xf32>,
      %get3A_466 = vector.shape_cast %get3A_465 : vector<1x16xf32> to vector<16xf32>
      %get3A_467 = arith.constant 13 : i32
      %get3A_468 = arith.index_cast %get3A_467 : i32 to index
      %get3A_469 = arith.constant 0 : index
      %get3A_470 = tpu.vector_load %arg10[%get3A_468, %get3A_469] {strides = array<i32>} : memref<20x112xf32, #tpu.memory_space<vmem>>, vector<1x16xf32>,
      %get3A_471 = vector.shape_cast %get3A_470 : vector<1x16xf32> to vector<16xf32>
      %get3A_472 = arith.constant 14 : i32
      %get3A_473 = arith.index_cast %get3A_472 : i32 to index
      %get3A_474 = arith.constant 0 : index
      %get3A_475 = tpu.vector_load %arg10[%get3A_473, %get3A_474] {strides = array<i32>} : memref<20x112xf32, #tpu.memory_space<vmem>>, vector<1x16xf32>,
      %get3A_476 = vector.shape_cast %get3A_475 : vector<1x16xf32> to vector<16xf32>
      %get3A_477 = arith.constant 15 : i32
      %get3A_478 = arith.index_cast %get3A_477 : i32 to index
      %get3A_479 = arith.constant 0 : index
      %get3A_480 = tpu.vector_load %arg10[%get3A_478, %get3A_479] {strides = array<i32>} : memref<20x112xf32, #tpu.memory_space<vmem>>, vector<1x16xf32>,
      %get3A_481 = vector.shape_cast %get3A_480 : vector<1x16xf32> to vector<16xf32>
      %get3A_482 = arith.constant 16 : i32
      %get3A_483 = arith.index_cast %get3A_482 : i32 to index
      %get3A_484 = arith.constant 0 : index
      %get3A_485 = tpu.vector_load %arg10[%get3A_483, %get3A_484] {strides = array<i32>} : memref<20x112xf32, #tpu.memory_space<vmem>>, vector<1x16xf32>,
      %get3A_486 = vector.shape_cast %get3A_485 : vector<1x16xf32> to vector<16xf32>
      %get3A_487 = arith.constant 17 : i32
      %get3A_488 = arith.index_cast %get3A_487 : i32 to index
      %get3A_489 = arith.constant 0 : index
      %get3A_490 = tpu.vector_load %arg10[%get3A_488, %get3A_489] {strides = array<i32>} : memref<20x112xf32, #tpu.memory_space<vmem>>, vector<1x16xf32>,
      %get3A_491 = vector.shape_cast %get3A_490 : vector<1x16xf32> to vector<16xf32>
      %get3A_492 = arith.constant 18 : i32
      %get3A_493 = arith.index_cast %get3A_492 : i32 to index
      %get3A_494 = arith.constant 0 : index
      %get3A_495 = tpu.vector_load %arg10[%get3A_493, %get3A_494] {strides = array<i32>} : memref<20x112xf32, #tpu.memory_space<vmem>>, vector<1x16xf32>,
      %get3A_496 = vector.shape_cast %get3A_495 : vector<1x16xf32> to vector<16xf32>
      %get3A_497 = arith.constant 19 : i32
      %get3A_498 = arith.index_cast %get3A_497 : i32 to index
      %get3A_499 = arith.constant 0 : index
      %get3A_500 = tpu.vector_load %arg10[%get3A_498, %get3A_499] {strides = array<i32>} : memref<20x112xf32, #tpu.memory_space<vmem>>, vector<1x16xf32>,
      %get3A_501 = vector.shape_cast %get3A_500 : vector<1x16xf32> to vector<16xf32>
      %get3A_502 = arith.constant 0 : i32
      %get3A_503 = arith.index_cast %get3A_502 : i32 to index
      %get3A_504 = arith.constant 0 : index
      %get3A_505 = tpu.vector_load %arg9[%get3A_503, %get3A_504] {strides = array<i32>} : memref<16x16xf32, #tpu.memory_space<vmem>>, vector<1x16xf32>,
      %get3A_506 = vector.shape_cast %get3A_505 : vector<1x16xf32> to vector<16xf32>
      %mul3A = arith.mulf %get3A_406, %get3A_506 : vector<16xf32>
      %get3A_507 = arith.constant 4 : i32
      %get3A_508 = arith.index_cast %get3A_507 : i32 to index
      %get3A_509 = arith.constant 0 : index
      %get3A_510 = tpu.vector_load %arg9[%get3A_508, %get3A_509] {strides = array<i32>} : memref<16x16xf32, #tpu.memory_space<vmem>>, vector<1x16xf32>,
      %get3A_511 = vector.shape_cast %get3A_510 : vector<1x16xf32> to vector<16xf32>
      %mul3A_512 = arith.mulf %get3A_411, %get3A_511 : vector<16xf32>
      %add3A = arith.addf %mul3A, %mul3A_512 : vector<16xf32>
      %get3A_513 = arith.constant 8 : i32
      %get3A_514 = arith.index_cast %get3A_513 : i32 to index
      %get3A_515 = arith.constant 0 : index
      %get3A_516 = tpu.vector_load %arg9[%get3A_514, %get3A_515] {strides = array<i32>} : memref<16x16xf32, #tpu.memory_space<vmem>>, vector<1x16xf32>,
      %get3A_517 = vector.shape_cast %get3A_516 : vector<1x16xf32> to vector<16xf32>
      %mul3A_518 = arith.mulf %get3A_416, %get3A_517 : vector<16xf32>
      %add3A_519 = arith.addf %add3A, %mul3A_518 : vector<16xf32>
      %get3A_520 = arith.constant 12 : i32
      %get3A_521 = arith.index_cast %get3A_520 : i32 to index
      %get3A_522 = arith.constant 0 : index
      %get3A_523 = tpu.vector_load %arg9[%get3A_521, %get3A_522] {strides = array<i32>} : memref<16x16xf32, #tpu.memory_space<vmem>>, vector<1x16xf32>,
      %get3A_524 = vector.shape_cast %get3A_523 : vector<1x16xf32> to vector<16xf32>
      %mul3A_525 = arith.mulf %get3A_421, %get3A_524 : vector<16xf32>
      %add3A_526 = arith.addf %add3A_519, %mul3A_525 : vector<16xf32>
      %get3A_527 = arith.constant 1 : i32
      %get3A_528 = arith.index_cast %get3A_527 : i32 to index
      %get3A_529 = arith.constant 0 : index
      %get3A_530 = tpu.vector_load %arg9[%get3A_528, %get3A_529] {strides = array<i32>} : memref<16x16xf32, #tpu.memory_space<vmem>>, vector<1x16xf32>,
      %get3A_531 = vector.shape_cast %get3A_530 : vector<1x16xf32> to vector<16xf32>
      %mul3A_532 = arith.mulf %get3A_406, %get3A_531 : vector<16xf32>
      %get3A_533 = arith.constant 5 : i32
      %get3A_534 = arith.index_cast %get3A_533 : i32 to index
      %get3A_535 = arith.constant 0 : index
      %get3A_536 = tpu.vector_load %arg9[%get3A_534, %get3A_535] {strides = array<i32>} : memref<16x16xf32, #tpu.memory_space<vmem>>, vector<1x16xf32>,
      %get3A_537 = vector.shape_cast %get3A_536 : vector<1x16xf32> to vector<16xf32>
      %mul3A_538 = arith.mulf %get3A_411, %get3A_537 : vector<16xf32>
      %add3A_539 = arith.addf %mul3A_532, %mul3A_538 : vector<16xf32>
      %get3A_540 = arith.constant 9 : i32
      %get3A_541 = arith.index_cast %get3A_540 : i32 to index
      %get3A_542 = arith.constant 0 : index
      %get3A_543 = tpu.vector_load %arg9[%get3A_541, %get3A_542] {strides = array<i32>} : memref<16x16xf32, #tpu.memory_space<vmem>>, vector<1x16xf32>,
      %get3A_544 = vector.shape_cast %get3A_543 : vector<1x16xf32> to vector<16xf32>
      %mul3A_545 = arith.mulf %get3A_416, %get3A_544 : vector<16xf32>
      %add3A_546 = arith.addf %add3A_539, %mul3A_545 : vector<16xf32>
      %get3A_547 = arith.constant 13 : i32
      %get3A_548 = arith.index_cast %get3A_547 : i32 to index
      %get3A_549 = arith.constant 0 : index
      %get3A_550 = tpu.vector_load %arg9[%get3A_548, %get3A_549] {strides = array<i32>} : memref<16x16xf32, #tpu.memory_space<vmem>>, vector<1x16xf32>,
      %get3A_551 = vector.shape_cast %get3A_550 : vector<1x16xf32> to vector<16xf32>
      %mul3A_552 = arith.mulf %get3A_421, %get3A_551 : vector<16xf32>
      %add3A_553 = arith.addf %add3A_546, %mul3A_552 : vector<16xf32>
      %get3A_554 = arith.constant 2 : i32
      %get3A_555 = arith.index_cast %get3A_554 : i32 to index
      %get3A_556 = arith.constant 0 : index
      %get3A_557 = tpu.vector_load %arg9[%get3A_555, %get3A_556] {strides = array<i32>} : memref<16x16xf32, #tpu.memory_space<vmem>>, vector<1x16xf32>,
      %get3A_558 = vector.shape_cast %get3A_557 : vector<1x16xf32> to vector<16xf32>
      %mul3A_559 = arith.mulf %get3A_406, %get3A_558 : vector<16xf32>
      %get3A_560 = arith.constant 6 : i32
      %get3A_561 = arith.index_cast %get3A_560 : i32 to index
      %get3A_562 = arith.constant 0 : index
      %get3A_563 = tpu.vector_load %arg9[%get3A_561, %get3A_562] {strides = array<i32>} : memref<16x16xf32, #tpu.memory_space<vmem>>, vector<1x16xf32>,
      %get3A_564 = vector.shape_cast %get3A_563 : vector<1x16xf32> to vector<16xf32>
      %mul3A_565 = arith.mulf %get3A_411, %get3A_564 : vector<16xf32>
      %add3A_566 = arith.addf %mul3A_559, %mul3A_565 : vector<16xf32>
      %get3A_567 = arith.constant 10 : i32
      %get3A_568 = arith.index_cast %get3A_567 : i32 to index
      %get3A_569 = arith.constant 0 : index
      %get3A_570 = tpu.vector_load %arg9[%get3A_568, %get3A_569] {strides = array<i32>} : memref<16x16xf32, #tpu.memory_space<vmem>>, vector<1x16xf32>,
      %get3A_571 = vector.shape_cast %get3A_570 : vector<1x16xf32> to vector<16xf32>
      %mul3A_572 = arith.mulf %get3A_416, %get3A_571 : vector<16xf32>
      %add3A_573 = arith.addf %add3A_566, %mul3A_572 : vector<16xf32>
      %get3A_574 = arith.constant 14 : i32
      %get3A_575 = arith.index_cast %get3A_574 : i32 to index
      %get3A_576 = arith.constant 0 : index
      %get3A_577 = tpu.vector_load %arg9[%get3A_575, %get3A_576] {strides = array<i32>} : memref<16x16xf32, #tpu.memory_space<vmem>>, vector<1x16xf32>,
      %get3A_578 = vector.shape_cast %get3A_577 : vector<1x16xf32> to vector<16xf32>
      %mul3A_579 = arith.mulf %get3A_421, %get3A_578 : vector<16xf32>
      %add3A_580 = arith.addf %add3A_573, %mul3A_579 : vector<16xf32>
      %get3A_581 = arith.constant 3 : i32
      %get3A_582 = arith.index_cast %get3A_581 : i32 to index
      %get3A_583 = arith.constant 0 : index
      %get3A_584 = tpu.vector_load %arg9[%get3A_582, %get3A_583] {strides = array<i32>} : memref<16x16xf32, #tpu.memory_space<vmem>>, vector<1x16xf32>,
      %get3A_585 = vector.shape_cast %get3A_584 : vector<1x16xf32> to vector<16xf32>
      %mul3A_586 = arith.mulf %get3A_406, %get3A_585 : vector<16xf32>
      %get3A_587 = arith.constant 7 : i32
      %get3A_588 = arith.index_cast %get3A_587 : i32 to index
      %get3A_589 = arith.constant 0 : index
      %get3A_590 = tpu.vector_load %arg9[%get3A_588, %get3A_589] {strides = array<i32>} : memref<16x16xf32, #tpu.memory_space<vmem>>, vector<1x16xf32>,
      %get3A_591 = vector.shape_cast %get3A_590 : vector<1x16xf32> to vector<16xf32>
      %mul3A_592 = arith.mulf %get3A_411, %get3A_591 : vector<16xf32>
      %add3A_593 = arith.addf %mul3A_586, %mul3A_592 : vector<16xf32>
      %get3A_594 = arith.constant 11 : i32
      %get3A_595 = arith.index_cast %get3A_594 : i32 to index
      %get3A_596 = arith.constant 0 : index
      %get3A_597 = tpu.vector_load %arg9[%get3A_595, %get3A_596] {strides = array<i32>} : memref<16x16xf32, #tpu.memory_space<vmem>>, vector<1x16xf32>,
      %get3A_598 = vector.shape_cast %get3A_597 : vector<1x16xf32> to vector<16xf32>
      %mul3A_599 = arith.mulf %get3A_416, %get3A_598 : vector<16xf32>
      %add3A_600 = arith.addf %add3A_593, %mul3A_599 : vector<16xf32>
      %get3A_601 = arith.constant 15 : i32
      %get3A_602 = arith.index_cast %get3A_601 : i32 to index
      %get3A_603 = arith.constant 0 : index
      %get3A_604 = tpu.vector_load %arg9[%get3A_602, %get3A_603] {strides = array<i32>} : memref<16x16xf32, #tpu.memory_space<vmem>>, vector<1x16xf32>,
      %get3A_605 = vector.shape_cast %get3A_604 : vector<1x16xf32> to vector<16xf32>
      %mul3A_606 = arith.mulf %get3A_421, %get3A_605 : vector<16xf32>
      %add3A_607 = arith.addf %add3A_600, %mul3A_606 : vector<16xf32>
      %get3A_608 = arith.constant 0 : index
      %get3A_609 = tpu.vector_load %arg8[%get3A_608] {strides = array<i32>} : memref<112xf32, #tpu.memory_space<vmem>>, vector<16xf32>,
      %get3A_610 = vector.shape_cast %get3A_609 : vector<16xf32> to vector<16xf32>
      %swap3A = arith.constant 0 : i32
      %swap3A_611 = arith.index_cast %swap3A : i32 to index
      %swap3A_612 = arith.constant 0 : index
      %swap3A_613 = tpu.vector_load %arg11[%swap3A_611, %swap3A_612] {strides = array<i32>} : memref<22x112xf32, #tpu.memory_space<vmem>>, vector<1x16xf32>,
      %swap3A_614 = vector.shape_cast %swap3A_613 : vector<1x16xf32> to vector<16xf32>
      %swap3A_615 = vector.shape_cast %get3A_610 : vector<16xf32> to vector<1x16xf32>
      tpu.vector_store %arg11[%swap3A_611, %swap3A_612], %swap3A_615 {strides = array<i32>} : memref<22x112xf32, #tpu.memory_space<vmem>>, vector<1x16xf32>,
      %swap3A_616 = arith.constant 1 : i32
      %swap3A_617 = arith.index_cast %swap3A_616 : i32 to index
      %swap3A_618 = arith.constant 0 : index
      %swap3A_619 = tpu.vector_load %arg11[%swap3A_617, %swap3A_618] {strides = array<i32>} : memref<22x112xf32, #tpu.memory_space<vmem>>, vector<1x16xf32>,
      %swap3A_620 = vector.shape_cast %swap3A_619 : vector<1x16xf32> to vector<16xf32>
      %swap3A_621 = vector.shape_cast %add3A_526 : vector<16xf32> to vector<1x16xf32>
      tpu.vector_store %arg11[%swap3A_617, %swap3A_618], %swap3A_621 {strides = array<i32>} : memref<22x112xf32, #tpu.memory_space<vmem>>, vector<1x16xf32>,
      %swap3A_622 = arith.constant 2 : i32
      %swap3A_623 = arith.index_cast %swap3A_622 : i32 to index
      %swap3A_624 = arith.constant 0 : index
      %swap3A_625 = tpu.vector_load %arg11[%swap3A_623, %swap3A_624] {strides = array<i32>} : memref<22x112xf32, #tpu.memory_space<vmem>>, vector<1x16xf32>,
      %swap3A_626 = vector.shape_cast %swap3A_625 : vector<1x16xf32> to vector<16xf32>
      %swap3A_627 = vector.shape_cast %add3A_553 : vector<16xf32> to vector<1x16xf32>
      tpu.vector_store %arg11[%swap3A_623, %swap3A_624], %swap3A_627 {strides = array<i32>} : memref<22x112xf32, #tpu.memory_space<vmem>>, vector<1x16xf32>,
      %swap3A_628 = arith.constant 3 : i32
      %swap3A_629 = arith.index_cast %swap3A_628 : i32 to index
      %swap3A_630 = arith.constant 0 : index
      %swap3A_631 = tpu.vector_load %arg11[%swap3A_629, %swap3A_630] {strides = array<i32>} : memref<22x112xf32, #tpu.memory_space<vmem>>, vector<1x16xf32>,
      %swap3A_632 = vector.shape_cast %swap3A_631 : vector<1x16xf32> to vector<16xf32>
      %swap3A_633 = vector.shape_cast %add3A_580 : vector<16xf32> to vector<1x16xf32>
      tpu.vector_store %arg11[%swap3A_629, %swap3A_630], %swap3A_633 {strides = array<i32>} : memref<22x112xf32, #tpu.memory_space<vmem>>, vector<1x16xf32>,
      %swap3A_634 = arith.constant 4 : i32
      %swap3A_635 = arith.index_cast %swap3A_634 : i32 to index
      %swap3A_636 = arith.constant 0 : index
      %swap3A_637 = tpu.vector_load %arg11[%swap3A_635, %swap3A_636] {strides = array<i32>} : memref<22x112xf32, #tpu.memory_space<vmem>>, vector<1x16xf32>,
      %swap3A_638 = vector.shape_cast %swap3A_637 : vector<1x16xf32> to vector<16xf32>
      %swap3A_639 = vector.shape_cast %add3A_607 : vector<16xf32> to vector<1x16xf32>
      tpu.vector_store %arg11[%swap3A_635, %swap3A_636], %swap3A_639 {strides = array<i32>} : memref<22x112xf32, #tpu.memory_space<vmem>>, vector<1x16xf32>,
      %swap3A_640 = arith.constant 5 : i32
      %swap3A_641 = arith.index_cast %swap3A_640 : i32 to index
      %swap3A_642 = arith.constant 0 : index
      %swap3A_643 = tpu.vector_load %arg11[%swap3A_641, %swap3A_642] {strides = array<i32>} : memref<22x112xf32, #tpu.memory_space<vmem>>, vector<1x16xf32>,
      %swap3A_644 = vector.shape_cast %swap3A_643 : vector<1x16xf32> to vector<16xf32>
      %swap3A_645 = vector.shape_cast %broadcast_in_dim3A_402 : vector<16xf32> to vector<1x16xf32>
      tpu.vector_store %arg11[%swap3A_641, %swap3A_642], %swap3A_645 {strides = array<i32>} : memref<22x112xf32, #tpu.memory_space<vmem>>, vector<1x16xf32>,
      %swap3A_646 = arith.constant 6 : i32
      %swap3A_647 = arith.index_cast %swap3A_646 : i32 to index
      %swap3A_648 = arith.constant 0 : index
      %swap3A_649 = tpu.vector_load %arg11[%swap3A_647, %swap3A_648] {strides = array<i32>} : memref<22x112xf32, #tpu.memory_space<vmem>>, vector<1x16xf32>,
      %swap3A_650 = vector.shape_cast %swap3A_649 : vector<1x16xf32> to vector<16xf32>
      %swap3A_651 = vector.shape_cast %get3A_426 : vector<16xf32> to vector<1x16xf32>
      tpu.vector_store %arg11[%swap3A_647, %swap3A_648], %swap3A_651 {strides = array<i32>} : memref<22x112xf32, #tpu.memory_space<vmem>>, vector<1x16xf32>,
      %swap3A_652 = arith.constant 7 : i32
      %swap3A_653 = arith.index_cast %swap3A_652 : i32 to index
      %swap3A_654 = arith.constant 0 : index
      %swap3A_655 = tpu.vector_load %arg11[%swap3A_653, %swap3A_654] {strides = array<i32>} : memref<22x112xf32, #tpu.memory_space<vmem>>, vector<1x16xf32>,
      %swap3A_656 = vector.shape_cast %swap3A_655 : vector<1x16xf32> to vector<16xf32>
      %swap3A_657 = vector.shape_cast %get3A_431 : vector<16xf32> to vector<1x16xf32>
      tpu.vector_store %arg11[%swap3A_653, %swap3A_654], %swap3A_657 {strides = array<i32>} : memref<22x112xf32, #tpu.memory_space<vmem>>, vector<1x16xf32>,
      %swap3A_658 = arith.constant 8 : i32
      %swap3A_659 = arith.index_cast %swap3A_658 : i32 to index
      %swap3A_660 = arith.constant 0 : index
      %swap3A_661 = tpu.vector_load %arg11[%swap3A_659, %swap3A_660] {strides = array<i32>} : memref<22x112xf32, #tpu.memory_space<vmem>>, vector<1x16xf32>,
      %swap3A_662 = vector.shape_cast %swap3A_661 : vector<1x16xf32> to vector<16xf32>
      %swap3A_663 = vector.shape_cast %get3A_436 : vector<16xf32> to vector<1x16xf32>
      tpu.vector_store %arg11[%swap3A_659, %swap3A_660], %swap3A_663 {strides = array<i32>} : memref<22x112xf32, #tpu.memory_space<vmem>>, vector<1x16xf32>,
      %swap3A_664 = arith.constant 9 : i32
      %swap3A_665 = arith.index_cast %swap3A_664 : i32 to index
      %swap3A_666 = arith.constant 0 : index
      %swap3A_667 = tpu.vector_load %arg11[%swap3A_665, %swap3A_666] {strides = array<i32>} : memref<22x112xf32, #tpu.memory_space<vmem>>, vector<1x16xf32>,
      %swap3A_668 = vector.shape_cast %swap3A_667 : vector<1x16xf32> to vector<16xf32>
      %swap3A_669 = vector.shape_cast %get3A_446 : vector<16xf32> to vector<1x16xf32>
      tpu.vector_store %arg11[%swap3A_665, %swap3A_666], %swap3A_669 {strides = array<i32>} : memref<22x112xf32, #tpu.memory_space<vmem>>, vector<1x16xf32>,
      %swap3A_670 = arith.constant 10 : i32
      %swap3A_671 = arith.index_cast %swap3A_670 : i32 to index
      %swap3A_672 = arith.constant 0 : index
      %swap3A_673 = tpu.vector_load %arg11[%swap3A_671, %swap3A_672] {strides = array<i32>} : memref<22x112xf32, #tpu.memory_space<vmem>>, vector<1x16xf32>,
      %swap3A_674 = vector.shape_cast %swap3A_673 : vector<1x16xf32> to vector<16xf32>
      %swap3A_675 = vector.shape_cast %get3A_451 : vector<16xf32> to vector<1x16xf32>
      tpu.vector_store %arg11[%swap3A_671, %swap3A_672], %swap3A_675 {strides = array<i32>} : memref<22x112xf32, #tpu.memory_space<vmem>>, vector<1x16xf32>,
      %swap3A_676 = arith.constant 11 : i32
      %swap3A_677 = arith.index_cast %swap3A_676 : i32 to index
      %swap3A_678 = arith.constant 0 : index
      %swap3A_679 = tpu.vector_load %arg11[%swap3A_677, %swap3A_678] {strides = array<i32>} : memref<22x112xf32, #tpu.memory_space<vmem>>, vector<1x16xf32>,
      %swap3A_680 = vector.shape_cast %swap3A_679 : vector<1x16xf32> to vector<16xf32>
      %swap3A_681 = vector.shape_cast %get3A_461 : vector<16xf32> to vector<1x16xf32>
      tpu.vector_store %arg11[%swap3A_677, %swap3A_678], %swap3A_681 {strides = array<i32>} : memref<22x112xf32, #tpu.memory_space<vmem>>, vector<1x16xf32>,
      %swap3A_682 = arith.constant 12 : i32
      %swap3A_683 = arith.index_cast %swap3A_682 : i32 to index
      %swap3A_684 = arith.constant 0 : index
      %swap3A_685 = tpu.vector_load %arg11[%swap3A_683, %swap3A_684] {strides = array<i32>} : memref<22x112xf32, #tpu.memory_space<vmem>>, vector<1x16xf32>,
      %swap3A_686 = vector.shape_cast %swap3A_685 : vector<1x16xf32> to vector<16xf32>
      %swap3A_687 = vector.shape_cast %get3A_466 : vector<16xf32> to vector<1x16xf32>
      tpu.vector_store %arg11[%swap3A_683, %swap3A_684], %swap3A_687 {strides = array<i32>} : memref<22x112xf32, #tpu.memory_space<vmem>>, vector<1x16xf32>,
      %swap3A_688 = arith.constant 13 : i32
      %swap3A_689 = arith.index_cast %swap3A_688 : i32 to index
      %swap3A_690 = arith.constant 0 : index
      %swap3A_691 = tpu.vector_load %arg11[%swap3A_689, %swap3A_690] {strides = array<i32>} : memref<22x112xf32, #tpu.memory_space<vmem>>, vector<1x16xf32>,
      %swap3A_692 = vector.shape_cast %swap3A_691 : vector<1x16xf32> to vector<16xf32>
      %swap3A_693 = vector.shape_cast %get3A_476 : vector<16xf32> to vector<1x16xf32>
      tpu.vector_store %arg11[%swap3A_689, %swap3A_690], %swap3A_693 {strides = array<i32>} : memref<22x112xf32, #tpu.memory_space<vmem>>, vector<1x16xf32>,
      %swap3A_694 = arith.constant 14 : i32
      %swap3A_695 = arith.index_cast %swap3A_694 : i32 to index
      %swap3A_696 = arith.constant 0 : index
      %swap3A_697 = tpu.vector_load %arg11[%swap3A_695, %swap3A_696] {strides = array<i32>} : memref<22x112xf32, #tpu.memory_space<vmem>>, vector<1x16xf32>,
      %swap3A_698 = vector.shape_cast %swap3A_697 : vector<1x16xf32> to vector<16xf32>
      %swap3A_699 = vector.shape_cast %get3A_481 : vector<16xf32> to vector<1x16xf32>
      tpu.vector_store %arg11[%swap3A_695, %swap3A_696], %swap3A_699 {strides = array<i32>} : memref<22x112xf32, #tpu.memory_space<vmem>>, vector<1x16xf32>,
      %swap3A_700 = arith.constant 15 : i32
      %swap3A_701 = arith.index_cast %swap3A_700 : i32 to index
      %swap3A_702 = arith.constant 0 : index
      %swap3A_703 = tpu.vector_load %arg11[%swap3A_701, %swap3A_702] {strides = array<i32>} : memref<22x112xf32, #tpu.memory_space<vmem>>, vector<1x16xf32>,
      %swap3A_704 = vector.shape_cast %swap3A_703 : vector<1x16xf32> to vector<16xf32>
      %swap3A_705 = vector.shape_cast %get3A_491 : vector<16xf32> to vector<1x16xf32>
      tpu.vector_store %arg11[%swap3A_701, %swap3A_702], %swap3A_705 {strides = array<i32>} : memref<22x112xf32, #tpu.memory_space<vmem>>, vector<1x16xf32>,
      %swap3A_706 = arith.constant 16 : i32
      %swap3A_707 = arith.index_cast %swap3A_706 : i32 to index
      %swap3A_708 = arith.constant 0 : index
      %swap3A_709 = tpu.vector_load %arg11[%swap3A_707, %swap3A_708] {strides = array<i32>} : memref<22x112xf32, #tpu.memory_space<vmem>>, vector<1x16xf32>,
      %swap3A_710 = vector.shape_cast %swap3A_709 : vector<1x16xf32> to vector<16xf32>
      %swap3A_711 = vector.shape_cast %get3A_496 : vector<16xf32> to vector<1x16xf32>
      tpu.vector_store %arg11[%swap3A_707, %swap3A_708], %swap3A_711 {strides = array<i32>} : memref<22x112xf32, #tpu.memory_space<vmem>>, vector<1x16xf32>,
      %swap3A_712 = arith.constant 17 : i32
      %swap3A_713 = arith.index_cast %swap3A_712 : i32 to index
      %swap3A_714 = arith.constant 0 : index
      %swap3A_715 = tpu.vector_load %arg11[%swap3A_713, %swap3A_714] {strides = array<i32>} : memref<22x112xf32, #tpu.memory_space<vmem>>, vector<1x16xf32>,
      %swap3A_716 = vector.shape_cast %swap3A_715 : vector<1x16xf32> to vector<16xf32>
      %swap3A_717 = vector.shape_cast %get3A_441 : vector<16xf32> to vector<1x16xf32>
      tpu.vector_store %arg11[%swap3A_713, %swap3A_714], %swap3A_717 {strides = array<i32>} : memref<22x112xf32, #tpu.memory_space<vmem>>, vector<1x16xf32>,
      %swap3A_718 = arith.constant 18 : i32
      %swap3A_719 = arith.index_cast %swap3A_718 : i32 to index
      %swap3A_720 = arith.constant 0 : index
      %swap3A_721 = tpu.vector_load %arg11[%swap3A_719, %swap3A_720] {strides = array<i32>} : memref<22x112xf32, #tpu.memory_space<vmem>>, vector<1x16xf32>,
      %swap3A_722 = vector.shape_cast %swap3A_721 : vector<1x16xf32> to vector<16xf32>
      %swap3A_723 = vector.shape_cast %get3A_456 : vector<16xf32> to vector<1x16xf32>
      tpu.vector_store %arg11[%swap3A_719, %swap3A_720], %swap3A_723 {strides = array<i32>} : memref<22x112xf32, #tpu.memory_space<vmem>>, vector<1x16xf32>,
      %swap3A_724 = arith.constant 19 : i32
      %swap3A_725 = arith.index_cast %swap3A_724 : i32 to index
      %swap3A_726 = arith.constant 0 : index
      %swap3A_727 = tpu.vector_load %arg11[%swap3A_725, %swap3A_726] {strides = array<i32>} : memref<22x112xf32, #tpu.memory_space<vmem>>, vector<1x16xf32>,
      %swap3A_728 = vector.shape_cast %swap3A_727 : vector<1x16xf32> to vector<16xf32>
      %swap3A_729 = vector.shape_cast %get3A_471 : vector<16xf32> to vector<1x16xf32>
      tpu.vector_store %arg11[%swap3A_725, %swap3A_726], %swap3A_729 {strides = array<i32>} : memref<22x112xf32, #tpu.memory_space<vmem>>, vector<1x16xf32>,
      %swap3A_730 = arith.constant 20 : i32
      %swap3A_731 = arith.index_cast %swap3A_730 : i32 to index
      %swap3A_732 = arith.constant 0 : index
      %swap3A_733 = tpu.vector_load %arg11[%swap3A_731, %swap3A_732] {strides = array<i32>} : memref<22x112xf32, #tpu.memory_space<vmem>>, vector<1x16xf32>,
      %swap3A_734 = vector.shape_cast %swap3A_733 : vector<1x16xf32> to vector<16xf32>
      %swap3A_735 = vector.shape_cast %get3A_486 : vector<16xf32> to vector<1x16xf32>
      tpu.vector_store %arg11[%swap3A_731, %swap3A_732], %swap3A_735 {strides = array<i32>} : memref<22x112xf32, #tpu.memory_space<vmem>>, vector<1x16xf32>,
      %swap3A_736 = arith.constant 21 : i32
      %swap3A_737 = arith.index_cast %swap3A_736 : i32 to index
      %swap3A_738 = arith.constant 0 : index
      %swap3A_739 = tpu.vector_load %arg11[%swap3A_737, %swap3A_738] {strides = array<i32>} : memref<22x112xf32, #tpu.memory_space<vmem>>, vector<1x16xf32>,
      %swap3A_740 = vector.shape_cast %swap3A_739 : vector<1x16xf32> to vector<16xf32>
      %swap3A_741 = vector.shape_cast %get3A_501 : vector<16xf32> to vector<1x16xf32>
      tpu.vector_store %arg11[%swap3A_737, %swap3A_738], %swap3A_741 {strides = array<i32>} : memref<22x112xf32, #tpu.memory_space<vmem>>, vector<1x16xf32>,
      %get3A_742 = arith.constant 0 : i32
      %get3A_743 = arith.index_cast %get3A_742 : i32 to index
      %get3A_744 = arith.constant 16 : index
      %get3A_745 = tpu.vector_load %arg10[%get3A_743, %get3A_744] {strides = array<i32>} : memref<20x112xf32, #tpu.memory_space<vmem>>, vector<1x16xf32>,
      %get3A_746 = vector.shape_cast %get3A_745 : vector<1x16xf32> to vector<16xf32>
      %get3A_747 = arith.constant 1 : i32
      %get3A_748 = arith.index_cast %get3A_747 : i32 to index
      %get3A_749 = arith.constant 16 : index
      %get3A_750 = tpu.vector_load %arg10[%get3A_748, %get3A_749] {strides = array<i32>} : memref<20x112xf32, #tpu.memory_space<vmem>>, vector<1x16xf32>,
      %get3A_751 = vector.shape_cast %get3A_750 : vector<1x16xf32> to vector<16xf32>
      %get3A_752 = arith.constant 2 : i32
      %get3A_753 = arith.index_cast %get3A_752 : i32 to index
      %get3A_754 = arith.constant 16 : index
      %get3A_755 = tpu.vector_load %arg10[%get3A_753, %get3A_754] {strides = array<i32>} : memref<20x112xf32, #tpu.memory_space<vmem>>, vector<1x16xf32>,
      %get3A_756 = vector.shape_cast %get3A_755 : vector<1x16xf32> to vector<16xf32>
      %get3A_757 = arith.constant 3 : i32
      %get3A_758 = arith.index_cast %get3A_757 : i32 to index
      %get3A_759 = arith.constant 16 : index
      %get3A_760 = tpu.vector_load %arg10[%get3A_758, %get3A_759] {strides = array<i32>} : memref<20x112xf32, #tpu.memory_space<vmem>>, vector<1x16xf32>,
      %get3A_761 = vector.shape_cast %get3A_760 : vector<1x16xf32> to vector<16xf32>
      %get3A_762 = arith.constant 4 : i32
      %get3A_763 = arith.index_cast %get3A_762 : i32 to index
      %get3A_764 = arith.constant 16 : index
      %get3A_765 = tpu.vector_load %arg10[%get3A_763, %get3A_764] {strides = array<i32>} : memref<20x112xf32, #tpu.memory_space<vmem>>, vector<1x16xf32>,
      %get3A_766 = vector.shape_cast %get3A_765 : vector<1x16xf32> to vector<16xf32>
      %get3A_767 = arith.constant 5 : i32
      %get3A_768 = arith.index_cast %get3A_767 : i32 to index
      %get3A_769 = arith.constant 16 : index
      %get3A_770 = tpu.vector_load %arg10[%get3A_768, %get3A_769] {strides = array<i32>} : memref<20x112xf32, #tpu.memory_space<vmem>>, vector<1x16xf32>,
      %get3A_771 = vector.shape_cast %get3A_770 : vector<1x16xf32> to vector<16xf32>
      %get3A_772 = arith.constant 6 : i32
      %get3A_773 = arith.index_cast %get3A_772 : i32 to index
      %get3A_774 = arith.constant 16 : index
      %get3A_775 = tpu.vector_load %arg10[%get3A_773, %get3A_774] {strides = array<i32>} : memref<20x112xf32, #tpu.memory_space<vmem>>, vector<1x16xf32>,
      %get3A_776 = vector.shape_cast %get3A_775 : vector<1x16xf32> to vector<16xf32>
      %get3A_777 = arith.constant 7 : i32
      %get3A_778 = arith.index_cast %get3A_777 : i32 to index
      %get3A_779 = arith.constant 16 : index
      %get3A_780 = tpu.vector_load %arg10[%get3A_778, %get3A_779] {strides = array<i32>} : memref<20x112xf32, #tpu.memory_space<vmem>>, vector<1x16xf32>,
      %get3A_781 = vector.shape_cast %get3A_780 : vector<1x16xf32> to vector<16xf32>
      %get3A_782 = arith.constant 8 : i32
      %get3A_783 = arith.index_cast %get3A_782 : i32 to index
      %get3A_784 = arith.constant 16 : index
      %get3A_785 = tpu.vector_load %arg10[%get3A_783, %get3A_784] {strides = array<i32>} : memref<20x112xf32, #tpu.memory_space<vmem>>, vector<1x16xf32>,
      %get3A_786 = vector.shape_cast %get3A_785 : vector<1x16xf32> to vector<16xf32>
      %get3A_787 = arith.constant 9 : i32
      %get3A_788 = arith.index_cast %get3A_787 : i32 to index
      %get3A_789 = arith.constant 16 : index
      %get3A_790 = tpu.vector_load %arg10[%get3A_788, %get3A_789] {strides = array<i32>} : memref<20x112xf32, #tpu.memory_space<vmem>>, vector<1x16xf32>,
      %get3A_791 = vector.shape_cast %get3A_790 : vector<1x16xf32> to vector<16xf32>
      %get3A_792 = arith.constant 10 : i32
      %get3A_793 = arith.index_cast %get3A_792 : i32 to index
      %get3A_794 = arith.constant 16 : index
      %get3A_795 = tpu.vector_load %arg10[%get3A_793, %get3A_794] {strides = array<i32>} : memref<20x112xf32, #tpu.memory_space<vmem>>, vector<1x16xf32>,
      %get3A_796 = vector.shape_cast %get3A_795 : vector<1x16xf32> to vector<16xf32>
      %get3A_797 = arith.constant 11 : i32
      %get3A_798 = arith.index_cast %get3A_797 : i32 to index
      %get3A_799 = arith.constant 16 : index
      %get3A_800 = tpu.vector_load %arg10[%get3A_798, %get3A_799] {strides = array<i32>} : memref<20x112xf32, #tpu.memory_space<vmem>>, vector<1x16xf32>,
      %get3A_801 = vector.shape_cast %get3A_800 : vector<1x16xf32> to vector<16xf32>
      %get3A_802 = arith.constant 12 : i32
      %get3A_803 = arith.index_cast %get3A_802 : i32 to index
      %get3A_804 = arith.constant 16 : index
      %get3A_805 = tpu.vector_load %arg10[%get3A_803, %get3A_804] {strides = array<i32>} : memref<20x112xf32, #tpu.memory_space<vmem>>, vector<1x16xf32>,
      %get3A_806 = vector.shape_cast %get3A_805 : vector<1x16xf32> to vector<16xf32>
      %get3A_807 = arith.constant 13 : i32
      %get3A_808 = arith.index_cast %get3A_807 : i32 to index
      %get3A_809 = arith.constant 16 : index
      %get3A_810 = tpu.vector_load %arg10[%get3A_808, %get3A_809] {strides = array<i32>} : memref<20x112xf32, #tpu.memory_space<vmem>>, vector<1x16xf32>,
      %get3A_811 = vector.shape_cast %get3A_810 : vector<1x16xf32> to vector<16xf32>
      %get3A_812 = arith.constant 14 : i32
      %get3A_813 = arith.index_cast %get3A_812 : i32 to index
      %get3A_814 = arith.constant 16 : index
      %get3A_815 = tpu.vector_load %arg10[%get3A_813, %get3A_814] {strides = array<i32>} : memref<20x112xf32, #tpu.memory_space<vmem>>, vector<1x16xf32>,
      %get3A_816 = vector.shape_cast %get3A_815 : vector<1x16xf32> to vector<16xf32>
      %get3A_817 = arith.constant 15 : i32
      %get3A_818 = arith.index_cast %get3A_817 : i32 to index
      %get3A_819 = arith.constant 16 : index
      %get3A_820 = tpu.vector_load %arg10[%get3A_818, %get3A_819] {strides = array<i32>} : memref<20x112xf32, #tpu.memory_space<vmem>>, vector<1x16xf32>,
      %get3A_821 = vector.shape_cast %get3A_820 : vector<1x16xf32> to vector<16xf32>
      %get3A_822 = arith.constant 16 : i32
      %get3A_823 = arith.index_cast %get3A_822 : i32 to index
      %get3A_824 = arith.constant 16 : index
      %get3A_825 = tpu.vector_load %arg10[%get3A_823, %get3A_824] {strides = array<i32>} : memref<20x112xf32, #tpu.memory_space<vmem>>, vector<1x16xf32>,
      %get3A_826 = vector.shape_cast %get3A_825 : vector<1x16xf32> to vector<16xf32>
      %get3A_827 = arith.constant 17 : i32
      %get3A_828 = arith.index_cast %get3A_827 : i32 to index
      %get3A_829 = arith.constant 16 : index
      %get3A_830 = tpu.vector_load %arg10[%get3A_828, %get3A_829] {strides = array<i32>} : memref<20x112xf32, #tpu.memory_space<vmem>>, vector<1x16xf32>,
      %get3A_831 = vector.shape_cast %get3A_830 : vector<1x16xf32> to vector<16xf32>
      %get3A_832 = arith.constant 18 : i32
      %get3A_833 = arith.index_cast %get3A_832 : i32 to index
      %get3A_834 = arith.constant 16 : index
      %get3A_835 = tpu.vector_load %arg10[%get3A_833, %get3A_834] {strides = array<i32>} : memref<20x112xf32, #tpu.memory_space<vmem>>, vector<1x16xf32>,
      %get3A_836 = vector.shape_cast %get3A_835 : vector<1x16xf32> to vector<16xf32>
      %get3A_837 = arith.constant 19 : i32
      %get3A_838 = arith.index_cast %get3A_837 : i32 to index
      %get3A_839 = arith.constant 16 : index
      %get3A_840 = tpu.vector_load %arg10[%get3A_838, %get3A_839] {strides = array<i32>} : memref<20x112xf32, #tpu.memory_space<vmem>>, vector<1x16xf32>,
      %get3A_841 = vector.shape_cast %get3A_840 : vector<1x16xf32> to vector<16xf32>
      %get3A_842 = arith.constant 0 : i32
      %get3A_843 = arith.index_cast %get3A_842 : i32 to index
      %get3A_844 = arith.constant 0 : index
      %get3A_845 = tpu.vector_load %arg9[%get3A_843, %get3A_844] {strides = array<i32>} : memref<16x16xf32, #tpu.memory_space<vmem>>, vector<1x16xf32>,
      %get3A_846 = vector.shape_cast %get3A_845 : vector<1x16xf32> to vector<16xf32>
      %mul3A_847 = arith.mulf %get3A_746, %get3A_846 : vector<16xf32>
      %get3A_848 = arith.constant 4 : i32
      %get3A_849 = arith.index_cast %get3A_848 : i32 to index
      %get3A_850 = arith.constant 0 : index
      %get3A_851 = tpu.vector_load %arg9[%get3A_849, %get3A_850] {strides = array<i32>} : memref<16x16xf32, #tpu.memory_space<vmem>>, vector<1x16xf32>,
      %get3A_852 = vector.shape_cast %get3A_851 : vector<1x16xf32> to vector<16xf32>
      %mul3A_853 = arith.mulf %get3A_751, %get3A_852 : vector<16xf32>
      %add3A_854 = arith.addf %mul3A_847, %mul3A_853 : vector<16xf32>
      %get3A_855 = arith.constant 8 : i32
      %get3A_856 = arith.index_cast %get3A_855 : i32 to index
      %get3A_857 = arith.constant 0 : index
      %get3A_858 = tpu.vector_load %arg9[%get3A_856, %get3A_857] {strides = array<i32>} : memref<16x16xf32, #tpu.memory_space<vmem>>, vector<1x16xf32>,
      %get3A_859 = vector.shape_cast %get3A_858 : vector<1x16xf32> to vector<16xf32>
      %mul3A_860 = arith.mulf %get3A_756, %get3A_859 : vector<16xf32>
      %add3A_861 = arith.addf %add3A_854, %mul3A_860 : vector<16xf32>
      %get3A_862 = arith.constant 12 : i32
      %get3A_863 = arith.index_cast %get3A_862 : i32 to index
      %get3A_864 = arith.constant 0 : index
      %get3A_865 = tpu.vector_load %arg9[%get3A_863, %get3A_864] {strides = array<i32>} : memref<16x16xf32, #tpu.memory_space<vmem>>, vector<1x16xf32>,
      %get3A_866 = vector.shape_cast %get3A_865 : vector<1x16xf32> to vector<16xf32>
      %mul3A_867 = arith.mulf %get3A_761, %get3A_866 : vector<16xf32>
      %add3A_868 = arith.addf %add3A_861, %mul3A_867 : vector<16xf32>
      %get3A_869 = arith.constant 1 : i32
      %get3A_870 = arith.index_cast %get3A_869 : i32 to index
      %get3A_871 = arith.constant 0 : index
      %get3A_872 = tpu.vector_load %arg9[%get3A_870, %get3A_871] {strides = array<i32>} : memref<16x16xf32, #tpu.memory_space<vmem>>, vector<1x16xf32>,
      %get3A_873 = vector.shape_cast %get3A_872 : vector<1x16xf32> to vector<16xf32>
      %mul3A_874 = arith.mulf %get3A_746, %get3A_873 : vector<16xf32>
      %get3A_875 = arith.constant 5 : i32
      %get3A_876 = arith.index_cast %get3A_875 : i32 to index
      %get3A_877 = arith.constant 0 : index
      %get3A_878 = tpu.vector_load %arg9[%get3A_876, %get3A_877] {strides = array<i32>} : memref<16x16xf32, #tpu.memory_space<vmem>>, vector<1x16xf32>,
      %get3A_879 = vector.shape_cast %get3A_878 : vector<1x16xf32> to vector<16xf32>
      %mul3A_880 = arith.mulf %get3A_751, %get3A_879 : vector<16xf32>
      %add3A_881 = arith.addf %mul3A_874, %mul3A_880 : vector<16xf32>
      %get3A_882 = arith.constant 9 : i32
      %get3A_883 = arith.index_cast %get3A_882 : i32 to index
      %get3A_884 = arith.constant 0 : index
      %get3A_885 = tpu.vector_load %arg9[%get3A_883, %get3A_884] {strides = array<i32>} : memref<16x16xf32, #tpu.memory_space<vmem>>, vector<1x16xf32>,
      %get3A_886 = vector.shape_cast %get3A_885 : vector<1x16xf32> to vector<16xf32>
      %mul3A_887 = arith.mulf %get3A_756, %get3A_886 : vector<16xf32>
      %add3A_888 = arith.addf %add3A_881, %mul3A_887 : vector<16xf32>
      %get3A_889 = arith.constant 13 : i32
      %get3A_890 = arith.index_cast %get3A_889 : i32 to index
      %get3A_891 = arith.constant 0 : index
      %get3A_892 = tpu.vector_load %arg9[%get3A_890, %get3A_891] {strides = array<i32>} : memref<16x16xf32, #tpu.memory_space<vmem>>, vector<1x16xf32>,
      %get3A_893 = vector.shape_cast %get3A_892 : vector<1x16xf32> to vector<16xf32>
      %mul3A_894 = arith.mulf %get3A_761, %get3A_893 : vector<16xf32>
      %add3A_895 = arith.addf %add3A_888, %mul3A_894 : vector<16xf32>
      %get3A_896 = arith.constant 2 : i32
      %get3A_897 = arith.index_cast %get3A_896 : i32 to index
      %get3A_898 = arith.constant 0 : index
      %get3A_899 = tpu.vector_load %arg9[%get3A_897, %get3A_898] {strides = array<i32>} : memref<16x16xf32, #tpu.memory_space<vmem>>, vector<1x16xf32>,
      %get3A_900 = vector.shape_cast %get3A_899 : vector<1x16xf32> to vector<16xf32>
      %mul3A_901 = arith.mulf %get3A_746, %get3A_900 : vector<16xf32>
      %get3A_902 = arith.constant 6 : i32
      %get3A_903 = arith.index_cast %get3A_902 : i32 to index
      %get3A_904 = arith.constant 0 : index
      %get3A_905 = tpu.vector_load %arg9[%get3A_903, %get3A_904] {strides = array<i32>} : memref<16x16xf32, #tpu.memory_space<vmem>>, vector<1x16xf32>,
      %get3A_906 = vector.shape_cast %get3A_905 : vector<1x16xf32> to vector<16xf32>
      %mul3A_907 = arith.mulf %get3A_751, %get3A_906 : vector<16xf32>
      %add3A_908 = arith.addf %mul3A_901, %mul3A_907 : vector<16xf32>
      %get3A_909 = arith.constant 10 : i32
      %get3A_910 = arith.index_cast %get3A_909 : i32 to index
      %get3A_911 = arith.constant 0 : index
      %get3A_912 = tpu.vector_load %arg9[%get3A_910, %get3A_911] {strides = array<i32>} : memref<16x16xf32, #tpu.memory_space<vmem>>, vector<1x16xf32>,
      %get3A_913 = vector.shape_cast %get3A_912 : vector<1x16xf32> to vector<16xf32>
      %mul3A_914 = arith.mulf %get3A_756, %get3A_913 : vector<16xf32>
      %add3A_915 = arith.addf %add3A_908, %mul3A_914 : vector<16xf32>
      %get3A_916 = arith.constant 14 : i32
      %get3A_917 = arith.index_cast %get3A_916 : i32 to index
      %get3A_918 = arith.constant 0 : index
      %get3A_919 = tpu.vector_load %arg9[%get3A_917, %get3A_918] {strides = array<i32>} : memref<16x16xf32, #tpu.memory_space<vmem>>, vector<1x16xf32>,
      %get3A_920 = vector.shape_cast %get3A_919 : vector<1x16xf32> to vector<16xf32>
      %mul3A_921 = arith.mulf %get3A_761, %get3A_920 : vector<16xf32>
      %add3A_922 = arith.addf %add3A_915, %mul3A_921 : vector<16xf32>
      %get3A_923 = arith.constant 3 : i32
      %get3A_924 = arith.index_cast %get3A_923 : i32 to index
      %get3A_925 = arith.constant 0 : index
      %get3A_926 = tpu.vector_load %arg9[%get3A_924, %get3A_925] {strides = array<i32>} : memref<16x16xf32, #tpu.memory_space<vmem>>, vector<1x16xf32>,
      %get3A_927 = vector.shape_cast %get3A_926 : vector<1x16xf32> to vector<16xf32>
      %mul3A_928 = arith.mulf %get3A_746, %get3A_927 : vector<16xf32>
      %get3A_929 = arith.constant 7 : i32
      %get3A_930 = arith.index_cast %get3A_929 : i32 to index
      %get3A_931 = arith.constant 0 : index
      %get3A_932 = tpu.vector_load %arg9[%get3A_930, %get3A_931] {strides = array<i32>} : memref<16x16xf32, #tpu.memory_space<vmem>>, vector<1x16xf32>,
      %get3A_933 = vector.shape_cast %get3A_932 : vector<1x16xf32> to vector<16xf32>
      %mul3A_934 = arith.mulf %get3A_751, %get3A_933 : vector<16xf32>
      %add3A_935 = arith.addf %mul3A_928, %mul3A_934 : vector<16xf32>
      %get3A_936 = arith.constant 11 : i32
      %get3A_937 = arith.index_cast %get3A_936 : i32 to index
      %get3A_938 = arith.constant 0 : index
      %get3A_939 = tpu.vector_load %arg9[%get3A_937, %get3A_938] {strides = array<i32>} : memref<16x16xf32, #tpu.memory_space<vmem>>, vector<1x16xf32>,
      %get3A_940 = vector.shape_cast %get3A_939 : vector<1x16xf32> to vector<16xf32>
      %mul3A_941 = arith.mulf %get3A_756, %get3A_940 : vector<16xf32>
      %add3A_942 = arith.addf %add3A_935, %mul3A_941 : vector<16xf32>
      %get3A_943 = arith.constant 15 : i32
      %get3A_944 = arith.index_cast %get3A_943 : i32 to index
      %get3A_945 = arith.constant 0 : index
      %get3A_946 = tpu.vector_load %arg9[%get3A_944, %get3A_945] {strides = array<i32>} : memref<16x16xf32, #tpu.memory_space<vmem>>, vector<1x16xf32>,
      %get3A_947 = vector.shape_cast %get3A_946 : vector<1x16xf32> to vector<16xf32>
      %mul3A_948 = arith.mulf %get3A_761, %get3A_947 : vector<16xf32>
      %add3A_949 = arith.addf %add3A_942, %mul3A_948 : vector<16xf32>
      %get3A_950 = arith.constant 16 : index
      %get3A_951 = tpu.vector_load %arg8[%get3A_950] {strides = array<i32>} : memref<112xf32, #tpu.memory_space<vmem>>, vector<16xf32>,
      %get3A_952 = vector.shape_cast %get3A_951 : vector<16xf32> to vector<16xf32>
      %swap3A_953 = arith.constant 0 : i32
      %swap3A_954 = arith.index_cast %swap3A_953 : i32 to index
      %swap3A_955 = arith.constant 16 : index
      %swap3A_956 = tpu.vector_load %arg11[%swap3A_954, %swap3A_955] {strides = array<i32>} : memref<22x112xf32, #tpu.memory_space<vmem>>, vector<1x16xf32>,
      %swap3A_957 = vector.shape_cast %swap3A_956 : vector<1x16xf32> to vector<16xf32>
      %swap3A_958 = vector.shape_cast %get3A_952 : vector<16xf32> to vector<1x16xf32>
      tpu.vector_store %arg11[%swap3A_954, %swap3A_955], %swap3A_958 {strides = array<i32>} : memref<22x112xf32, #tpu.memory_space<vmem>>, vector<1x16xf32>,
      %swap3A_959 = arith.constant 1 : i32
      %swap3A_960 = arith.index_cast %swap3A_959 : i32 to index
      %swap3A_961 = arith.constant 16 : index
      %swap3A_962 = tpu.vector_load %arg11[%swap3A_960, %swap3A_961] {strides = array<i32>} : memref<22x112xf32, #tpu.memory_space<vmem>>, vector<1x16xf32>,
      %swap3A_963 = vector.shape_cast %swap3A_962 : vector<1x16xf32> to vector<16xf32>
      %swap3A_964 = vector.shape_cast %add3A_868 : vector<16xf32> to vector<1x16xf32>
      tpu.vector_store %arg11[%swap3A_960, %swap3A_961], %swap3A_964 {strides = array<i32>} : memref<22x112xf32, #tpu.memory_space<vmem>>, vector<1x16xf32>,
      %swap3A_965 = arith.constant 2 : i32
      %swap3A_966 = arith.index_cast %swap3A_965 : i32 to index
      %swap3A_967 = arith.constant 16 : index
      %swap3A_968 = tpu.vector_load %arg11[%swap3A_966, %swap3A_967] {strides = array<i32>} : memref<22x112xf32, #tpu.memory_space<vmem>>, vector<1x16xf32>,
      %swap3A_969 = vector.shape_cast %swap3A_968 : vector<1x16xf32> to vector<16xf32>
      %swap3A_970 = vector.shape_cast %add3A_895 : vector<16xf32> to vector<1x16xf32>
      tpu.vector_store %arg11[%swap3A_966, %swap3A_967], %swap3A_970 {strides = array<i32>} : memref<22x112xf32, #tpu.memory_space<vmem>>, vector<1x16xf32>,
      %swap3A_971 = arith.constant 3 : i32
      %swap3A_972 = arith.index_cast %swap3A_971 : i32 to index
      %swap3A_973 = arith.constant 16 : index
      %swap3A_974 = tpu.vector_load %arg11[%swap3A_972, %swap3A_973] {strides = array<i32>} : memref<22x112xf32, #tpu.memory_space<vmem>>, vector<1x16xf32>,
      %swap3A_975 = vector.shape_cast %swap3A_974 : vector<1x16xf32> to vector<16xf32>
      %swap3A_976 = vector.shape_cast %add3A_922 : vector<16xf32> to vector<1x16xf32>
      tpu.vector_store %arg11[%swap3A_972, %swap3A_973], %swap3A_976 {strides = array<i32>} : memref<22x112xf32, #tpu.memory_space<vmem>>, vector<1x16xf32>,
      %swap3A_977 = arith.constant 4 : i32
      %swap3A_978 = arith.index_cast %swap3A_977 : i32 to index
      %swap3A_979 = arith.constant 16 : index
      %swap3A_980 = tpu.vector_load %arg11[%swap3A_978, %swap3A_979] {strides = array<i32>} : memref<22x112xf32, #tpu.memory_space<vmem>>, vector<1x16xf32>,
      %swap3A_981 = vector.shape_cast %swap3A_980 : vector<1x16xf32> to vector<16xf32>
      %swap3A_982 = vector.shape_cast %add3A_949 : vector<16xf32> to vector<1x16xf32>
      tpu.vector_store %arg11[%swap3A_978, %swap3A_979], %swap3A_982 {strides = array<i32>} : memref<22x112xf32, #tpu.memory_space<vmem>>, vector<1x16xf32>,
      %swap3A_983 = arith.constant 5 : i32
      %swap3A_984 = arith.index_cast %swap3A_983 : i32 to index
      %swap3A_985 = arith.constant 16 : index
      %swap3A_986 = tpu.vector_load %arg11[%swap3A_984, %swap3A_985] {strides = array<i32>} : memref<22x112xf32, #tpu.memory_space<vmem>>, vector<1x16xf32>,
      %swap3A_987 = vector.shape_cast %swap3A_986 : vector<1x16xf32> to vector<16xf32>
      %swap3A_988 = vector.shape_cast %broadcast_in_dim3A_402 : vector<16xf32> to vector<1x16xf32>
      tpu.vector_store %arg11[%swap3A_984, %swap3A_985], %swap3A_988 {strides = array<i32>} : memref<22x112xf32, #tpu.memory_space<vmem>>, vector<1x16xf32>,
      %swap3A_989 = arith.constant 6 : i32
      %swap3A_990 = arith.index_cast %swap3A_989 : i32 to index
      %swap3A_991 = arith.constant 16 : index
      %swap3A_992 = tpu.vector_load %arg11[%swap3A_990, %swap3A_991] {strides = array<i32>} : memref<22x112xf32, #tpu.memory_space<vmem>>, vector<1x16xf32>,
      %swap3A_993 = vector.shape_cast %swap3A_992 : vector<1x16xf32> to vector<16xf32>
      %swap3A_994 = vector.shape_cast %get3A_766 : vector<16xf32> to vector<1x16xf32>
      tpu.vector_store %arg11[%swap3A_990, %swap3A_991], %swap3A_994 {strides = array<i32>} : memref<22x112xf32, #tpu.memory_space<vmem>>, vector<1x16xf32>,
      %swap3A_995 = arith.constant 7 : i32
      %swap3A_996 = arith.index_cast %swap3A_995 : i32 to index
      %swap3A_997 = arith.constant 16 : index
      %swap3A_998 = tpu.vector_load %arg11[%swap3A_996, %swap3A_997] {strides = array<i32>} : memref<22x112xf32, #tpu.memory_space<vmem>>, vector<1x16xf32>,
      %swap3A_999 = vector.shape_cast %swap3A_998 : vector<1x16xf32> to vector<16xf32>
      %swap3A_1000 = vector.shape_cast %get3A_771 : vector<16xf32> to vector<1x16xf32>
      tpu.vector_store %arg11[%swap3A_996, %swap3A_997], %swap3A_1000 {strides = array<i32>} : memref<22x112xf32, #tpu.memory_space<vmem>>, vector<1x16xf32>,
      %swap3A_1001 = arith.constant 8 : i32
      %swap3A_1002 = arith.index_cast %swap3A_1001 : i32 to index
      %swap3A_1003 = arith.constant 16 : index
      %swap3A_1004 = tpu.vector_load %arg11[%swap3A_1002, %swap3A_1003] {strides = array<i32>} : memref<22x112xf32, #tpu.memory_space<vmem>>, vector<1x16xf32>,
      %swap3A_1005 = vector.shape_cast %swap3A_1004 : vector<1x16xf32> to vector<16xf32>
      %swap3A_1006 = vector.shape_cast %get3A_776 : vector<16xf32> to vector<1x16xf32>
      tpu.vector_store %arg11[%swap3A_1002, %swap3A_1003], %swap3A_1006 {strides = array<i32>} : memref<22x112xf32, #tpu.memory_space<vmem>>, vector<1x16xf32>,
      %swap3A_1007 = arith.constant 9 : i32
      %swap3A_1008 = arith.index_cast %swap3A_1007 : i32 to index
      %swap3A_1009 = arith.constant 16 : index
      %swap3A_1010 = tpu.vector_load %arg11[%swap3A_1008, %swap3A_1009] {strides = array<i32>} : memref<22x112xf32, #tpu.memory_space<vmem>>, vector<1x16xf32>,
      %swap3A_1011 = vector.shape_cast %swap3A_1010 : vector<1x16xf32> to vector<16xf32>
      %swap3A_1012 = vector.shape_cast %get3A_786 : vector<16xf32> to vector<1x16xf32>
      tpu.vector_store %arg11[%swap3A_1008, %swap3A_1009], %swap3A_1012 {strides = array<i32>} : memref<22x112xf32, #tpu.memory_space<vmem>>, vector<1x16xf32>,
      %swap3A_1013 = arith.constant 10 : i32
      %swap3A_1014 = arith.index_cast %swap3A_1013 : i32 to index
      %swap3A_1015 = arith.constant 16 : index
      %swap3A_1016 = tpu.vector_load %arg11[%swap3A_1014, %swap3A_1015] {strides = array<i32>} : memref<22x112xf32, #tpu.memory_space<vmem>>, vector<1x16xf32>,
      %swap3A_1017 = vector.shape_cast %swap3A_1016 : vector<1x16xf32> to vector<16xf32>
      %swap3A_1018 = vector.shape_cast %get3A_791 : vector<16xf32> to vector<1x16xf32>
      tpu.vector_store %arg11[%swap3A_1014, %swap3A_1015], %swap3A_1018 {strides = array<i32>} : memref<22x112xf32, #tpu.memory_space<vmem>>, vector<1x16xf32>,
      %swap3A_1019 = arith.constant 11 : i32
      %swap3A_1020 = arith.index_cast %swap3A_1019 : i32 to index
      %swap3A_1021 = arith.constant 16 : index
      %swap3A_1022 = tpu.vector_load %arg11[%swap3A_1020, %swap3A_1021] {strides = array<i32>} : memref<22x112xf32, #tpu.memory_space<vmem>>, vector<1x16xf32>,
      %swap3A_1023 = vector.shape_cast %swap3A_1022 : vector<1x16xf32> to vector<16xf32>
      %swap3A_1024 = vector.shape_cast %get3A_801 : vector<16xf32> to vector<1x16xf32>
      tpu.vector_store %arg11[%swap3A_1020, %swap3A_1021], %swap3A_1024 {strides = array<i32>} : memref<22x112xf32, #tpu.memory_space<vmem>>, vector<1x16xf32>,
      %swap3A_1025 = arith.constant 12 : i32
      %swap3A_1026 = arith.index_cast %swap3A_1025 : i32 to index
      %swap3A_1027 = arith.constant 16 : index
      %swap3A_1028 = tpu.vector_load %arg11[%swap3A_1026, %swap3A_1027] {strides = array<i32>} : memref<22x112xf32, #tpu.memory_space<vmem>>, vector<1x16xf32>,
      %swap3A_1029 = vector.shape_cast %swap3A_1028 : vector<1x16xf32> to vector<16xf32>
      %swap3A_1030 = vector.shape_cast %get3A_806 : vector<16xf32> to vector<1x16xf32>
      tpu.vector_store %arg11[%swap3A_1026, %swap3A_1027], %swap3A_1030 {strides = array<i32>} : memref<22x112xf32, #tpu.memory_space<vmem>>, vector<1x16xf32>,
      %swap3A_1031 = arith.constant 13 : i32
      %swap3A_1032 = arith.index_cast %swap3A_1031 : i32 to index
      %swap3A_1033 = arith.constant 16 : index
      %swap3A_1034 = tpu.vector_load %arg11[%swap3A_1032, %swap3A_1033] {strides = array<i32>} : memref<22x112xf32, #tpu.memory_space<vmem>>, vector<1x16xf32>,
      %swap3A_1035 = vector.shape_cast %swap3A_1034 : vector<1x16xf32> to vector<16xf32>
      %swap3A_1036 = vector.shape_cast %get3A_816 : vector<16xf32> to vector<1x16xf32>
      tpu.vector_store %arg11[%swap3A_1032, %swap3A_1033], %swap3A_1036 {strides = array<i32>} : memref<22x112xf32, #tpu.memory_space<vmem>>, vector<1x16xf32>,
      %swap3A_1037 = arith.constant 14 : i32
      %swap3A_1038 = arith.index_cast %swap3A_1037 : i32 to index
      %swap3A_1039 = arith.constant 16 : index
      %swap3A_1040 = tpu.vector_load %arg11[%swap3A_1038, %swap3A_1039] {strides = array<i32>} : memref<22x112xf32, #tpu.memory_space<vmem>>, vector<1x16xf32>,
      %swap3A_1041 = vector.shape_cast %swap3A_1040 : vector<1x16xf32> to vector<16xf32>
      %swap3A_1042 = vector.shape_cast %get3A_821 : vector<16xf32> to vector<1x16xf32>
      tpu.vector_store %arg11[%swap3A_1038, %swap3A_1039], %swap3A_1042 {strides = array<i32>} : memref<22x112xf32, #tpu.memory_space<vmem>>, vector<1x16xf32>,
      %swap3A_1043 = arith.constant 15 : i32
      %swap3A_1044 = arith.index_cast %swap3A_1043 : i32 to index
      %swap3A_1045 = arith.constant 16 : index
      %swap3A_1046 = tpu.vector_load %arg11[%swap3A_1044, %swap3A_1045] {strides = array<i32>} : memref<22x112xf32, #tpu.memory_space<vmem>>, vector<1x16xf32>,
      %swap3A_1047 = vector.shape_cast %swap3A_1046 : vector<1x16xf32> to vector<16xf32>
      %swap3A_1048 = vector.shape_cast %get3A_831 : vector<16xf32> to vector<1x16xf32>
      tpu.vector_store %arg11[%swap3A_1044, %swap3A_1045], %swap3A_1048 {strides = array<i32>} : memref<22x112xf32, #tpu.memory_space<vmem>>, vector<1x16xf32>,
      %swap3A_1049 = arith.constant 16 : i32
      %swap3A_1050 = arith.index_cast %swap3A_1049 : i32 to index
      %swap3A_1051 = arith.constant 16 : index
      %swap3A_1052 = tpu.vector_load %arg11[%swap3A_1050, %swap3A_1051] {strides = array<i32>} : memref<22x112xf32, #tpu.memory_space<vmem>>, vector<1x16xf32>,
      %swap3A_1053 = vector.shape_cast %swap3A_1052 : vector<1x16xf32> to vector<16xf32>
      %swap3A_1054 = vector.shape_cast %get3A_836 : vector<16xf32> to vector<1x16xf32>
      tpu.vector_store %arg11[%swap3A_1050, %swap3A_1051], %swap3A_1054 {strides = array<i32>} : memref<22x112xf32, #tpu.memory_space<vmem>>, vector<1x16xf32>,
      %swap3A_1055 = arith.constant 17 : i32
      %swap3A_1056 = arith.index_cast %swap3A_1055 : i32 to index
      %swap3A_1057 = arith.constant 16 : index
      %swap3A_1058 = tpu.vector_load %arg11[%swap3A_1056, %swap3A_1057] {strides = array<i32>} : memref<22x112xf32, #tpu.memory_space<vmem>>, vector<1x16xf32>,
      %swap3A_1059 = vector.shape_cast %swap3A_1058 : vector<1x16xf32> to vector<16xf32>
      %swap3A_1060 = vector.shape_cast %get3A_781 : vector<16xf32> to vector<1x16xf32>
      tpu.vector_store %arg11[%swap3A_1056, %swap3A_1057], %swap3A_1060 {strides = array<i32>} : memref<22x112xf32, #tpu.memory_space<vmem>>, vector<1x16xf32>,
      %swap3A_1061 = arith.constant 18 : i32
      %swap3A_1062 = arith.index_cast %swap3A_1061 : i32 to index
      %swap3A_1063 = arith.constant 16 : index
      %swap3A_1064 = tpu.vector_load %arg11[%swap3A_1062, %swap3A_1063] {strides = array<i32>} : memref<22x112xf32, #tpu.memory_space<vmem>>, vector<1x16xf32>,
      %swap3A_1065 = vector.shape_cast %swap3A_1064 : vector<1x16xf32> to vector<16xf32>
      %swap3A_1066 = vector.shape_cast %get3A_796 : vector<16xf32> to vector<1x16xf32>
      tpu.vector_store %arg11[%swap3A_1062, %swap3A_1063], %swap3A_1066 {strides = array<i32>} : memref<22x112xf32, #tpu.memory_space<vmem>>, vector<1x16xf32>,
      %swap3A_1067 = arith.constant 19 : i32
      %swap3A_1068 = arith.index_cast %swap3A_1067 : i32 to index
      %swap3A_1069 = arith.constant 16 : index
      %swap3A_1070 = tpu.vector_load %arg11[%swap3A_1068, %swap3A_1069] {strides = array<i32>} : memref<22x112xf32, #tpu.memory_space<vmem>>, vector<1x16xf32>,
      %swap3A_1071 = vector.shape_cast %swap3A_1070 : vector<1x16xf32> to vector<16xf32>
      %swap3A_1072 = vector.shape_cast %get3A_811 : vector<16xf32> to vector<1x16xf32>
      tpu.vector_store %arg11[%swap3A_1068, %swap3A_1069], %swap3A_1072 {strides = array<i32>} : memref<22x112xf32, #tpu.memory_space<vmem>>, vector<1x16xf32>,
      %swap3A_1073 = arith.constant 20 : i32
      %swap3A_1074 = arith.index_cast %swap3A_1073 : i32 to index
      %swap3A_1075 = arith.constant 16 : index
      %swap3A_1076 = tpu.vector_load %arg11[%swap3A_1074, %swap3A_1075] {strides = array<i32>} : memref<22x112xf32, #tpu.memory_space<vmem>>, vector<1x16xf32>,
      %swap3A_1077 = vector.shape_cast %swap3A_1076 : vector<1x16xf32> to vector<16xf32>
      %swap3A_1078 = vector.shape_cast %get3A_826 : vector<16xf32> to vector<1x16xf32>
      tpu.vector_store %arg11[%swap3A_1074, %swap3A_1075], %swap3A_1078 {strides = array<i32>} : memref<22x112xf32, #tpu.memory_space<vmem>>, vector<1x16xf32>,
      %swap3A_1079 = arith.constant 21 : i32
      %swap3A_1080 = arith.index_cast %swap3A_1079 : i32 to index
      %swap3A_1081 = arith.constant 16 : index
      %swap3A_1082 = tpu.vector_load %arg11[%swap3A_1080, %swap3A_1081] {strides = array<i32>} : memref<22x112xf32, #tpu.memory_space<vmem>>, vector<1x16xf32>,
      %swap3A_1083 = vector.shape_cast %swap3A_1082 : vector<1x16xf32> to vector<16xf32>
      %swap3A_1084 = vector.shape_cast %get3A_841 : vector<16xf32> to vector<1x16xf32>
      tpu.vector_store %arg11[%swap3A_1080, %swap3A_1081], %swap3A_1084 {strides = array<i32>} : memref<22x112xf32, #tpu.memory_space<vmem>>, vector<1x16xf32>,
      %get3A_1085 = arith.constant 0 : i32
      %get3A_1086 = arith.index_cast %get3A_1085 : i32 to index
      %get3A_1087 = arith.constant 32 : index
      %get3A_1088 = tpu.vector_load %arg10[%get3A_1086, %get3A_1087] {strides = array<i32>} : memref<20x112xf32, #tpu.memory_space<vmem>>, vector<1x16xf32>,
      %get3A_1089 = vector.shape_cast %get3A_1088 : vector<1x16xf32> to vector<16xf32>
      %get3A_1090 = arith.constant 1 : i32
      %get3A_1091 = arith.index_cast %get3A_1090 : i32 to index
      %get3A_1092 = arith.constant 32 : index
      %get3A_1093 = tpu.vector_load %arg10[%get3A_1091, %get3A_1092] {strides = array<i32>} : memref<20x112xf32, #tpu.memory_space<vmem>>, vector<1x16xf32>,
      %get3A_1094 = vector.shape_cast %get3A_1093 : vector<1x16xf32> to vector<16xf32>
      %get3A_1095 = arith.constant 2 : i32
      %get3A_1096 = arith.index_cast %get3A_1095 : i32 to index
      %get3A_1097 = arith.constant 32 : index
      %get3A_1098 = tpu.vector_load %arg10[%get3A_1096, %get3A_1097] {strides = array<i32>} : memref<20x112xf32, #tpu.memory_space<vmem>>, vector<1x16xf32>,
      %get3A_1099 = vector.shape_cast %get3A_1098 : vector<1x16xf32> to vector<16xf32>
      %get3A_1100 = arith.constant 3 : i32
      %get3A_1101 = arith.index_cast %get3A_1100 : i32 to index
      %get3A_1102 = arith.constant 32 : index
      %get3A_1103 = tpu.vector_load %arg10[%get3A_1101, %get3A_1102] {strides = array<i32>} : memref<20x112xf32, #tpu.memory_space<vmem>>, vector<1x16xf32>,
      %get3A_1104 = vector.shape_cast %get3A_1103 : vector<1x16xf32> to vector<16xf32>
      %get3A_1105 = arith.constant 4 : i32
      %get3A_1106 = arith.index_cast %get3A_1105 : i32 to index
      %get3A_1107 = arith.constant 32 : index
      %get3A_1108 = tpu.vector_load %arg10[%get3A_1106, %get3A_1107] {strides = array<i32>} : memref<20x112xf32, #tpu.memory_space<vmem>>, vector<1x16xf32>,
      %get3A_1109 = vector.shape_cast %get3A_1108 : vector<1x16xf32> to vector<16xf32>
      %get3A_1110 = arith.constant 5 : i32
      %get3A_1111 = arith.index_cast %get3A_1110 : i32 to index
      %get3A_1112 = arith.constant 32 : index
      %get3A_1113 = tpu.vector_load %arg10[%get3A_1111, %get3A_1112] {strides = array<i32>} : memref<20x112xf32, #tpu.memory_space<vmem>>, vector<1x16xf32>,
      %get3A_1114 = vector.shape_cast %get3A_1113 : vector<1x16xf32> to vector<16xf32>
      %get3A_1115 = arith.constant 6 : i32
      %get3A_1116 = arith.index_cast %get3A_1115 : i32 to index
      %get3A_1117 = arith.constant 32 : index
      %get3A_1118 = tpu.vector_load %arg10[%get3A_1116, %get3A_1117] {strides = array<i32>} : memref<20x112xf32, #tpu.memory_space<vmem>>, vector<1x16xf32>,
      %get3A_1119 = vector.shape_cast %get3A_1118 : vector<1x16xf32> to vector<16xf32>
      %get3A_1120 = arith.constant 7 : i32
      %get3A_1121 = arith.index_cast %get3A_1120 : i32 to index
      %get3A_1122 = arith.constant 32 : index
      %get3A_1123 = tpu.vector_load %arg10[%get3A_1121, %get3A_1122] {strides = array<i32>} : memref<20x112xf32, #tpu.memory_space<vmem>>, vector<1x16xf32>,
      %get3A_1124 = vector.shape_cast %get3A_1123 : vector<1x16xf32> to vector<16xf32>
      %get3A_1125 = arith.constant 8 : i32
      %get3A_1126 = arith.index_cast %get3A_1125 : i32 to index
      %get3A_1127 = arith.constant 32 : index
      %get3A_1128 = tpu.vector_load %arg10[%get3A_1126, %get3A_1127] {strides = array<i32>} : memref<20x112xf32, #tpu.memory_space<vmem>>, vector<1x16xf32>,
      %get3A_1129 = vector.shape_cast %get3A_1128 : vector<1x16xf32> to vector<16xf32>
      %get3A_1130 = arith.constant 9 : i32
      %get3A_1131 = arith.index_cast %get3A_1130 : i32 to index
      %get3A_1132 = arith.constant 32 : index
      %get3A_1133 = tpu.vector_load %arg10[%get3A_1131, %get3A_1132] {strides = array<i32>} : memref<20x112xf32, #tpu.memory_space<vmem>>, vector<1x16xf32>,
      %get3A_1134 = vector.shape_cast %get3A_1133 : vector<1x16xf32> to vector<16xf32>
      %get3A_1135 = arith.constant 10 : i32
      %get3A_1136 = arith.index_cast %get3A_1135 : i32 to index
      %get3A_1137 = arith.constant 32 : index
      %get3A_1138 = tpu.vector_load %arg10[%get3A_1136, %get3A_1137] {strides = array<i32>} : memref<20x112xf32, #tpu.memory_space<vmem>>, vector<1x16xf32>,
      %get3A_1139 = vector.shape_cast %get3A_1138 : vector<1x16xf32> to vector<16xf32>
      %get3A_1140 = arith.constant 11 : i32
      %get3A_1141 = arith.index_cast %get3A_1140 : i32 to index
      %get3A_1142 = arith.constant 32 : index
      %get3A_1143 = tpu.vector_load %arg10[%get3A_1141, %get3A_1142] {strides = array<i32>} : memref<20x112xf32, #tpu.memory_space<vmem>>, vector<1x16xf32>,
      %get3A_1144 = vector.shape_cast %get3A_1143 : vector<1x16xf32> to vector<16xf32>
      %get3A_1145 = arith.constant 12 : i32
      %get3A_1146 = arith.index_cast %get3A_1145 : i32 to index
      %get3A_1147 = arith.constant 32 : index
      %get3A_1148 = tpu.vector_load %arg10[%get3A_1146, %get3A_1147] {strides = array<i32>} : memref<20x112xf32, #tpu.memory_space<vmem>>, vector<1x16xf32>,
      %get3A_1149 = vector.shape_cast %get3A_1148 : vector<1x16xf32> to vector<16xf32>
      %get3A_1150 = arith.constant 13 : i32
      %get3A_1151 = arith.index_cast %get3A_1150 : i32 to index
      %get3A_1152 = arith.constant 32 : index
      %get3A_1153 = tpu.vector_load %arg10[%get3A_1151, %get3A_1152] {strides = array<i32>} : memref<20x112xf32, #tpu.memory_space<vmem>>, vector<1x16xf32>,
      %get3A_1154 = vector.shape_cast %get3A_1153 : vector<1x16xf32> to vector<16xf32>
      %get3A_1155 = arith.constant 14 : i32
      %get3A_1156 = arith.index_cast %get3A_1155 : i32 to index
      %get3A_1157 = arith.constant 32 : index
      %get3A_1158 = tpu.vector_load %arg10[%get3A_1156, %get3A_1157] {strides = array<i32>} : memref<20x112xf32, #tpu.memory_space<vmem>>, vector<1x16xf32>,
      %get3A_1159 = vector.shape_cast %get3A_1158 : vector<1x16xf32> to vector<16xf32>
      %get3A_1160 = arith.constant 15 : i32
      %get3A_1161 = arith.index_cast %get3A_1160 : i32 to index
      %get3A_1162 = arith.constant 32 : index
      %get3A_1163 = tpu.vector_load %arg10[%get3A_1161, %get3A_1162] {strides = array<i32>} : memref<20x112xf32, #tpu.memory_space<vmem>>, vector<1x16xf32>,
      %get3A_1164 = vector.shape_cast %get3A_1163 : vector<1x16xf32> to vector<16xf32>
      %get3A_1165 = arith.constant 16 : i32
      %get3A_1166 = arith.index_cast %get3A_1165 : i32 to index
      %get3A_1167 = arith.constant 32 : index
      %get3A_1168 = tpu.vector_load %arg10[%get3A_1166, %get3A_1167] {strides = array<i32>} : memref<20x112xf32, #tpu.memory_space<vmem>>, vector<1x16xf32>,
      %get3A_1169 = vector.shape_cast %get3A_1168 : vector<1x16xf32> to vector<16xf32>
      %get3A_1170 = arith.constant 17 : i32
      %get3A_1171 = arith.index_cast %get3A_1170 : i32 to index
      %get3A_1172 = arith.constant 32 : index
      %get3A_1173 = tpu.vector_load %arg10[%get3A_1171, %get3A_1172] {strides = array<i32>} : memref<20x112xf32, #tpu.memory_space<vmem>>, vector<1x16xf32>,
      %get3A_1174 = vector.shape_cast %get3A_1173 : vector<1x16xf32> to vector<16xf32>
      %get3A_1175 = arith.constant 18 : i32
      %get3A_1176 = arith.index_cast %get3A_1175 : i32 to index
      %get3A_1177 = arith.constant 32 : index
      %get3A_1178 = tpu.vector_load %arg10[%get3A_1176, %get3A_1177] {strides = array<i32>} : memref<20x112xf32, #tpu.memory_space<vmem>>, vector<1x16xf32>,
      %get3A_1179 = vector.shape_cast %get3A_1178 : vector<1x16xf32> to vector<16xf32>
      %get3A_1180 = arith.constant 19 : i32
      %get3A_1181 = arith.index_cast %get3A_1180 : i32 to index
      %get3A_1182 = arith.constant 32 : index
      %get3A_1183 = tpu.vector_load %arg10[%get3A_1181, %get3A_1182] {strides = array<i32>} : memref<20x112xf32, #tpu.memory_space<vmem>>, vector<1x16xf32>,
      %get3A_1184 = vector.shape_cast %get3A_1183 : vector<1x16xf32> to vector<16xf32>
      %get3A_1185 = arith.constant 0 : i32
      %get3A_1186 = arith.index_cast %get3A_1185 : i32 to index
      %get3A_1187 = arith.constant 0 : index
      %get3A_1188 = tpu.vector_load %arg9[%get3A_1186, %get3A_1187] {strides = array<i32>} : memref<16x16xf32, #tpu.memory_space<vmem>>, vector<1x16xf32>,
      %get3A_1189 = vector.shape_cast %get3A_1188 : vector<1x16xf32> to vector<16xf32>
      %mul3A_1190 = arith.mulf %get3A_1089, %get3A_1189 : vector<16xf32>
      %get3A_1191 = arith.constant 4 : i32
      %get3A_1192 = arith.index_cast %get3A_1191 : i32 to index
      %get3A_1193 = arith.constant 0 : index
      %get3A_1194 = tpu.vector_load %arg9[%get3A_1192, %get3A_1193] {strides = array<i32>} : memref<16x16xf32, #tpu.memory_space<vmem>>, vector<1x16xf32>,
      %get3A_1195 = vector.shape_cast %get3A_1194 : vector<1x16xf32> to vector<16xf32>
      %mul3A_1196 = arith.mulf %get3A_1094, %get3A_1195 : vector<16xf32>
      %add3A_1197 = arith.addf %mul3A_1190, %mul3A_1196 : vector<16xf32>
      %get3A_1198 = arith.constant 8 : i32
      %get3A_1199 = arith.index_cast %get3A_1198 : i32 to index
      %get3A_1200 = arith.constant 0 : index
      %get3A_1201 = tpu.vector_load %arg9[%get3A_1199, %get3A_1200] {strides = array<i32>} : memref<16x16xf32, #tpu.memory_space<vmem>>, vector<1x16xf32>,
      %get3A_1202 = vector.shape_cast %get3A_1201 : vector<1x16xf32> to vector<16xf32>
      %mul3A_1203 = arith.mulf %get3A_1099, %get3A_1202 : vector<16xf32>
      %add3A_1204 = arith.addf %add3A_1197, %mul3A_1203 : vector<16xf32>
      %get3A_1205 = arith.constant 12 : i32
      %get3A_1206 = arith.index_cast %get3A_1205 : i32 to index
      %get3A_1207 = arith.constant 0 : index
      %get3A_1208 = tpu.vector_load %arg9[%get3A_1206, %get3A_1207] {strides = array<i32>} : memref<16x16xf32, #tpu.memory_space<vmem>>, vector<1x16xf32>,
      %get3A_1209 = vector.shape_cast %get3A_1208 : vector<1x16xf32> to vector<16xf32>
      %mul3A_1210 = arith.mulf %get3A_1104, %get3A_1209 : vector<16xf32>
      %add3A_1211 = arith.addf %add3A_1204, %mul3A_1210 : vector<16xf32>
      %get3A_1212 = arith.constant 1 : i32
      %get3A_1213 = arith.index_cast %get3A_1212 : i32 to index
      %get3A_1214 = arith.constant 0 : index
      %get3A_1215 = tpu.vector_load %arg9[%get3A_1213, %get3A_1214] {strides = array<i32>} : memref<16x16xf32, #tpu.memory_space<vmem>>, vector<1x16xf32>,
      %get3A_1216 = vector.shape_cast %get3A_1215 : vector<1x16xf32> to vector<16xf32>
      %mul3A_1217 = arith.mulf %get3A_1089, %get3A_1216 : vector<16xf32>
      %get3A_1218 = arith.constant 5 : i32
      %get3A_1219 = arith.index_cast %get3A_1218 : i32 to index
      %get3A_1220 = arith.constant 0 : index
      %get3A_1221 = tpu.vector_load %arg9[%get3A_1219, %get3A_1220] {strides = array<i32>} : memref<16x16xf32, #tpu.memory_space<vmem>>, vector<1x16xf32>,
      %get3A_1222 = vector.shape_cast %get3A_1221 : vector<1x16xf32> to vector<16xf32>
      %mul3A_1223 = arith.mulf %get3A_1094, %get3A_1222 : vector<16xf32>
      %add3A_1224 = arith.addf %mul3A_1217, %mul3A_1223 : vector<16xf32>
      %get3A_1225 = arith.constant 9 : i32
      %get3A_1226 = arith.index_cast %get3A_1225 : i32 to index
      %get3A_1227 = arith.constant 0 : index
      %get3A_1228 = tpu.vector_load %arg9[%get3A_1226, %get3A_1227] {strides = array<i32>} : memref<16x16xf32, #tpu.memory_space<vmem>>, vector<1x16xf32>,
      %get3A_1229 = vector.shape_cast %get3A_1228 : vector<1x16xf32> to vector<16xf32>
      %mul3A_1230 = arith.mulf %get3A_1099, %get3A_1229 : vector<16xf32>
      %add3A_1231 = arith.addf %add3A_1224, %mul3A_1230 : vector<16xf32>
      %get3A_1232 = arith.constant 13 : i32
      %get3A_1233 = arith.index_cast %get3A_1232 : i32 to index
      %get3A_1234 = arith.constant 0 : index
      %get3A_1235 = tpu.vector_load %arg9[%get3A_1233, %get3A_1234] {strides = array<i32>} : memref<16x16xf32, #tpu.memory_space<vmem>>, vector<1x16xf32>,
      %get3A_1236 = vector.shape_cast %get3A_1235 : vector<1x16xf32> to vector<16xf32>
      %mul3A_1237 = arith.mulf %get3A_1104, %get3A_1236 : vector<16xf32>
      %add3A_1238 = arith.addf %add3A_1231, %mul3A_1237 : vector<16xf32>
      %get3A_1239 = arith.constant 2 : i32
      %get3A_1240 = arith.index_cast %get3A_1239 : i32 to index
      %get3A_1241 = arith.constant 0 : index
      %get3A_1242 = tpu.vector_load %arg9[%get3A_1240, %get3A_1241] {strides = array<i32>} : memref<16x16xf32, #tpu.memory_space<vmem>>, vector<1x16xf32>,
      %get3A_1243 = vector.shape_cast %get3A_1242 : vector<1x16xf32> to vector<16xf32>
      %mul3A_1244 = arith.mulf %get3A_1089, %get3A_1243 : vector<16xf32>
      %get3A_1245 = arith.constant 6 : i32
      %get3A_1246 = arith.index_cast %get3A_1245 : i32 to index
      %get3A_1247 = arith.constant 0 : index
      %get3A_1248 = tpu.vector_load %arg9[%get3A_1246, %get3A_1247] {strides = array<i32>} : memref<16x16xf32, #tpu.memory_space<vmem>>, vector<1x16xf32>,
      %get3A_1249 = vector.shape_cast %get3A_1248 : vector<1x16xf32> to vector<16xf32>
      %mul3A_1250 = arith.mulf %get3A_1094, %get3A_1249 : vector<16xf32>
      %add3A_1251 = arith.addf %mul3A_1244, %mul3A_1250 : vector<16xf32>
      %get3A_1252 = arith.constant 10 : i32
      %get3A_1253 = arith.index_cast %get3A_1252 : i32 to index
      %get3A_1254 = arith.constant 0 : index
      %get3A_1255 = tpu.vector_load %arg9[%get3A_1253, %get3A_1254] {strides = array<i32>} : memref<16x16xf32, #tpu.memory_space<vmem>>, vector<1x16xf32>,
      %get3A_1256 = vector.shape_cast %get3A_1255 : vector<1x16xf32> to vector<16xf32>
      %mul3A_1257 = arith.mulf %get3A_1099, %get3A_1256 : vector<16xf32>
      %add3A_1258 = arith.addf %add3A_1251, %mul3A_1257 : vector<16xf32>
      %get3A_1259 = arith.constant 14 : i32
      %get3A_1260 = arith.index_cast %get3A_1259 : i32 to index
      %get3A_1261 = arith.constant 0 : index
      %get3A_1262 = tpu.vector_load %arg9[%get3A_1260, %get3A_1261] {strides = array<i32>} : memref<16x16xf32, #tpu.memory_space<vmem>>, vector<1x16xf32>,
      %get3A_1263 = vector.shape_cast %get3A_1262 : vector<1x16xf32> to vector<16xf32>
      %mul3A_1264 = arith.mulf %get3A_1104, %get3A_1263 : vector<16xf32>
      %add3A_1265 = arith.addf %add3A_1258, %mul3A_1264 : vector<16xf32>
      %get3A_1266 = arith.constant 3 : i32
      %get3A_1267 = arith.index_cast %get3A_1266 : i32 to index
      %get3A_1268 = arith.constant 0 : index
      %get3A_1269 = tpu.vector_load %arg9[%get3A_1267, %get3A_1268] {strides = array<i32>} : memref<16x16xf32, #tpu.memory_space<vmem>>, vector<1x16xf32>,
      %get3A_1270 = vector.shape_cast %get3A_1269 : vector<1x16xf32> to vector<16xf32>
      %mul3A_1271 = arith.mulf %get3A_1089, %get3A_1270 : vector<16xf32>
      %get3A_1272 = arith.constant 7 : i32
      %get3A_1273 = arith.index_cast %get3A_1272 : i32 to index
      %get3A_1274 = arith.constant 0 : index
      %get3A_1275 = tpu.vector_load %arg9[%get3A_1273, %get3A_1274] {strides = array<i32>} : memref<16x16xf32, #tpu.memory_space<vmem>>, vector<1x16xf32>,
      %get3A_1276 = vector.shape_cast %get3A_1275 : vector<1x16xf32> to vector<16xf32>
      %mul3A_1277 = arith.mulf %get3A_1094, %get3A_1276 : vector<16xf32>
      %add3A_1278 = arith.addf %mul3A_1271, %mul3A_1277 : vector<16xf32>
      %get3A_1279 = arith.constant 11 : i32
      %get3A_1280 = arith.index_cast %get3A_1279 : i32 to index
      %get3A_1281 = arith.constant 0 : index
      %get3A_1282 = tpu.vector_load %arg9[%get3A_1280, %get3A_1281] {strides = array<i32>} : memref<16x16xf32, #tpu.memory_space<vmem>>, vector<1x16xf32>,
      %get3A_1283 = vector.shape_cast %get3A_1282 : vector<1x16xf32> to vector<16xf32>
      %mul3A_1284 = arith.mulf %get3A_1099, %get3A_1283 : vector<16xf32>
      %add3A_1285 = arith.addf %add3A_1278, %mul3A_1284 : vector<16xf32>
      %get3A_1286 = arith.constant 15 : i32
      %get3A_1287 = arith.index_cast %get3A_1286 : i32 to index
      %get3A_1288 = arith.constant 0 : index
      %get3A_1289 = tpu.vector_load %arg9[%get3A_1287, %get3A_1288] {strides = array<i32>} : memref<16x16xf32, #tpu.memory_space<vmem>>, vector<1x16xf32>,
      %get3A_1290 = vector.shape_cast %get3A_1289 : vector<1x16xf32> to vector<16xf32>
      %mul3A_1291 = arith.mulf %get3A_1104, %get3A_1290 : vector<16xf32>
      %add3A_1292 = arith.addf %add3A_1285, %mul3A_1291 : vector<16xf32>
      %get3A_1293 = arith.constant 32 : index
      %get3A_1294 = tpu.vector_load %arg8[%get3A_1293] {strides = array<i32>} : memref<112xf32, #tpu.memory_space<vmem>>, vector<16xf32>,
      %get3A_1295 = vector.shape_cast %get3A_1294 : vector<16xf32> to vector<16xf32>
      %swap3A_1296 = arith.constant 0 : i32
      %swap3A_1297 = arith.index_cast %swap3A_1296 : i32 to index
      %swap3A_1298 = arith.constant 32 : index
      %swap3A_1299 = tpu.vector_load %arg11[%swap3A_1297, %swap3A_1298] {strides = array<i32>} : memref<22x112xf32, #tpu.memory_space<vmem>>, vector<1x16xf32>,
      %swap3A_1300 = vector.shape_cast %swap3A_1299 : vector<1x16xf32> to vector<16xf32>
      %swap3A_1301 = vector.shape_cast %get3A_1295 : vector<16xf32> to vector<1x16xf32>
      tpu.vector_store %arg11[%swap3A_1297, %swap3A_1298], %swap3A_1301 {strides = array<i32>} : memref<22x112xf32, #tpu.memory_space<vmem>>, vector<1x16xf32>,
      %swap3A_1302 = arith.constant 1 : i32
      %swap3A_1303 = arith.index_cast %swap3A_1302 : i32 to index
      %swap3A_1304 = arith.constant 32 : index
      %swap3A_1305 = tpu.vector_load %arg11[%swap3A_1303, %swap3A_1304] {strides = array<i32>} : memref<22x112xf32, #tpu.memory_space<vmem>>, vector<1x16xf32>,
      %swap3A_1306 = vector.shape_cast %swap3A_1305 : vector<1x16xf32> to vector<16xf32>
      %swap3A_1307 = vector.shape_cast %add3A_1211 : vector<16xf32> to vector<1x16xf32>
      tpu.vector_store %arg11[%swap3A_1303, %swap3A_1304], %swap3A_1307 {strides = array<i32>} : memref<22x112xf32, #tpu.memory_space<vmem>>, vector<1x16xf32>,
      %swap3A_1308 = arith.constant 2 : i32
      %swap3A_1309 = arith.index_cast %swap3A_1308 : i32 to index
      %swap3A_1310 = arith.constant 32 : index
      %swap3A_1311 = tpu.vector_load %arg11[%swap3A_1309, %swap3A_1310] {strides = array<i32>} : memref<22x112xf32, #tpu.memory_space<vmem>>, vector<1x16xf32>,
      %swap3A_1312 = vector.shape_cast %swap3A_1311 : vector<1x16xf32> to vector<16xf32>
      %swap3A_1313 = vector.shape_cast %add3A_1238 : vector<16xf32> to vector<1x16xf32>
      tpu.vector_store %arg11[%swap3A_1309, %swap3A_1310], %swap3A_1313 {strides = array<i32>} : memref<22x112xf32, #tpu.memory_space<vmem>>, vector<1x16xf32>,
      %swap3A_1314 = arith.constant 3 : i32
      %swap3A_1315 = arith.index_cast %swap3A_1314 : i32 to index
      %swap3A_1316 = arith.constant 32 : index
      %swap3A_1317 = tpu.vector_load %arg11[%swap3A_1315, %swap3A_1316] {strides = array<i32>} : memref<22x112xf32, #tpu.memory_space<vmem>>, vector<1x16xf32>,
      %swap3A_1318 = vector.shape_cast %swap3A_1317 : vector<1x16xf32> to vector<16xf32>
      %swap3A_1319 = vector.shape_cast %add3A_1265 : vector<16xf32> to vector<1x16xf32>
      tpu.vector_store %arg11[%swap3A_1315, %swap3A_1316], %swap3A_1319 {strides = array<i32>} : memref<22x112xf32, #tpu.memory_space<vmem>>, vector<1x16xf32>,
      %swap3A_1320 = arith.constant 4 : i32
      %swap3A_1321 = arith.index_cast %swap3A_1320 : i32 to index
      %swap3A_1322 = arith.constant 32 : index
      %swap3A_1323 = tpu.vector_load %arg11[%swap3A_1321, %swap3A_1322] {strides = array<i32>} : memref<22x112xf32, #tpu.memory_space<vmem>>, vector<1x16xf32>,
      %swap3A_1324 = vector.shape_cast %swap3A_1323 : vector<1x16xf32> to vector<16xf32>
      %swap3A_1325 = vector.shape_cast %add3A_1292 : vector<16xf32> to vector<1x16xf32>
      tpu.vector_store %arg11[%swap3A_1321, %swap3A_1322], %swap3A_1325 {strides = array<i32>} : memref<22x112xf32, #tpu.memory_space<vmem>>, vector<1x16xf32>,
      %swap3A_1326 = arith.constant 5 : i32
      %swap3A_1327 = arith.index_cast %swap3A_1326 : i32 to index
      %swap3A_1328 = arith.constant 32 : index
      %swap3A_1329 = tpu.vector_load %arg11[%swap3A_1327, %swap3A_1328] {strides = array<i32>} : memref<22x112xf32, #tpu.memory_space<vmem>>, vector<1x16xf32>,
      %swap3A_1330 = vector.shape_cast %swap3A_1329 : vector<1x16xf32> to vector<16xf32>
      %swap3A_1331 = vector.shape_cast %broadcast_in_dim3A_402 : vector<16xf32> to vector<1x16xf32>
      tpu.vector_store %arg11[%swap3A_1327, %swap3A_1328], %swap3A_1331 {strides = array<i32>} : memref<22x112xf32, #tpu.memory_space<vmem>>, vector<1x16xf32>,
      %swap3A_1332 = arith.constant 6 : i32
      %swap3A_1333 = arith.index_cast %swap3A_1332 : i32 to index
      %swap3A_1334 = arith.constant 32 : index
      %swap3A_1335 = tpu.vector_load %arg11[%swap3A_1333, %swap3A_1334] {strides = array<i32>} : memref<22x112xf32, #tpu.memory_space<vmem>>, vector<1x16xf32>,
      %swap3A_1336 = vector.shape_cast %swap3A_1335 : vector<1x16xf32> to vector<16xf32>
      %swap3A_1337 = vector.shape_cast %get3A_1109 : vector<16xf32> to vector<1x16xf32>
      tpu.vector_store %arg11[%swap3A_1333, %swap3A_1334], %swap3A_1337 {strides = array<i32>} : memref<22x112xf32, #tpu.memory_space<vmem>>, vector<1x16xf32>,
      %swap3A_1338 = arith.constant 7 : i32
      %swap3A_1339 = arith.index_cast %swap3A_1338 : i32 to index
      %swap3A_1340 = arith.constant 32 : index
      %swap3A_1341 = tpu.vector_load %arg11[%swap3A_1339, %swap3A_1340] {strides = array<i32>} : memref<22x112xf32, #tpu.memory_space<vmem>>, vector<1x16xf32>,
      %swap3A_1342 = vector.shape_cast %swap3A_1341 : vector<1x16xf32> to vector<16xf32>
      %swap3A_1343 = vector.shape_cast %get3A_1114 : vector<16xf32> to vector<1x16xf32>
      tpu.vector_store %arg11[%swap3A_1339, %swap3A_1340], %swap3A_1343 {strides = array<i32>} : memref<22x112xf32, #tpu.memory_space<vmem>>, vector<1x16xf32>,
      %swap3A_1344 = arith.constant 8 : i32
      %swap3A_1345 = arith.index_cast %swap3A_1344 : i32 to index
      %swap3A_1346 = arith.constant 32 : index
      %swap3A_1347 = tpu.vector_load %arg11[%swap3A_1345, %swap3A_1346] {strides = array<i32>} : memref<22x112xf32, #tpu.memory_space<vmem>>, vector<1x16xf32>,
      %swap3A_1348 = vector.shape_cast %swap3A_1347 : vector<1x16xf32> to vector<16xf32>
      %swap3A_1349 = vector.shape_cast %get3A_1119 : vector<16xf32> to vector<1x16xf32>
      tpu.vector_store %arg11[%swap3A_1345, %swap3A_1346], %swap3A_1349 {strides = array<i32>} : memref<22x112xf32, #tpu.memory_space<vmem>>, vector<1x16xf32>,
      %swap3A_1350 = arith.constant 9 : i32
      %swap3A_1351 = arith.index_cast %swap3A_1350 : i32 to index
      %swap3A_1352 = arith.constant 32 : index
      %swap3A_1353 = tpu.vector_load %arg11[%swap3A_1351, %swap3A_1352] {strides = array<i32>} : memref<22x112xf32, #tpu.memory_space<vmem>>, vector<1x16xf32>,
      %swap3A_1354 = vector.shape_cast %swap3A_1353 : vector<1x16xf32> to vector<16xf32>
      %swap3A_1355 = vector.shape_cast %get3A_1129 : vector<16xf32> to vector<1x16xf32>
      tpu.vector_store %arg11[%swap3A_1351, %swap3A_1352], %swap3A_1355 {strides = array<i32>} : memref<22x112xf32, #tpu.memory_space<vmem>>, vector<1x16xf32>,
      %swap3A_1356 = arith.constant 10 : i32
      %swap3A_1357 = arith.index_cast %swap3A_1356 : i32 to index
      %swap3A_1358 = arith.constant 32 : index
      %swap3A_1359 = tpu.vector_load %arg11[%swap3A_1357, %swap3A_1358] {strides = array<i32>} : memref<22x112xf32, #tpu.memory_space<vmem>>, vector<1x16xf32>,
      %swap3A_1360 = vector.shape_cast %swap3A_1359 : vector<1x16xf32> to vector<16xf32>
      %swap3A_1361 = vector.shape_cast %get3A_1134 : vector<16xf32> to vector<1x16xf32>
      tpu.vector_store %arg11[%swap3A_1357, %swap3A_1358], %swap3A_1361 {strides = array<i32>} : memref<22x112xf32, #tpu.memory_space<vmem>>, vector<1x16xf32>,
      %swap3A_1362 = arith.constant 11 : i32
      %swap3A_1363 = arith.index_cast %swap3A_1362 : i32 to index
      %swap3A_1364 = arith.constant 32 : index
      %swap3A_1365 = tpu.vector_load %arg11[%swap3A_1363, %swap3A_1364] {strides = array<i32>} : memref<22x112xf32, #tpu.memory_space<vmem>>, vector<1x16xf32>,
      %swap3A_1366 = vector.shape_cast %swap3A_1365 : vector<1x16xf32> to vector<16xf32>
      %swap3A_1367 = vector.shape_cast %get3A_1144 : vector<16xf32> to vector<1x16xf32>
      tpu.vector_store %arg11[%swap3A_1363, %swap3A_1364], %swap3A_1367 {strides = array<i32>} : memref<22x112xf32, #tpu.memory_space<vmem>>, vector<1x16xf32>,
      %swap3A_1368 = arith.constant 12 : i32
      %swap3A_1369 = arith.index_cast %swap3A_1368 : i32 to index
      %swap3A_1370 = arith.constant 32 : index
      %swap3A_1371 = tpu.vector_load %arg11[%swap3A_1369, %swap3A_1370] {strides = array<i32>} : memref<22x112xf32, #tpu.memory_space<vmem>>, vector<1x16xf32>,
      %swap3A_1372 = vector.shape_cast %swap3A_1371 : vector<1x16xf32> to vector<16xf32>
      %swap3A_1373 = vector.shape_cast %get3A_1149 : vector<16xf32> to vector<1x16xf32>
      tpu.vector_store %arg11[%swap3A_1369, %swap3A_1370], %swap3A_1373 {strides = array<i32>} : memref<22x112xf32, #tpu.memory_space<vmem>>, vector<1x16xf32>,
      %swap3A_1374 = arith.constant 13 : i32
      %swap3A_1375 = arith.index_cast %swap3A_1374 : i32 to index
      %swap3A_1376 = arith.constant 32 : index
      %swap3A_1377 = tpu.vector_load %arg11[%swap3A_1375, %swap3A_1376] {strides = array<i32>} : memref<22x112xf32, #tpu.memory_space<vmem>>, vector<1x16xf32>,
      %swap3A_1378 = vector.shape_cast %swap3A_1377 : vector<1x16xf32> to vector<16xf32>
      %swap3A_1379 = vector.shape_cast %get3A_1159 : vector<16xf32> to vector<1x16xf32>
      tpu.vector_store %arg11[%swap3A_1375, %swap3A_1376], %swap3A_1379 {strides = array<i32>} : memref<22x112xf32, #tpu.memory_space<vmem>>, vector<1x16xf32>,
      %swap3A_1380 = arith.constant 14 : i32
      %swap3A_1381 = arith.index_cast %swap3A_1380 : i32 to index
      %swap3A_1382 = arith.constant 32 : index
      %swap3A_1383 = tpu.vector_load %arg11[%swap3A_1381, %swap3A_1382] {strides = array<i32>} : memref<22x112xf32, #tpu.memory_space<vmem>>, vector<1x16xf32>,
      %swap3A_1384 = vector.shape_cast %swap3A_1383 : vector<1x16xf32> to vector<16xf32>
      %swap3A_1385 = vector.shape_cast %get3A_1164 : vector<16xf32> to vector<1x16xf32>
      tpu.vector_store %arg11[%swap3A_1381, %swap3A_1382], %swap3A_1385 {strides = array<i32>} : memref<22x112xf32, #tpu.memory_space<vmem>>, vector<1x16xf32>,
      %swap3A_1386 = arith.constant 15 : i32
      %swap3A_1387 = arith.index_cast %swap3A_1386 : i32 to index
      %swap3A_1388 = arith.constant 32 : index
      %swap3A_1389 = tpu.vector_load %arg11[%swap3A_1387, %swap3A_1388] {strides = array<i32>} : memref<22x112xf32, #tpu.memory_space<vmem>>, vector<1x16xf32>,
      %swap3A_1390 = vector.shape_cast %swap3A_1389 : vector<1x16xf32> to vector<16xf32>
      %swap3A_1391 = vector.shape_cast %get3A_1174 : vector<16xf32> to vector<1x16xf32>
      tpu.vector_store %arg11[%swap3A_1387, %swap3A_1388], %swap3A_1391 {strides = array<i32>} : memref<22x112xf32, #tpu.memory_space<vmem>>, vector<1x16xf32>,
      %swap3A_1392 = arith.constant 16 : i32
      %swap3A_1393 = arith.index_cast %swap3A_1392 : i32 to index
      %swap3A_1394 = arith.constant 32 : index
      %swap3A_1395 = tpu.vector_load %arg11[%swap3A_1393, %swap3A_1394] {strides = array<i32>} : memref<22x112xf32, #tpu.memory_space<vmem>>, vector<1x16xf32>,
      %swap3A_1396 = vector.shape_cast %swap3A_1395 : vector<1x16xf32> to vector<16xf32>
      %swap3A_1397 = vector.shape_cast %get3A_1179 : vector<16xf32> to vector<1x16xf32>
      tpu.vector_store %arg11[%swap3A_1393, %swap3A_1394], %swap3A_1397 {strides = array<i32>} : memref<22x112xf32, #tpu.memory_space<vmem>>, vector<1x16xf32>,
      %swap3A_1398 = arith.constant 17 : i32
      %swap3A_1399 = arith.index_cast %swap3A_1398 : i32 to index
      %swap3A_1400 = arith.constant 32 : index
      %swap3A_1401 = tpu.vector_load %arg11[%swap3A_1399, %swap3A_1400] {strides = array<i32>} : memref<22x112xf32, #tpu.memory_space<vmem>>, vector<1x16xf32>,
      %swap3A_1402 = vector.shape_cast %swap3A_1401 : vector<1x16xf32> to vector<16xf32>
      %swap3A_1403 = vector.shape_cast %get3A_1124 : vector<16xf32> to vector<1x16xf32>
      tpu.vector_store %arg11[%swap3A_1399, %swap3A_1400], %swap3A_1403 {strides = array<i32>} : memref<22x112xf32, #tpu.memory_space<vmem>>, vector<1x16xf32>,
      %swap3A_1404 = arith.constant 18 : i32
      %swap3A_1405 = arith.index_cast %swap3A_1404 : i32 to index
      %swap3A_1406 = arith.constant 32 : index
      %swap3A_1407 = tpu.vector_load %arg11[%swap3A_1405, %swap3A_1406] {strides = array<i32>} : memref<22x112xf32, #tpu.memory_space<vmem>>, vector<1x16xf32>,
      %swap3A_1408 = vector.shape_cast %swap3A_1407 : vector<1x16xf32> to vector<16xf32>
      %swap3A_1409 = vector.shape_cast %get3A_1139 : vector<16xf32> to vector<1x16xf32>
      tpu.vector_store %arg11[%swap3A_1405, %swap3A_1406], %swap3A_1409 {strides = array<i32>} : memref<22x112xf32, #tpu.memory_space<vmem>>, vector<1x16xf32>,
      %swap3A_1410 = arith.constant 19 : i32
      %swap3A_1411 = arith.index_cast %swap3A_1410 : i32 to index
      %swap3A_1412 = arith.constant 32 : index
      %swap3A_1413 = tpu.vector_load %arg11[%swap3A_1411, %swap3A_1412] {strides = array<i32>} : memref<22x112xf32, #tpu.memory_space<vmem>>, vector<1x16xf32>,
      %swap3A_1414 = vector.shape_cast %swap3A_1413 : vector<1x16xf32> to vector<16xf32>
      %swap3A_1415 = vector.shape_cast %get3A_1154 : vector<16xf32> to vector<1x16xf32>
      tpu.vector_store %arg11[%swap3A_1411, %swap3A_1412], %swap3A_1415 {strides = array<i32>} : memref<22x112xf32, #tpu.memory_space<vmem>>, vector<1x16xf32>,
      %swap3A_1416 = arith.constant 20 : i32
      %swap3A_1417 = arith.index_cast %swap3A_1416 : i32 to index
      %swap3A_1418 = arith.constant 32 : index
      %swap3A_1419 = tpu.vector_load %arg11[%swap3A_1417, %swap3A_1418] {strides = array<i32>} : memref<22x112xf32, #tpu.memory_space<vmem>>, vector<1x16xf32>,
      %swap3A_1420 = vector.shape_cast %swap3A_1419 : vector<1x16xf32> to vector<16xf32>
      %swap3A_1421 = vector.shape_cast %get3A_1169 : vector<16xf32> to vector<1x16xf32>
      tpu.vector_store %arg11[%swap3A_1417, %swap3A_1418], %swap3A_1421 {strides = array<i32>} : memref<22x112xf32, #tpu.memory_space<vmem>>, vector<1x16xf32>,
      %swap3A_1422 = arith.constant 21 : i32
      %swap3A_1423 = arith.index_cast %swap3A_1422 : i32 to index
      %swap3A_1424 = arith.constant 32 : index
      %swap3A_1425 = tpu.vector_load %arg11[%swap3A_1423, %swap3A_1424] {strides = array<i32>} : memref<22x112xf32, #tpu.memory_space<vmem>>, vector<1x16xf32>,
      %swap3A_1426 = vector.shape_cast %swap3A_1425 : vector<1x16xf32> to vector<16xf32>
      %swap3A_1427 = vector.shape_cast %get3A_1184 : vector<16xf32> to vector<1x16xf32>
      tpu.vector_store %arg11[%swap3A_1423, %swap3A_1424], %swap3A_1427 {strides = array<i32>} : memref<22x112xf32, #tpu.memory_space<vmem>>, vector<1x16xf32>,
      %get3A_1428 = arith.constant 0 : i32
      %get3A_1429 = arith.index_cast %get3A_1428 : i32 to index
      %get3A_1430 = arith.constant 48 : index
      %get3A_1431 = tpu.vector_load %arg10[%get3A_1429, %get3A_1430] {strides = array<i32>} : memref<20x112xf32, #tpu.memory_space<vmem>>, vector<1x16xf32>,
      %get3A_1432 = vector.shape_cast %get3A_1431 : vector<1x16xf32> to vector<16xf32>
      %get3A_1433 = arith.constant 1 : i32
      %get3A_1434 = arith.index_cast %get3A_1433 : i32 to index
      %get3A_1435 = arith.constant 48 : index
      %get3A_1436 = tpu.vector_load %arg10[%get3A_1434, %get3A_1435] {strides = array<i32>} : memref<20x112xf32, #tpu.memory_space<vmem>>, vector<1x16xf32>,
      %get3A_1437 = vector.shape_cast %get3A_1436 : vector<1x16xf32> to vector<16xf32>
      %get3A_1438 = arith.constant 2 : i32
      %get3A_1439 = arith.index_cast %get3A_1438 : i32 to index
      %get3A_1440 = arith.constant 48 : index
      %get3A_1441 = tpu.vector_load %arg10[%get3A_1439, %get3A_1440] {strides = array<i32>} : memref<20x112xf32, #tpu.memory_space<vmem>>, vector<1x16xf32>,
      %get3A_1442 = vector.shape_cast %get3A_1441 : vector<1x16xf32> to vector<16xf32>
      %get3A_1443 = arith.constant 3 : i32
      %get3A_1444 = arith.index_cast %get3A_1443 : i32 to index
      %get3A_1445 = arith.constant 48 : index
      %get3A_1446 = tpu.vector_load %arg10[%get3A_1444, %get3A_1445] {strides = array<i32>} : memref<20x112xf32, #tpu.memory_space<vmem>>, vector<1x16xf32>,
      %get3A_1447 = vector.shape_cast %get3A_1446 : vector<1x16xf32> to vector<16xf32>
      %get3A_1448 = arith.constant 4 : i32
      %get3A_1449 = arith.index_cast %get3A_1448 : i32 to index
      %get3A_1450 = arith.constant 48 : index
      %get3A_1451 = tpu.vector_load %arg10[%get3A_1449, %get3A_1450] {strides = array<i32>} : memref<20x112xf32, #tpu.memory_space<vmem>>, vector<1x16xf32>,
      %get3A_1452 = vector.shape_cast %get3A_1451 : vector<1x16xf32> to vector<16xf32>
      %get3A_1453 = arith.constant 5 : i32
      %get3A_1454 = arith.index_cast %get3A_1453 : i32 to index
      %get3A_1455 = arith.constant 48 : index
      %get3A_1456 = tpu.vector_load %arg10[%get3A_1454, %get3A_1455] {strides = array<i32>} : memref<20x112xf32, #tpu.memory_space<vmem>>, vector<1x16xf32>,
      %get3A_1457 = vector.shape_cast %get3A_1456 : vector<1x16xf32> to vector<16xf32>
      %get3A_1458 = arith.constant 6 : i32
      %get3A_1459 = arith.index_cast %get3A_1458 : i32 to index
      %get3A_1460 = arith.constant 48 : index
      %get3A_1461 = tpu.vector_load %arg10[%get3A_1459, %get3A_1460] {strides = array<i32>} : memref<20x112xf32, #tpu.memory_space<vmem>>, vector<1x16xf32>,
      %get3A_1462 = vector.shape_cast %get3A_1461 : vector<1x16xf32> to vector<16xf32>
      %get3A_1463 = arith.constant 7 : i32
      %get3A_1464 = arith.index_cast %get3A_1463 : i32 to index
      %get3A_1465 = arith.constant 48 : index
      %get3A_1466 = tpu.vector_load %arg10[%get3A_1464, %get3A_1465] {strides = array<i32>} : memref<20x112xf32, #tpu.memory_space<vmem>>, vector<1x16xf32>,
      %get3A_1467 = vector.shape_cast %get3A_1466 : vector<1x16xf32> to vector<16xf32>
      %get3A_1468 = arith.constant 8 : i32
      %get3A_1469 = arith.index_cast %get3A_1468 : i32 to index
      %get3A_1470 = arith.constant 48 : index
      %get3A_1471 = tpu.vector_load %arg10[%get3A_1469, %get3A_1470] {strides = array<i32>} : memref<20x112xf32, #tpu.memory_space<vmem>>, vector<1x16xf32>,
      %get3A_1472 = vector.shape_cast %get3A_1471 : vector<1x16xf32> to vector<16xf32>
      %get3A_1473 = arith.constant 9 : i32
      %get3A_1474 = arith.index_cast %get3A_1473 : i32 to index
      %get3A_1475 = arith.constant 48 : index
      %get3A_1476 = tpu.vector_load %arg10[%get3A_1474, %get3A_1475] {strides = array<i32>} : memref<20x112xf32, #tpu.memory_space<vmem>>, vector<1x16xf32>,
      %get3A_1477 = vector.shape_cast %get3A_1476 : vector<1x16xf32> to vector<16xf32>
      %get3A_1478 = arith.constant 10 : i32
      %get3A_1479 = arith.index_cast %get3A_1478 : i32 to index
      %get3A_1480 = arith.constant 48 : index
      %get3A_1481 = tpu.vector_load %arg10[%get3A_1479, %get3A_1480] {strides = array<i32>} : memref<20x112xf32, #tpu.memory_space<vmem>>, vector<1x16xf32>,
      %get3A_1482 = vector.shape_cast %get3A_1481 : vector<1x16xf32> to vector<16xf32>
      %get3A_1483 = arith.constant 11 : i32
      %get3A_1484 = arith.index_cast %get3A_1483 : i32 to index
      %get3A_1485 = arith.constant 48 : index
      %get3A_1486 = tpu.vector_load %arg10[%get3A_1484, %get3A_1485] {strides = array<i32>} : memref<20x112xf32, #tpu.memory_space<vmem>>, vector<1x16xf32>,
      %get3A_1487 = vector.shape_cast %get3A_1486 : vector<1x16xf32> to vector<16xf32>
      %get3A_1488 = arith.constant 12 : i32
      %get3A_1489 = arith.index_cast %get3A_1488 : i32 to index
      %get3A_1490 = arith.constant 48 : index
      %get3A_1491 = tpu.vector_load %arg10[%get3A_1489, %get3A_1490] {strides = array<i32>} : memref<20x112xf32, #tpu.memory_space<vmem>>, vector<1x16xf32>,
      %get3A_1492 = vector.shape_cast %get3A_1491 : vector<1x16xf32> to vector<16xf32>
      %get3A_1493 = arith.constant 13 : i32
      %get3A_1494 = arith.index_cast %get3A_1493 : i32 to index
      %get3A_1495 = arith.constant 48 : index
      %get3A_1496 = tpu.vector_load %arg10[%get3A_1494, %get3A_1495] {strides = array<i32>} : memref<20x112xf32, #tpu.memory_space<vmem>>, vector<1x16xf32>,
      %get3A_1497 = vector.shape_cast %get3A_1496 : vector<1x16xf32> to vector<16xf32>
      %get3A_1498 = arith.constant 14 : i32
      %get3A_1499 = arith.index_cast %get3A_1498 : i32 to index
      %get3A_1500 = arith.constant 48 : index
      %get3A_1501 = tpu.vector_load %arg10[%get3A_1499, %get3A_1500] {strides = array<i32>} : memref<20x112xf32, #tpu.memory_space<vmem>>, vector<1x16xf32>,
      %get3A_1502 = vector.shape_cast %get3A_1501 : vector<1x16xf32> to vector<16xf32>
      %get3A_1503 = arith.constant 15 : i32
      %get3A_1504 = arith.index_cast %get3A_1503 : i32 to index
      %get3A_1505 = arith.constant 48 : index
      %get3A_1506 = tpu.vector_load %arg10[%get3A_1504, %get3A_1505] {strides = array<i32>} : memref<20x112xf32, #tpu.memory_space<vmem>>, vector<1x16xf32>,
      %get3A_1507 = vector.shape_cast %get3A_1506 : vector<1x16xf32> to vector<16xf32>
      %get3A_1508 = arith.constant 16 : i32
      %get3A_1509 = arith.index_cast %get3A_1508 : i32 to index
      %get3A_1510 = arith.constant 48 : index
      %get3A_1511 = tpu.vector_load %arg10[%get3A_1509, %get3A_1510] {strides = array<i32>} : memref<20x112xf32, #tpu.memory_space<vmem>>, vector<1x16xf32>,
      %get3A_1512 = vector.shape_cast %get3A_1511 : vector<1x16xf32> to vector<16xf32>
      %get3A_1513 = arith.constant 17 : i32
      %get3A_1514 = arith.index_cast %get3A_1513 : i32 to index
      %get3A_1515 = arith.constant 48 : index
      %get3A_1516 = tpu.vector_load %arg10[%get3A_1514, %get3A_1515] {strides = array<i32>} : memref<20x112xf32, #tpu.memory_space<vmem>>, vector<1x16xf32>,
      %get3A_1517 = vector.shape_cast %get3A_1516 : vector<1x16xf32> to vector<16xf32>
      %get3A_1518 = arith.constant 18 : i32
      %get3A_1519 = arith.index_cast %get3A_1518 : i32 to index
      %get3A_1520 = arith.constant 48 : index
      %get3A_1521 = tpu.vector_load %arg10[%get3A_1519, %get3A_1520] {strides = array<i32>} : memref<20x112xf32, #tpu.memory_space<vmem>>, vector<1x16xf32>,
      %get3A_1522 = vector.shape_cast %get3A_1521 : vector<1x16xf32> to vector<16xf32>
      %get3A_1523 = arith.constant 19 : i32
      %get3A_1524 = arith.index_cast %get3A_1523 : i32 to index
      %get3A_1525 = arith.constant 48 : index
      %get3A_1526 = tpu.vector_load %arg10[%get3A_1524, %get3A_1525] {strides = array<i32>} : memref<20x112xf32, #tpu.memory_space<vmem>>, vector<1x16xf32>,
      %get3A_1527 = vector.shape_cast %get3A_1526 : vector<1x16xf32> to vector<16xf32>
      %get3A_1528 = arith.constant 0 : i32
      %get3A_1529 = arith.index_cast %get3A_1528 : i32 to index
      %get3A_1530 = arith.constant 0 : index
      %get3A_1531 = tpu.vector_load %arg9[%get3A_1529, %get3A_1530] {strides = array<i32>} : memref<16x16xf32, #tpu.memory_space<vmem>>, vector<1x16xf32>,
      %get3A_1532 = vector.shape_cast %get3A_1531 : vector<1x16xf32> to vector<16xf32>
      %mul3A_1533 = arith.mulf %get3A_1432, %get3A_1532 : vector<16xf32>
      %get3A_1534 = arith.constant 4 : i32
      %get3A_1535 = arith.index_cast %get3A_1534 : i32 to index
      %get3A_1536 = arith.constant 0 : index
      %get3A_1537 = tpu.vector_load %arg9[%get3A_1535, %get3A_1536] {strides = array<i32>} : memref<16x16xf32, #tpu.memory_space<vmem>>, vector<1x16xf32>,
      %get3A_1538 = vector.shape_cast %get3A_1537 : vector<1x16xf32> to vector<16xf32>
      %mul3A_1539 = arith.mulf %get3A_1437, %get3A_1538 : vector<16xf32>
      %add3A_1540 = arith.addf %mul3A_1533, %mul3A_1539 : vector<16xf32>
      %get3A_1541 = arith.constant 8 : i32
      %get3A_1542 = arith.index_cast %get3A_1541 : i32 to index
      %get3A_1543 = arith.constant 0 : index
      %get3A_1544 = tpu.vector_load %arg9[%get3A_1542, %get3A_1543] {strides = array<i32>} : memref<16x16xf32, #tpu.memory_space<vmem>>, vector<1x16xf32>,
      %get3A_1545 = vector.shape_cast %get3A_1544 : vector<1x16xf32> to vector<16xf32>
      %mul3A_1546 = arith.mulf %get3A_1442, %get3A_1545 : vector<16xf32>
      %add3A_1547 = arith.addf %add3A_1540, %mul3A_1546 : vector<16xf32>
      %get3A_1548 = arith.constant 12 : i32
      %get3A_1549 = arith.index_cast %get3A_1548 : i32 to index
      %get3A_1550 = arith.constant 0 : index
      %get3A_1551 = tpu.vector_load %arg9[%get3A_1549, %get3A_1550] {strides = array<i32>} : memref<16x16xf32, #tpu.memory_space<vmem>>, vector<1x16xf32>,
      %get3A_1552 = vector.shape_cast %get3A_1551 : vector<1x16xf32> to vector<16xf32>
      %mul3A_1553 = arith.mulf %get3A_1447, %get3A_1552 : vector<16xf32>
      %add3A_1554 = arith.addf %add3A_1547, %mul3A_1553 : vector<16xf32>
      %get3A_1555 = arith.constant 1 : i32
      %get3A_1556 = arith.index_cast %get3A_1555 : i32 to index
      %get3A_1557 = arith.constant 0 : index
      %get3A_1558 = tpu.vector_load %arg9[%get3A_1556, %get3A_1557] {strides = array<i32>} : memref<16x16xf32, #tpu.memory_space<vmem>>, vector<1x16xf32>,
      %get3A_1559 = vector.shape_cast %get3A_1558 : vector<1x16xf32> to vector<16xf32>
      %mul3A_1560 = arith.mulf %get3A_1432, %get3A_1559 : vector<16xf32>
      %get3A_1561 = arith.constant 5 : i32
      %get3A_1562 = arith.index_cast %get3A_1561 : i32 to index
      %get3A_1563 = arith.constant 0 : index
      %get3A_1564 = tpu.vector_load %arg9[%get3A_1562, %get3A_1563] {strides = array<i32>} : memref<16x16xf32, #tpu.memory_space<vmem>>, vector<1x16xf32>,
      %get3A_1565 = vector.shape_cast %get3A_1564 : vector<1x16xf32> to vector<16xf32>
      %mul3A_1566 = arith.mulf %get3A_1437, %get3A_1565 : vector<16xf32>
      %add3A_1567 = arith.addf %mul3A_1560, %mul3A_1566 : vector<16xf32>
      %get3A_1568 = arith.constant 9 : i32
      %get3A_1569 = arith.index_cast %get3A_1568 : i32 to index
      %get3A_1570 = arith.constant 0 : index
      %get3A_1571 = tpu.vector_load %arg9[%get3A_1569, %get3A_1570] {strides = array<i32>} : memref<16x16xf32, #tpu.memory_space<vmem>>, vector<1x16xf32>,
      %get3A_1572 = vector.shape_cast %get3A_1571 : vector<1x16xf32> to vector<16xf32>
      %mul3A_1573 = arith.mulf %get3A_1442, %get3A_1572 : vector<16xf32>
      %add3A_1574 = arith.addf %add3A_1567, %mul3A_1573 : vector<16xf32>
      %get3A_1575 = arith.constant 13 : i32
      %get3A_1576 = arith.index_cast %get3A_1575 : i32 to index
      %get3A_1577 = arith.constant 0 : index
      %get3A_1578 = tpu.vector_load %arg9[%get3A_1576, %get3A_1577] {strides = array<i32>} : memref<16x16xf32, #tpu.memory_space<vmem>>, vector<1x16xf32>,
      %get3A_1579 = vector.shape_cast %get3A_1578 : vector<1x16xf32> to vector<16xf32>
      %mul3A_1580 = arith.mulf %get3A_1447, %get3A_1579 : vector<16xf32>
      %add3A_1581 = arith.addf %add3A_1574, %mul3A_1580 : vector<16xf32>
      %get3A_1582 = arith.constant 2 : i32
      %get3A_1583 = arith.index_cast %get3A_1582 : i32 to index
      %get3A_1584 = arith.constant 0 : index
      %get3A_1585 = tpu.vector_load %arg9[%get3A_1583, %get3A_1584] {strides = array<i32>} : memref<16x16xf32, #tpu.memory_space<vmem>>, vector<1x16xf32>,
      %get3A_1586 = vector.shape_cast %get3A_1585 : vector<1x16xf32> to vector<16xf32>
      %mul3A_1587 = arith.mulf %get3A_1432, %get3A_1586 : vector<16xf32>
      %get3A_1588 = arith.constant 6 : i32
      %get3A_1589 = arith.index_cast %get3A_1588 : i32 to index
      %get3A_1590 = arith.constant 0 : index
      %get3A_1591 = tpu.vector_load %arg9[%get3A_1589, %get3A_1590] {strides = array<i32>} : memref<16x16xf32, #tpu.memory_space<vmem>>, vector<1x16xf32>,
      %get3A_1592 = vector.shape_cast %get3A_1591 : vector<1x16xf32> to vector<16xf32>
      %mul3A_1593 = arith.mulf %get3A_1437, %get3A_1592 : vector<16xf32>
      %add3A_1594 = arith.addf %mul3A_1587, %mul3A_1593 : vector<16xf32>
      %get3A_1595 = arith.constant 10 : i32
      %get3A_1596 = arith.index_cast %get3A_1595 : i32 to index
      %get3A_1597 = arith.constant 0 : index
      %get3A_1598 = tpu.vector_load %arg9[%get3A_1596, %get3A_1597] {strides = array<i32>} : memref<16x16xf32, #tpu.memory_space<vmem>>, vector<1x16xf32>,
      %get3A_1599 = vector.shape_cast %get3A_1598 : vector<1x16xf32> to vector<16xf32>
      %mul3A_1600 = arith.mulf %get3A_1442, %get3A_1599 : vector<16xf32>
      %add3A_1601 = arith.addf %add3A_1594, %mul3A_1600 : vector<16xf32>
      %get3A_1602 = arith.constant 14 : i32
      %get3A_1603 = arith.index_cast %get3A_1602 : i32 to index
      %get3A_1604 = arith.constant 0 : index
      %get3A_1605 = tpu.vector_load %arg9[%get3A_1603, %get3A_1604] {strides = array<i32>} : memref<16x16xf32, #tpu.memory_space<vmem>>, vector<1x16xf32>,
      %get3A_1606 = vector.shape_cast %get3A_1605 : vector<1x16xf32> to vector<16xf32>
      %mul3A_1607 = arith.mulf %get3A_1447, %get3A_1606 : vector<16xf32>
      %add3A_1608 = arith.addf %add3A_1601, %mul3A_1607 : vector<16xf32>
      %get3A_1609 = arith.constant 3 : i32
      %get3A_1610 = arith.index_cast %get3A_1609 : i32 to index
      %get3A_1611 = arith.constant 0 : index
      %get3A_1612 = tpu.vector_load %arg9[%get3A_1610, %get3A_1611] {strides = array<i32>} : memref<16x16xf32, #tpu.memory_space<vmem>>, vector<1x16xf32>,
      %get3A_1613 = vector.shape_cast %get3A_1612 : vector<1x16xf32> to vector<16xf32>
      %mul3A_1614 = arith.mulf %get3A_1432, %get3A_1613 : vector<16xf32>
      %get3A_1615 = arith.constant 7 : i32
      %get3A_1616 = arith.index_cast %get3A_1615 : i32 to index
      %get3A_1617 = arith.constant 0 : index
      %get3A_1618 = tpu.vector_load %arg9[%get3A_1616, %get3A_1617] {strides = array<i32>} : memref<16x16xf32, #tpu.memory_space<vmem>>, vector<1x16xf32>,
      %get3A_1619 = vector.shape_cast %get3A_1618 : vector<1x16xf32> to vector<16xf32>
      %mul3A_1620 = arith.mulf %get3A_1437, %get3A_1619 : vector<16xf32>
      %add3A_1621 = arith.addf %mul3A_1614, %mul3A_1620 : vector<16xf32>
      %get3A_1622 = arith.constant 11 : i32
      %get3A_1623 = arith.index_cast %get3A_1622 : i32 to index
      %get3A_1624 = arith.constant 0 : index
      %get3A_1625 = tpu.vector_load %arg9[%get3A_1623, %get3A_1624] {strides = array<i32>} : memref<16x16xf32, #tpu.memory_space<vmem>>, vector<1x16xf32>,
      %get3A_1626 = vector.shape_cast %get3A_1625 : vector<1x16xf32> to vector<16xf32>
      %mul3A_1627 = arith.mulf %get3A_1442, %get3A_1626 : vector<16xf32>
      %add3A_1628 = arith.addf %add3A_1621, %mul3A_1627 : vector<16xf32>
      %get3A_1629 = arith.constant 15 : i32
      %get3A_1630 = arith.index_cast %get3A_1629 : i32 to index
      %get3A_1631 = arith.constant 0 : index
      %get3A_1632 = tpu.vector_load %arg9[%get3A_1630, %get3A_1631] {strides = array<i32>} : memref<16x16xf32, #tpu.memory_space<vmem>>, vector<1x16xf32>,
      %get3A_1633 = vector.shape_cast %get3A_1632 : vector<1x16xf32> to vector<16xf32>
      %mul3A_1634 = arith.mulf %get3A_1447, %get3A_1633 : vector<16xf32>
      %add3A_1635 = arith.addf %add3A_1628, %mul3A_1634 : vector<16xf32>
      %get3A_1636 = arith.constant 48 : index
      %get3A_1637 = tpu.vector_load %arg8[%get3A_1636] {strides = array<i32>} : memref<112xf32, #tpu.memory_space<vmem>>, vector<16xf32>,
      %get3A_1638 = vector.shape_cast %get3A_1637 : vector<16xf32> to vector<16xf32>
      %swap3A_1639 = arith.constant 0 : i32
      %swap3A_1640 = arith.index_cast %swap3A_1639 : i32 to index
      %swap3A_1641 = arith.constant 48 : index
      %swap3A_1642 = tpu.vector_load %arg11[%swap3A_1640, %swap3A_1641] {strides = array<i32>} : memref<22x112xf32, #tpu.memory_space<vmem>>, vector<1x16xf32>,
      %swap3A_1643 = vector.shape_cast %swap3A_1642 : vector<1x16xf32> to vector<16xf32>
      %swap3A_1644 = vector.shape_cast %get3A_1638 : vector<16xf32> to vector<1x16xf32>
      tpu.vector_store %arg11[%swap3A_1640, %swap3A_1641], %swap3A_1644 {strides = array<i32>} : memref<22x112xf32, #tpu.memory_space<vmem>>, vector<1x16xf32>,
      %swap3A_1645 = arith.constant 1 : i32
      %swap3A_1646 = arith.index_cast %swap3A_1645 : i32 to index
      %swap3A_1647 = arith.constant 48 : index
      %swap3A_1648 = tpu.vector_load %arg11[%swap3A_1646, %swap3A_1647] {strides = array<i32>} : memref<22x112xf32, #tpu.memory_space<vmem>>, vector<1x16xf32>,
      %swap3A_1649 = vector.shape_cast %swap3A_1648 : vector<1x16xf32> to vector<16xf32>
      %swap3A_1650 = vector.shape_cast %add3A_1554 : vector<16xf32> to vector<1x16xf32>
      tpu.vector_store %arg11[%swap3A_1646, %swap3A_1647], %swap3A_1650 {strides = array<i32>} : memref<22x112xf32, #tpu.memory_space<vmem>>, vector<1x16xf32>,
      %swap3A_1651 = arith.constant 2 : i32
      %swap3A_1652 = arith.index_cast %swap3A_1651 : i32 to index
      %swap3A_1653 = arith.constant 48 : index
      %swap3A_1654 = tpu.vector_load %arg11[%swap3A_1652, %swap3A_1653] {strides = array<i32>} : memref<22x112xf32, #tpu.memory_space<vmem>>, vector<1x16xf32>,
      %swap3A_1655 = vector.shape_cast %swap3A_1654 : vector<1x16xf32> to vector<16xf32>
      %swap3A_1656 = vector.shape_cast %add3A_1581 : vector<16xf32> to vector<1x16xf32>
      tpu.vector_store %arg11[%swap3A_1652, %swap3A_1653], %swap3A_1656 {strides = array<i32>} : memref<22x112xf32, #tpu.memory_space<vmem>>, vector<1x16xf32>,
      %swap3A_1657 = arith.constant 3 : i32
      %swap3A_1658 = arith.index_cast %swap3A_1657 : i32 to index
      %swap3A_1659 = arith.constant 48 : index
      %swap3A_1660 = tpu.vector_load %arg11[%swap3A_1658, %swap3A_1659] {strides = array<i32>} : memref<22x112xf32, #tpu.memory_space<vmem>>, vector<1x16xf32>,
      %swap3A_1661 = vector.shape_cast %swap3A_1660 : vector<1x16xf32> to vector<16xf32>
      %swap3A_1662 = vector.shape_cast %add3A_1608 : vector<16xf32> to vector<1x16xf32>
      tpu.vector_store %arg11[%swap3A_1658, %swap3A_1659], %swap3A_1662 {strides = array<i32>} : memref<22x112xf32, #tpu.memory_space<vmem>>, vector<1x16xf32>,
      %swap3A_1663 = arith.constant 4 : i32
      %swap3A_1664 = arith.index_cast %swap3A_1663 : i32 to index
      %swap3A_1665 = arith.constant 48 : index
      %swap3A_1666 = tpu.vector_load %arg11[%swap3A_1664, %swap3A_1665] {strides = array<i32>} : memref<22x112xf32, #tpu.memory_space<vmem>>, vector<1x16xf32>,
      %swap3A_1667 = vector.shape_cast %swap3A_1666 : vector<1x16xf32> to vector<16xf32>
      %swap3A_1668 = vector.shape_cast %add3A_1635 : vector<16xf32> to vector<1x16xf32>
      tpu.vector_store %arg11[%swap3A_1664, %swap3A_1665], %swap3A_1668 {strides = array<i32>} : memref<22x112xf32, #tpu.memory_space<vmem>>, vector<1x16xf32>,
      %swap3A_1669 = arith.constant 5 : i32
      %swap3A_1670 = arith.index_cast %swap3A_1669 : i32 to index
      %swap3A_1671 = arith.constant 48 : index
      %swap3A_1672 = tpu.vector_load %arg11[%swap3A_1670, %swap3A_1671] {strides = array<i32>} : memref<22x112xf32, #tpu.memory_space<vmem>>, vector<1x16xf32>,
      %swap3A_1673 = vector.shape_cast %swap3A_1672 : vector<1x16xf32> to vector<16xf32>
      %swap3A_1674 = vector.shape_cast %broadcast_in_dim3A_402 : vector<16xf32> to vector<1x16xf32>
      tpu.vector_store %arg11[%swap3A_1670, %swap3A_1671], %swap3A_1674 {strides = array<i32>} : memref<22x112xf32, #tpu.memory_space<vmem>>, vector<1x16xf32>,
      %swap3A_1675 = arith.constant 6 : i32
      %swap3A_1676 = arith.index_cast %swap3A_1675 : i32 to index
      %swap3A_1677 = arith.constant 48 : index
      %swap3A_1678 = tpu.vector_load %arg11[%swap3A_1676, %swap3A_1677] {strides = array<i32>} : memref<22x112xf32, #tpu.memory_space<vmem>>, vector<1x16xf32>,
      %swap3A_1679 = vector.shape_cast %swap3A_1678 : vector<1x16xf32> to vector<16xf32>
      %swap3A_1680 = vector.shape_cast %get3A_1452 : vector<16xf32> to vector<1x16xf32>
      tpu.vector_store %arg11[%swap3A_1676, %swap3A_1677], %swap3A_1680 {strides = array<i32>} : memref<22x112xf32, #tpu.memory_space<vmem>>, vector<1x16xf32>,
      %swap3A_1681 = arith.constant 7 : i32
      %swap3A_1682 = arith.index_cast %swap3A_1681 : i32 to index
      %swap3A_1683 = arith.constant 48 : index
      %swap3A_1684 = tpu.vector_load %arg11[%swap3A_1682, %swap3A_1683] {strides = array<i32>} : memref<22x112xf32, #tpu.memory_space<vmem>>, vector<1x16xf32>,
      %swap3A_1685 = vector.shape_cast %swap3A_1684 : vector<1x16xf32> to vector<16xf32>
      %swap3A_1686 = vector.shape_cast %get3A_1457 : vector<16xf32> to vector<1x16xf32>
      tpu.vector_store %arg11[%swap3A_1682, %swap3A_1683], %swap3A_1686 {strides = array<i32>} : memref<22x112xf32, #tpu.memory_space<vmem>>, vector<1x16xf32>,
      %swap3A_1687 = arith.constant 8 : i32
      %swap3A_1688 = arith.index_cast %swap3A_1687 : i32 to index
      %swap3A_1689 = arith.constant 48 : index
      %swap3A_1690 = tpu.vector_load %arg11[%swap3A_1688, %swap3A_1689] {strides = array<i32>} : memref<22x112xf32, #tpu.memory_space<vmem>>, vector<1x16xf32>,
      %swap3A_1691 = vector.shape_cast %swap3A_1690 : vector<1x16xf32> to vector<16xf32>
      %swap3A_1692 = vector.shape_cast %get3A_1462 : vector<16xf32> to vector<1x16xf32>
      tpu.vector_store %arg11[%swap3A_1688, %swap3A_1689], %swap3A_1692 {strides = array<i32>} : memref<22x112xf32, #tpu.memory_space<vmem>>, vector<1x16xf32>,
      %swap3A_1693 = arith.constant 9 : i32
      %swap3A_1694 = arith.index_cast %swap3A_1693 : i32 to index
      %swap3A_1695 = arith.constant 48 : index
      %swap3A_1696 = tpu.vector_load %arg11[%swap3A_1694, %swap3A_1695] {strides = array<i32>} : memref<22x112xf32, #tpu.memory_space<vmem>>, vector<1x16xf32>,
      %swap3A_1697 = vector.shape_cast %swap3A_1696 : vector<1x16xf32> to vector<16xf32>
      %swap3A_1698 = vector.shape_cast %get3A_1472 : vector<16xf32> to vector<1x16xf32>
      tpu.vector_store %arg11[%swap3A_1694, %swap3A_1695], %swap3A_1698 {strides = array<i32>} : memref<22x112xf32, #tpu.memory_space<vmem>>, vector<1x16xf32>,
      %swap3A_1699 = arith.constant 10 : i32
      %swap3A_1700 = arith.index_cast %swap3A_1699 : i32 to index
      %swap3A_1701 = arith.constant 48 : index
      %swap3A_1702 = tpu.vector_load %arg11[%swap3A_1700, %swap3A_1701] {strides = array<i32>} : memref<22x112xf32, #tpu.memory_space<vmem>>, vector<1x16xf32>,
      %swap3A_1703 = vector.shape_cast %swap3A_1702 : vector<1x16xf32> to vector<16xf32>
      %swap3A_1704 = vector.shape_cast %get3A_1477 : vector<16xf32> to vector<1x16xf32>
      tpu.vector_store %arg11[%swap3A_1700, %swap3A_1701], %swap3A_1704 {strides = array<i32>} : memref<22x112xf32, #tpu.memory_space<vmem>>, vector<1x16xf32>,
      %swap3A_1705 = arith.constant 11 : i32
      %swap3A_1706 = arith.index_cast %swap3A_1705 : i32 to index
      %swap3A_1707 = arith.constant 48 : index
      %swap3A_1708 = tpu.vector_load %arg11[%swap3A_1706, %swap3A_1707] {strides = array<i32>} : memref<22x112xf32, #tpu.memory_space<vmem>>, vector<1x16xf32>,
      %swap3A_1709 = vector.shape_cast %swap3A_1708 : vector<1x16xf32> to vector<16xf32>
      %swap3A_1710 = vector.shape_cast %get3A_1487 : vector<16xf32> to vector<1x16xf32>
      tpu.vector_store %arg11[%swap3A_1706, %swap3A_1707], %swap3A_1710 {strides = array<i32>} : memref<22x112xf32, #tpu.memory_space<vmem>>, vector<1x16xf32>,
      %swap3A_1711 = arith.constant 12 : i32
      %swap3A_1712 = arith.index_cast %swap3A_1711 : i32 to index
      %swap3A_1713 = arith.constant 48 : index
      %swap3A_1714 = tpu.vector_load %arg11[%swap3A_1712, %swap3A_1713] {strides = array<i32>} : memref<22x112xf32, #tpu.memory_space<vmem>>, vector<1x16xf32>,
      %swap3A_1715 = vector.shape_cast %swap3A_1714 : vector<1x16xf32> to vector<16xf32>
      %swap3A_1716 = vector.shape_cast %get3A_1492 : vector<16xf32> to vector<1x16xf32>
      tpu.vector_store %arg11[%swap3A_1712, %swap3A_1713], %swap3A_1716 {strides = array<i32>} : memref<22x112xf32, #tpu.memory_space<vmem>>, vector<1x16xf32>,
      %swap3A_1717 = arith.constant 13 : i32
      %swap3A_1718 = arith.index_cast %swap3A_1717 : i32 to index
      %swap3A_1719 = arith.constant 48 : index
      %swap3A_1720 = tpu.vector_load %arg11[%swap3A_1718, %swap3A_1719] {strides = array<i32>} : memref<22x112xf32, #tpu.memory_space<vmem>>, vector<1x16xf32>,
      %swap3A_1721 = vector.shape_cast %swap3A_1720 : vector<1x16xf32> to vector<16xf32>
      %swap3A_1722 = vector.shape_cast %get3A_1502 : vector<16xf32> to vector<1x16xf32>
      tpu.vector_store %arg11[%swap3A_1718, %swap3A_1719], %swap3A_1722 {strides = array<i32>} : memref<22x112xf32, #tpu.memory_space<vmem>>, vector<1x16xf32>,
      %swap3A_1723 = arith.constant 14 : i32
      %swap3A_1724 = arith.index_cast %swap3A_1723 : i32 to index
      %swap3A_1725 = arith.constant 48 : index
      %swap3A_1726 = tpu.vector_load %arg11[%swap3A_1724, %swap3A_1725] {strides = array<i32>} : memref<22x112xf32, #tpu.memory_space<vmem>>, vector<1x16xf32>,
      %swap3A_1727 = vector.shape_cast %swap3A_1726 : vector<1x16xf32> to vector<16xf32>
      %swap3A_1728 = vector.shape_cast %get3A_1507 : vector<16xf32> to vector<1x16xf32>
      tpu.vector_store %arg11[%swap3A_1724, %swap3A_1725], %swap3A_1728 {strides = array<i32>} : memref<22x112xf32, #tpu.memory_space<vmem>>, vector<1x16xf32>,
      %swap3A_1729 = arith.constant 15 : i32
      %swap3A_1730 = arith.index_cast %swap3A_1729 : i32 to index
      %swap3A_1731 = arith.constant 48 : index
      %swap3A_1732 = tpu.vector_load %arg11[%swap3A_1730, %swap3A_1731] {strides = array<i32>} : memref<22x112xf32, #tpu.memory_space<vmem>>, vector<1x16xf32>,
      %swap3A_1733 = vector.shape_cast %swap3A_1732 : vector<1x16xf32> to vector<16xf32>
      %swap3A_1734 = vector.shape_cast %get3A_1517 : vector<16xf32> to vector<1x16xf32>
      tpu.vector_store %arg11[%swap3A_1730, %swap3A_1731], %swap3A_1734 {strides = array<i32>} : memref<22x112xf32, #tpu.memory_space<vmem>>, vector<1x16xf32>,
      %swap3A_1735 = arith.constant 16 : i32
      %swap3A_1736 = arith.index_cast %swap3A_1735 : i32 to index
      %swap3A_1737 = arith.constant 48 : index
      %swap3A_1738 = tpu.vector_load %arg11[%swap3A_1736, %swap3A_1737] {strides = array<i32>} : memref<22x112xf32, #tpu.memory_space<vmem>>, vector<1x16xf32>,
      %swap3A_1739 = vector.shape_cast %swap3A_1738 : vector<1x16xf32> to vector<16xf32>
      %swap3A_1740 = vector.shape_cast %get3A_1522 : vector<16xf32> to vector<1x16xf32>
      tpu.vector_store %arg11[%swap3A_1736, %swap3A_1737], %swap3A_1740 {strides = array<i32>} : memref<22x112xf32, #tpu.memory_space<vmem>>, vector<1x16xf32>,
      %swap3A_1741 = arith.constant 17 : i32
      %swap3A_1742 = arith.index_cast %swap3A_1741 : i32 to index
      %swap3A_1743 = arith.constant 48 : index
      %swap3A_1744 = tpu.vector_load %arg11[%swap3A_1742, %swap3A_1743] {strides = array<i32>} : memref<22x112xf32, #tpu.memory_space<vmem>>, vector<1x16xf32>,
      %swap3A_1745 = vector.shape_cast %swap3A_1744 : vector<1x16xf32> to vector<16xf32>
      %swap3A_1746 = vector.shape_cast %get3A_1467 : vector<16xf32> to vector<1x16xf32>
      tpu.vector_store %arg11[%swap3A_1742, %swap3A_1743], %swap3A_1746 {strides = array<i32>} : memref<22x112xf32, #tpu.memory_space<vmem>>, vector<1x16xf32>,
      %swap3A_1747 = arith.constant 18 : i32
      %swap3A_1748 = arith.index_cast %swap3A_1747 : i32 to index
      %swap3A_1749 = arith.constant 48 : index
      %swap3A_1750 = tpu.vector_load %arg11[%swap3A_1748, %swap3A_1749] {strides = array<i32>} : memref<22x112xf32, #tpu.memory_space<vmem>>, vector<1x16xf32>,
      %swap3A_1751 = vector.shape_cast %swap3A_1750 : vector<1x16xf32> to vector<16xf32>
      %swap3A_1752 = vector.shape_cast %get3A_1482 : vector<16xf32> to vector<1x16xf32>
      tpu.vector_store %arg11[%swap3A_1748, %swap3A_1749], %swap3A_1752 {strides = array<i32>} : memref<22x112xf32, #tpu.memory_space<vmem>>, vector<1x16xf32>,
      %swap3A_1753 = arith.constant 19 : i32
      %swap3A_1754 = arith.index_cast %swap3A_1753 : i32 to index
      %swap3A_1755 = arith.constant 48 : index
      %swap3A_1756 = tpu.vector_load %arg11[%swap3A_1754, %swap3A_1755] {strides = array<i32>} : memref<22x112xf32, #tpu.memory_space<vmem>>, vector<1x16xf32>,
      %swap3A_1757 = vector.shape_cast %swap3A_1756 : vector<1x16xf32> to vector<16xf32>
      %swap3A_1758 = vector.shape_cast %get3A_1497 : vector<16xf32> to vector<1x16xf32>
      tpu.vector_store %arg11[%swap3A_1754, %swap3A_1755], %swap3A_1758 {strides = array<i32>} : memref<22x112xf32, #tpu.memory_space<vmem>>, vector<1x16xf32>,
      %swap3A_1759 = arith.constant 20 : i32
      %swap3A_1760 = arith.index_cast %swap3A_1759 : i32 to index
      %swap3A_1761 = arith.constant 48 : index
      %swap3A_1762 = tpu.vector_load %arg11[%swap3A_1760, %swap3A_1761] {strides = array<i32>} : memref<22x112xf32, #tpu.memory_space<vmem>>, vector<1x16xf32>,
      %swap3A_1763 = vector.shape_cast %swap3A_1762 : vector<1x16xf32> to vector<16xf32>
      %swap3A_1764 = vector.shape_cast %get3A_1512 : vector<16xf32> to vector<1x16xf32>
      tpu.vector_store %arg11[%swap3A_1760, %swap3A_1761], %swap3A_1764 {strides = array<i32>} : memref<22x112xf32, #tpu.memory_space<vmem>>, vector<1x16xf32>,
      %swap3A_1765 = arith.constant 21 : i32
      %swap3A_1766 = arith.index_cast %swap3A_1765 : i32 to index
      %swap3A_1767 = arith.constant 48 : index
      %swap3A_1768 = tpu.vector_load %arg11[%swap3A_1766, %swap3A_1767] {strides = array<i32>} : memref<22x112xf32, #tpu.memory_space<vmem>>, vector<1x16xf32>,
      %swap3A_1769 = vector.shape_cast %swap3A_1768 : vector<1x16xf32> to vector<16xf32>
      %swap3A_1770 = vector.shape_cast %get3A_1527 : vector<16xf32> to vector<1x16xf32>
      tpu.vector_store %arg11[%swap3A_1766, %swap3A_1767], %swap3A_1770 {strides = array<i32>} : memref<22x112xf32, #tpu.memory_space<vmem>>, vector<1x16xf32>,
      %get3A_1771 = arith.constant 0 : i32
      %get3A_1772 = arith.index_cast %get3A_1771 : i32 to index
      %get3A_1773 = arith.constant 64 : index
      %get3A_1774 = tpu.vector_load %arg10[%get3A_1772, %get3A_1773] {strides = array<i32>} : memref<20x112xf32, #tpu.memory_space<vmem>>, vector<1x16xf32>,
      %get3A_1775 = vector.shape_cast %get3A_1774 : vector<1x16xf32> to vector<16xf32>
      %get3A_1776 = arith.constant 1 : i32
      %get3A_1777 = arith.index_cast %get3A_1776 : i32 to index
      %get3A_1778 = arith.constant 64 : index
      %get3A_1779 = tpu.vector_load %arg10[%get3A_1777, %get3A_1778] {strides = array<i32>} : memref<20x112xf32, #tpu.memory_space<vmem>>, vector<1x16xf32>,
      %get3A_1780 = vector.shape_cast %get3A_1779 : vector<1x16xf32> to vector<16xf32>
      %get3A_1781 = arith.constant 2 : i32
      %get3A_1782 = arith.index_cast %get3A_1781 : i32 to index
      %get3A_1783 = arith.constant 64 : index
      %get3A_1784 = tpu.vector_load %arg10[%get3A_1782, %get3A_1783] {strides = array<i32>} : memref<20x112xf32, #tpu.memory_space<vmem>>, vector<1x16xf32>,
      %get3A_1785 = vector.shape_cast %get3A_1784 : vector<1x16xf32> to vector<16xf32>
      %get3A_1786 = arith.constant 3 : i32
      %get3A_1787 = arith.index_cast %get3A_1786 : i32 to index
      %get3A_1788 = arith.constant 64 : index
      %get3A_1789 = tpu.vector_load %arg10[%get3A_1787, %get3A_1788] {strides = array<i32>} : memref<20x112xf32, #tpu.memory_space<vmem>>, vector<1x16xf32>,
      %get3A_1790 = vector.shape_cast %get3A_1789 : vector<1x16xf32> to vector<16xf32>
      %get3A_1791 = arith.constant 4 : i32
      %get3A_1792 = arith.index_cast %get3A_1791 : i32 to index
      %get3A_1793 = arith.constant 64 : index
      %get3A_1794 = tpu.vector_load %arg10[%get3A_1792, %get3A_1793] {strides = array<i32>} : memref<20x112xf32, #tpu.memory_space<vmem>>, vector<1x16xf32>,
      %get3A_1795 = vector.shape_cast %get3A_1794 : vector<1x16xf32> to vector<16xf32>
      %get3A_1796 = arith.constant 5 : i32
      %get3A_1797 = arith.index_cast %get3A_1796 : i32 to index
      %get3A_1798 = arith.constant 64 : index
      %get3A_1799 = tpu.vector_load %arg10[%get3A_1797, %get3A_1798] {strides = array<i32>} : memref<20x112xf32, #tpu.memory_space<vmem>>, vector<1x16xf32>,
      %get3A_1800 = vector.shape_cast %get3A_1799 : vector<1x16xf32> to vector<16xf32>
      %get3A_1801 = arith.constant 6 : i32
      %get3A_1802 = arith.index_cast %get3A_1801 : i32 to index
      %get3A_1803 = arith.constant 64 : index
      %get3A_1804 = tpu.vector_load %arg10[%get3A_1802, %get3A_1803] {strides = array<i32>} : memref<20x112xf32, #tpu.memory_space<vmem>>, vector<1x16xf32>,
      %get3A_1805 = vector.shape_cast %get3A_1804 : vector<1x16xf32> to vector<16xf32>
      %get3A_1806 = arith.constant 7 : i32
      %get3A_1807 = arith.index_cast %get3A_1806 : i32 to index
      %get3A_1808 = arith.constant 64 : index
      %get3A_1809 = tpu.vector_load %arg10[%get3A_1807, %get3A_1808] {strides = array<i32>} : memref<20x112xf32, #tpu.memory_space<vmem>>, vector<1x16xf32>,
      %get3A_1810 = vector.shape_cast %get3A_1809 : vector<1x16xf32> to vector<16xf32>
      %get3A_1811 = arith.constant 8 : i32
      %get3A_1812 = arith.index_cast %get3A_1811 : i32 to index
      %get3A_1813 = arith.constant 64 : index
      %get3A_1814 = tpu.vector_load %arg10[%get3A_1812, %get3A_1813] {strides = array<i32>} : memref<20x112xf32, #tpu.memory_space<vmem>>, vector<1x16xf32>,
      %get3A_1815 = vector.shape_cast %get3A_1814 : vector<1x16xf32> to vector<16xf32>
      %get3A_1816 = arith.constant 9 : i32
      %get3A_1817 = arith.index_cast %get3A_1816 : i32 to index
      %get3A_1818 = arith.constant 64 : index
      %get3A_1819 = tpu.vector_load %arg10[%get3A_1817, %get3A_1818] {strides = array<i32>} : memref<20x112xf32, #tpu.memory_space<vmem>>, vector<1x16xf32>,
      %get3A_1820 = vector.shape_cast %get3A_1819 : vector<1x16xf32> to vector<16xf32>
      %get3A_1821 = arith.constant 10 : i32
      %get3A_1822 = arith.index_cast %get3A_1821 : i32 to index
      %get3A_1823 = arith.constant 64 : index
      %get3A_1824 = tpu.vector_load %arg10[%get3A_1822, %get3A_1823] {strides = array<i32>} : memref<20x112xf32, #tpu.memory_space<vmem>>, vector<1x16xf32>,
      %get3A_1825 = vector.shape_cast %get3A_1824 : vector<1x16xf32> to vector<16xf32>
      %get3A_1826 = arith.constant 11 : i32
      %get3A_1827 = arith.index_cast %get3A_1826 : i32 to index
      %get3A_1828 = arith.constant 64 : index
      %get3A_1829 = tpu.vector_load %arg10[%get3A_1827, %get3A_1828] {strides = array<i32>} : memref<20x112xf32, #tpu.memory_space<vmem>>, vector<1x16xf32>,
      %get3A_1830 = vector.shape_cast %get3A_1829 : vector<1x16xf32> to vector<16xf32>
      %get3A_1831 = arith.constant 12 : i32
      %get3A_1832 = arith.index_cast %get3A_1831 : i32 to index
      %get3A_1833 = arith.constant 64 : index
      %get3A_1834 = tpu.vector_load %arg10[%get3A_1832, %get3A_1833] {strides = array<i32>} : memref<20x112xf32, #tpu.memory_space<vmem>>, vector<1x16xf32>,
      %get3A_1835 = vector.shape_cast %get3A_1834 : vector<1x16xf32> to vector<16xf32>
      %get3A_1836 = arith.constant 13 : i32
      %get3A_1837 = arith.index_cast %get3A_1836 : i32 to index
      %get3A_1838 = arith.constant 64 : index
      %get3A_1839 = tpu.vector_load %arg10[%get3A_1837, %get3A_1838] {strides = array<i32>} : memref<20x112xf32, #tpu.memory_space<vmem>>, vector<1x16xf32>,
      %get3A_1840 = vector.shape_cast %get3A_1839 : vector<1x16xf32> to vector<16xf32>
      %get3A_1841 = arith.constant 14 : i32
      %get3A_1842 = arith.index_cast %get3A_1841 : i32 to index
      %get3A_1843 = arith.constant 64 : index
      %get3A_1844 = tpu.vector_load %arg10[%get3A_1842, %get3A_1843] {strides = array<i32>} : memref<20x112xf32, #tpu.memory_space<vmem>>, vector<1x16xf32>,
      %get3A_1845 = vector.shape_cast %get3A_1844 : vector<1x16xf32> to vector<16xf32>
      %get3A_1846 = arith.constant 15 : i32
      %get3A_1847 = arith.index_cast %get3A_1846 : i32 to index
      %get3A_1848 = arith.constant 64 : index
      %get3A_1849 = tpu.vector_load %arg10[%get3A_1847, %get3A_1848] {strides = array<i32>} : memref<20x112xf32, #tpu.memory_space<vmem>>, vector<1x16xf32>,
      %get3A_1850 = vector.shape_cast %get3A_1849 : vector<1x16xf32> to vector<16xf32>
      %get3A_1851 = arith.constant 16 : i32
      %get3A_1852 = arith.index_cast %get3A_1851 : i32 to index
      %get3A_1853 = arith.constant 64 : index
      %get3A_1854 = tpu.vector_load %arg10[%get3A_1852, %get3A_1853] {strides = array<i32>} : memref<20x112xf32, #tpu.memory_space<vmem>>, vector<1x16xf32>,
      %get3A_1855 = vector.shape_cast %get3A_1854 : vector<1x16xf32> to vector<16xf32>
      %get3A_1856 = arith.constant 17 : i32
      %get3A_1857 = arith.index_cast %get3A_1856 : i32 to index
      %get3A_1858 = arith.constant 64 : index
      %get3A_1859 = tpu.vector_load %arg10[%get3A_1857, %get3A_1858] {strides = array<i32>} : memref<20x112xf32, #tpu.memory_space<vmem>>, vector<1x16xf32>,
      %get3A_1860 = vector.shape_cast %get3A_1859 : vector<1x16xf32> to vector<16xf32>
      %get3A_1861 = arith.constant 18 : i32
      %get3A_1862 = arith.index_cast %get3A_1861 : i32 to index
      %get3A_1863 = arith.constant 64 : index
      %get3A_1864 = tpu.vector_load %arg10[%get3A_1862, %get3A_1863] {strides = array<i32>} : memref<20x112xf32, #tpu.memory_space<vmem>>, vector<1x16xf32>,
      %get3A_1865 = vector.shape_cast %get3A_1864 : vector<1x16xf32> to vector<16xf32>
      %get3A_1866 = arith.constant 19 : i32
      %get3A_1867 = arith.index_cast %get3A_1866 : i32 to index
      %get3A_1868 = arith.constant 64 : index
      %get3A_1869 = tpu.vector_load %arg10[%get3A_1867, %get3A_1868] {strides = array<i32>} : memref<20x112xf32, #tpu.memory_space<vmem>>, vector<1x16xf32>,
      %get3A_1870 = vector.shape_cast %get3A_1869 : vector<1x16xf32> to vector<16xf32>
      %get3A_1871 = arith.constant 0 : i32
      %get3A_1872 = arith.index_cast %get3A_1871 : i32 to index
      %get3A_1873 = arith.constant 0 : index
      %get3A_1874 = tpu.vector_load %arg9[%get3A_1872, %get3A_1873] {strides = array<i32>} : memref<16x16xf32, #tpu.memory_space<vmem>>, vector<1x16xf32>,
      %get3A_1875 = vector.shape_cast %get3A_1874 : vector<1x16xf32> to vector<16xf32>
      %mul3A_1876 = arith.mulf %get3A_1775, %get3A_1875 : vector<16xf32>
      %get3A_1877 = arith.constant 4 : i32
      %get3A_1878 = arith.index_cast %get3A_1877 : i32 to index
      %get3A_1879 = arith.constant 0 : index
      %get3A_1880 = tpu.vector_load %arg9[%get3A_1878, %get3A_1879] {strides = array<i32>} : memref<16x16xf32, #tpu.memory_space<vmem>>, vector<1x16xf32>,
      %get3A_1881 = vector.shape_cast %get3A_1880 : vector<1x16xf32> to vector<16xf32>
      %mul3A_1882 = arith.mulf %get3A_1780, %get3A_1881 : vector<16xf32>
      %add3A_1883 = arith.addf %mul3A_1876, %mul3A_1882 : vector<16xf32>
      %get3A_1884 = arith.constant 8 : i32
      %get3A_1885 = arith.index_cast %get3A_1884 : i32 to index
      %get3A_1886 = arith.constant 0 : index
      %get3A_1887 = tpu.vector_load %arg9[%get3A_1885, %get3A_1886] {strides = array<i32>} : memref<16x16xf32, #tpu.memory_space<vmem>>, vector<1x16xf32>,
      %get3A_1888 = vector.shape_cast %get3A_1887 : vector<1x16xf32> to vector<16xf32>
      %mul3A_1889 = arith.mulf %get3A_1785, %get3A_1888 : vector<16xf32>
      %add3A_1890 = arith.addf %add3A_1883, %mul3A_1889 : vector<16xf32>
      %get3A_1891 = arith.constant 12 : i32
      %get3A_1892 = arith.index_cast %get3A_1891 : i32 to index
      %get3A_1893 = arith.constant 0 : index
      %get3A_1894 = tpu.vector_load %arg9[%get3A_1892, %get3A_1893] {strides = array<i32>} : memref<16x16xf32, #tpu.memory_space<vmem>>, vector<1x16xf32>,
      %get3A_1895 = vector.shape_cast %get3A_1894 : vector<1x16xf32> to vector<16xf32>
      %mul3A_1896 = arith.mulf %get3A_1790, %get3A_1895 : vector<16xf32>
      %add3A_1897 = arith.addf %add3A_1890, %mul3A_1896 : vector<16xf32>
      %get3A_1898 = arith.constant 1 : i32
      %get3A_1899 = arith.index_cast %get3A_1898 : i32 to index
      %get3A_1900 = arith.constant 0 : index
      %get3A_1901 = tpu.vector_load %arg9[%get3A_1899, %get3A_1900] {strides = array<i32>} : memref<16x16xf32, #tpu.memory_space<vmem>>, vector<1x16xf32>,
      %get3A_1902 = vector.shape_cast %get3A_1901 : vector<1x16xf32> to vector<16xf32>
      %mul3A_1903 = arith.mulf %get3A_1775, %get3A_1902 : vector<16xf32>
      %get3A_1904 = arith.constant 5 : i32
      %get3A_1905 = arith.index_cast %get3A_1904 : i32 to index
      %get3A_1906 = arith.constant 0 : index
      %get3A_1907 = tpu.vector_load %arg9[%get3A_1905, %get3A_1906] {strides = array<i32>} : memref<16x16xf32, #tpu.memory_space<vmem>>, vector<1x16xf32>,
      %get3A_1908 = vector.shape_cast %get3A_1907 : vector<1x16xf32> to vector<16xf32>
      %mul3A_1909 = arith.mulf %get3A_1780, %get3A_1908 : vector<16xf32>
      %add3A_1910 = arith.addf %mul3A_1903, %mul3A_1909 : vector<16xf32>
      %get3A_1911 = arith.constant 9 : i32
      %get3A_1912 = arith.index_cast %get3A_1911 : i32 to index
      %get3A_1913 = arith.constant 0 : index
      %get3A_1914 = tpu.vector_load %arg9[%get3A_1912, %get3A_1913] {strides = array<i32>} : memref<16x16xf32, #tpu.memory_space<vmem>>, vector<1x16xf32>,
      %get3A_1915 = vector.shape_cast %get3A_1914 : vector<1x16xf32> to vector<16xf32>
      %mul3A_1916 = arith.mulf %get3A_1785, %get3A_1915 : vector<16xf32>
      %add3A_1917 = arith.addf %add3A_1910, %mul3A_1916 : vector<16xf32>
      %get3A_1918 = arith.constant 13 : i32
      %get3A_1919 = arith.index_cast %get3A_1918 : i32 to index
      %get3A_1920 = arith.constant 0 : index
      %get3A_1921 = tpu.vector_load %arg9[%get3A_1919, %get3A_1920] {strides = array<i32>} : memref<16x16xf32, #tpu.memory_space<vmem>>, vector<1x16xf32>,
      %get3A_1922 = vector.shape_cast %get3A_1921 : vector<1x16xf32> to vector<16xf32>
      %mul3A_1923 = arith.mulf %get3A_1790, %get3A_1922 : vector<16xf32>
      %add3A_1924 = arith.addf %add3A_1917, %mul3A_1923 : vector<16xf32>
      %get3A_1925 = arith.constant 2 : i32
      %get3A_1926 = arith.index_cast %get3A_1925 : i32 to index
      %get3A_1927 = arith.constant 0 : index
      %get3A_1928 = tpu.vector_load %arg9[%get3A_1926, %get3A_1927] {strides = array<i32>} : memref<16x16xf32, #tpu.memory_space<vmem>>, vector<1x16xf32>,
      %get3A_1929 = vector.shape_cast %get3A_1928 : vector<1x16xf32> to vector<16xf32>
      %mul3A_1930 = arith.mulf %get3A_1775, %get3A_1929 : vector<16xf32>
      %get3A_1931 = arith.constant 6 : i32
      %get3A_1932 = arith.index_cast %get3A_1931 : i32 to index
      %get3A_1933 = arith.constant 0 : index
      %get3A_1934 = tpu.vector_load %arg9[%get3A_1932, %get3A_1933] {strides = array<i32>} : memref<16x16xf32, #tpu.memory_space<vmem>>, vector<1x16xf32>,
      %get3A_1935 = vector.shape_cast %get3A_1934 : vector<1x16xf32> to vector<16xf32>
      %mul3A_1936 = arith.mulf %get3A_1780, %get3A_1935 : vector<16xf32>
      %add3A_1937 = arith.addf %mul3A_1930, %mul3A_1936 : vector<16xf32>
      %get3A_1938 = arith.constant 10 : i32
      %get3A_1939 = arith.index_cast %get3A_1938 : i32 to index
      %get3A_1940 = arith.constant 0 : index
      %get3A_1941 = tpu.vector_load %arg9[%get3A_1939, %get3A_1940] {strides = array<i32>} : memref<16x16xf32, #tpu.memory_space<vmem>>, vector<1x16xf32>,
      %get3A_1942 = vector.shape_cast %get3A_1941 : vector<1x16xf32> to vector<16xf32>
      %mul3A_1943 = arith.mulf %get3A_1785, %get3A_1942 : vector<16xf32>
      %add3A_1944 = arith.addf %add3A_1937, %mul3A_1943 : vector<16xf32>
      %get3A_1945 = arith.constant 14 : i32
      %get3A_1946 = arith.index_cast %get3A_1945 : i32 to index
      %get3A_1947 = arith.constant 0 : index
      %get3A_1948 = tpu.vector_load %arg9[%get3A_1946, %get3A_1947] {strides = array<i32>} : memref<16x16xf32, #tpu.memory_space<vmem>>, vector<1x16xf32>,
      %get3A_1949 = vector.shape_cast %get3A_1948 : vector<1x16xf32> to vector<16xf32>
      %mul3A_1950 = arith.mulf %get3A_1790, %get3A_1949 : vector<16xf32>
      %add3A_1951 = arith.addf %add3A_1944, %mul3A_1950 : vector<16xf32>
      %get3A_1952 = arith.constant 3 : i32
      %get3A_1953 = arith.index_cast %get3A_1952 : i32 to index
      %get3A_1954 = arith.constant 0 : index
      %get3A_1955 = tpu.vector_load %arg9[%get3A_1953, %get3A_1954] {strides = array<i32>} : memref<16x16xf32, #tpu.memory_space<vmem>>, vector<1x16xf32>,
      %get3A_1956 = vector.shape_cast %get3A_1955 : vector<1x16xf32> to vector<16xf32>
      %mul3A_1957 = arith.mulf %get3A_1775, %get3A_1956 : vector<16xf32>
      %get3A_1958 = arith.constant 7 : i32
      %get3A_1959 = arith.index_cast %get3A_1958 : i32 to index
      %get3A_1960 = arith.constant 0 : index
      %get3A_1961 = tpu.vector_load %arg9[%get3A_1959, %get3A_1960] {strides = array<i32>} : memref<16x16xf32, #tpu.memory_space<vmem>>, vector<1x16xf32>,
      %get3A_1962 = vector.shape_cast %get3A_1961 : vector<1x16xf32> to vector<16xf32>
      %mul3A_1963 = arith.mulf %get3A_1780, %get3A_1962 : vector<16xf32>
      %add3A_1964 = arith.addf %mul3A_1957, %mul3A_1963 : vector<16xf32>
      %get3A_1965 = arith.constant 11 : i32
      %get3A_1966 = arith.index_cast %get3A_1965 : i32 to index
      %get3A_1967 = arith.constant 0 : index
      %get3A_1968 = tpu.vector_load %arg9[%get3A_1966, %get3A_1967] {strides = array<i32>} : memref<16x16xf32, #tpu.memory_space<vmem>>, vector<1x16xf32>,
      %get3A_1969 = vector.shape_cast %get3A_1968 : vector<1x16xf32> to vector<16xf32>
      %mul3A_1970 = arith.mulf %get3A_1785, %get3A_1969 : vector<16xf32>
      %add3A_1971 = arith.addf %add3A_1964, %mul3A_1970 : vector<16xf32>
      %get3A_1972 = arith.constant 15 : i32
      %get3A_1973 = arith.index_cast %get3A_1972 : i32 to index
      %get3A_1974 = arith.constant 0 : index
      %get3A_1975 = tpu.vector_load %arg9[%get3A_1973, %get3A_1974] {strides = array<i32>} : memref<16x16xf32, #tpu.memory_space<vmem>>, vector<1x16xf32>,
      %get3A_1976 = vector.shape_cast %get3A_1975 : vector<1x16xf32> to vector<16xf32>
      %mul3A_1977 = arith.mulf %get3A_1790, %get3A_1976 : vector<16xf32>
      %add3A_1978 = arith.addf %add3A_1971, %mul3A_1977 : vector<16xf32>
      %get3A_1979 = arith.constant 64 : index
      %get3A_1980 = tpu.vector_load %arg8[%get3A_1979] {strides = array<i32>} : memref<112xf32, #tpu.memory_space<vmem>>, vector<16xf32>,
      %get3A_1981 = vector.shape_cast %get3A_1980 : vector<16xf32> to vector<16xf32>
      %swap3A_1982 = arith.constant 0 : i32
      %swap3A_1983 = arith.index_cast %swap3A_1982 : i32 to index
      %swap3A_1984 = arith.constant 64 : index
      %swap3A_1985 = tpu.vector_load %arg11[%swap3A_1983, %swap3A_1984] {strides = array<i32>} : memref<22x112xf32, #tpu.memory_space<vmem>>, vector<1x16xf32>,
      %swap3A_1986 = vector.shape_cast %swap3A_1985 : vector<1x16xf32> to vector<16xf32>
      %swap3A_1987 = vector.shape_cast %get3A_1981 : vector<16xf32> to vector<1x16xf32>
      tpu.vector_store %arg11[%swap3A_1983, %swap3A_1984], %swap3A_1987 {strides = array<i32>} : memref<22x112xf32, #tpu.memory_space<vmem>>, vector<1x16xf32>,
      %swap3A_1988 = arith.constant 1 : i32
      %swap3A_1989 = arith.index_cast %swap3A_1988 : i32 to index
      %swap3A_1990 = arith.constant 64 : index
      %swap3A_1991 = tpu.vector_load %arg11[%swap3A_1989, %swap3A_1990] {strides = array<i32>} : memref<22x112xf32, #tpu.memory_space<vmem>>, vector<1x16xf32>,
      %swap3A_1992 = vector.shape_cast %swap3A_1991 : vector<1x16xf32> to vector<16xf32>
      %swap3A_1993 = vector.shape_cast %add3A_1897 : vector<16xf32> to vector<1x16xf32>
      tpu.vector_store %arg11[%swap3A_1989, %swap3A_1990], %swap3A_1993 {strides = array<i32>} : memref<22x112xf32, #tpu.memory_space<vmem>>, vector<1x16xf32>,
      %swap3A_1994 = arith.constant 2 : i32
      %swap3A_1995 = arith.index_cast %swap3A_1994 : i32 to index
      %swap3A_1996 = arith.constant 64 : index
      %swap3A_1997 = tpu.vector_load %arg11[%swap3A_1995, %swap3A_1996] {strides = array<i32>} : memref<22x112xf32, #tpu.memory_space<vmem>>, vector<1x16xf32>,
      %swap3A_1998 = vector.shape_cast %swap3A_1997 : vector<1x16xf32> to vector<16xf32>
      %swap3A_1999 = vector.shape_cast %add3A_1924 : vector<16xf32> to vector<1x16xf32>
      tpu.vector_store %arg11[%swap3A_1995, %swap3A_1996], %swap3A_1999 {strides = array<i32>} : memref<22x112xf32, #tpu.memory_space<vmem>>, vector<1x16xf32>,
      %swap3A_2000 = arith.constant 3 : i32
      %swap3A_2001 = arith.index_cast %swap3A_2000 : i32 to index
      %swap3A_2002 = arith.constant 64 : index
      %swap3A_2003 = tpu.vector_load %arg11[%swap3A_2001, %swap3A_2002] {strides = array<i32>} : memref<22x112xf32, #tpu.memory_space<vmem>>, vector<1x16xf32>,
      %swap3A_2004 = vector.shape_cast %swap3A_2003 : vector<1x16xf32> to vector<16xf32>
      %swap3A_2005 = vector.shape_cast %add3A_1951 : vector<16xf32> to vector<1x16xf32>
      tpu.vector_store %arg11[%swap3A_2001, %swap3A_2002], %swap3A_2005 {strides = array<i32>} : memref<22x112xf32, #tpu.memory_space<vmem>>, vector<1x16xf32>,
      %swap3A_2006 = arith.constant 4 : i32
      %swap3A_2007 = arith.index_cast %swap3A_2006 : i32 to index
      %swap3A_2008 = arith.constant 64 : index
      %swap3A_2009 = tpu.vector_load %arg11[%swap3A_2007, %swap3A_2008] {strides = array<i32>} : memref<22x112xf32, #tpu.memory_space<vmem>>, vector<1x16xf32>,
      %swap3A_2010 = vector.shape_cast %swap3A_2009 : vector<1x16xf32> to vector<16xf32>
      %swap3A_2011 = vector.shape_cast %add3A_1978 : vector<16xf32> to vector<1x16xf32>
      tpu.vector_store %arg11[%swap3A_2007, %swap3A_2008], %swap3A_2011 {strides = array<i32>} : memref<22x112xf32, #tpu.memory_space<vmem>>, vector<1x16xf32>,
      %swap3A_2012 = arith.constant 5 : i32
      %swap3A_2013 = arith.index_cast %swap3A_2012 : i32 to index
      %swap3A_2014 = arith.constant 64 : index
      %swap3A_2015 = tpu.vector_load %arg11[%swap3A_2013, %swap3A_2014] {strides = array<i32>} : memref<22x112xf32, #tpu.memory_space<vmem>>, vector<1x16xf32>,
      %swap3A_2016 = vector.shape_cast %swap3A_2015 : vector<1x16xf32> to vector<16xf32>
      %swap3A_2017 = vector.shape_cast %broadcast_in_dim3A_402 : vector<16xf32> to vector<1x16xf32>
      tpu.vector_store %arg11[%swap3A_2013, %swap3A_2014], %swap3A_2017 {strides = array<i32>} : memref<22x112xf32, #tpu.memory_space<vmem>>, vector<1x16xf32>,
      %swap3A_2018 = arith.constant 6 : i32
      %swap3A_2019 = arith.index_cast %swap3A_2018 : i32 to index
      %swap3A_2020 = arith.constant 64 : index
      %swap3A_2021 = tpu.vector_load %arg11[%swap3A_2019, %swap3A_2020] {strides = array<i32>} : memref<22x112xf32, #tpu.memory_space<vmem>>, vector<1x16xf32>,
      %swap3A_2022 = vector.shape_cast %swap3A_2021 : vector<1x16xf32> to vector<16xf32>
      %swap3A_2023 = vector.shape_cast %get3A_1795 : vector<16xf32> to vector<1x16xf32>
      tpu.vector_store %arg11[%swap3A_2019, %swap3A_2020], %swap3A_2023 {strides = array<i32>} : memref<22x112xf32, #tpu.memory_space<vmem>>, vector<1x16xf32>,
      %swap3A_2024 = arith.constant 7 : i32
      %swap3A_2025 = arith.index_cast %swap3A_2024 : i32 to index
      %swap3A_2026 = arith.constant 64 : index
      %swap3A_2027 = tpu.vector_load %arg11[%swap3A_2025, %swap3A_2026] {strides = array<i32>} : memref<22x112xf32, #tpu.memory_space<vmem>>, vector<1x16xf32>,
      %swap3A_2028 = vector.shape_cast %swap3A_2027 : vector<1x16xf32> to vector<16xf32>
      %swap3A_2029 = vector.shape_cast %get3A_1800 : vector<16xf32> to vector<1x16xf32>
      tpu.vector_store %arg11[%swap3A_2025, %swap3A_2026], %swap3A_2029 {strides = array<i32>} : memref<22x112xf32, #tpu.memory_space<vmem>>, vector<1x16xf32>,
      %swap3A_2030 = arith.constant 8 : i32
      %swap3A_2031 = arith.index_cast %swap3A_2030 : i32 to index
      %swap3A_2032 = arith.constant 64 : index
      %swap3A_2033 = tpu.vector_load %arg11[%swap3A_2031, %swap3A_2032] {strides = array<i32>} : memref<22x112xf32, #tpu.memory_space<vmem>>, vector<1x16xf32>,
      %swap3A_2034 = vector.shape_cast %swap3A_2033 : vector<1x16xf32> to vector<16xf32>
      %swap3A_2035 = vector.shape_cast %get3A_1805 : vector<16xf32> to vector<1x16xf32>
      tpu.vector_store %arg11[%swap3A_2031, %swap3A_2032], %swap3A_2035 {strides = array<i32>} : memref<22x112xf32, #tpu.memory_space<vmem>>, vector<1x16xf32>,
      %swap3A_2036 = arith.constant 9 : i32
      %swap3A_2037 = arith.index_cast %swap3A_2036 : i32 to index
      %swap3A_2038 = arith.constant 64 : index
      %swap3A_2039 = tpu.vector_load %arg11[%swap3A_2037, %swap3A_2038] {strides = array<i32>} : memref<22x112xf32, #tpu.memory_space<vmem>>, vector<1x16xf32>,
      %swap3A_2040 = vector.shape_cast %swap3A_2039 : vector<1x16xf32> to vector<16xf32>
      %swap3A_2041 = vector.shape_cast %get3A_1815 : vector<16xf32> to vector<1x16xf32>
      tpu.vector_store %arg11[%swap3A_2037, %swap3A_2038], %swap3A_2041 {strides = array<i32>} : memref<22x112xf32, #tpu.memory_space<vmem>>, vector<1x16xf32>,
      %swap3A_2042 = arith.constant 10 : i32
      %swap3A_2043 = arith.index_cast %swap3A_2042 : i32 to index
      %swap3A_2044 = arith.constant 64 : index
      %swap3A_2045 = tpu.vector_load %arg11[%swap3A_2043, %swap3A_2044] {strides = array<i32>} : memref<22x112xf32, #tpu.memory_space<vmem>>, vector<1x16xf32>,
      %swap3A_2046 = vector.shape_cast %swap3A_2045 : vector<1x16xf32> to vector<16xf32>
      %swap3A_2047 = vector.shape_cast %get3A_1820 : vector<16xf32> to vector<1x16xf32>
      tpu.vector_store %arg11[%swap3A_2043, %swap3A_2044], %swap3A_2047 {strides = array<i32>} : memref<22x112xf32, #tpu.memory_space<vmem>>, vector<1x16xf32>,
      %swap3A_2048 = arith.constant 11 : i32
      %swap3A_2049 = arith.index_cast %swap3A_2048 : i32 to index
      %swap3A_2050 = arith.constant 64 : index
      %swap3A_2051 = tpu.vector_load %arg11[%swap3A_2049, %swap3A_2050] {strides = array<i32>} : memref<22x112xf32, #tpu.memory_space<vmem>>, vector<1x16xf32>,
      %swap3A_2052 = vector.shape_cast %swap3A_2051 : vector<1x16xf32> to vector<16xf32>
      %swap3A_2053 = vector.shape_cast %get3A_1830 : vector<16xf32> to vector<1x16xf32>
      tpu.vector_store %arg11[%swap3A_2049, %swap3A_2050], %swap3A_2053 {strides = array<i32>} : memref<22x112xf32, #tpu.memory_space<vmem>>, vector<1x16xf32>,
      %swap3A_2054 = arith.constant 12 : i32
      %swap3A_2055 = arith.index_cast %swap3A_2054 : i32 to index
      %swap3A_2056 = arith.constant 64 : index
      %swap3A_2057 = tpu.vector_load %arg11[%swap3A_2055, %swap3A_2056] {strides = array<i32>} : memref<22x112xf32, #tpu.memory_space<vmem>>, vector<1x16xf32>,
      %swap3A_2058 = vector.shape_cast %swap3A_2057 : vector<1x16xf32> to vector<16xf32>
      %swap3A_2059 = vector.shape_cast %get3A_1835 : vector<16xf32> to vector<1x16xf32>
      tpu.vector_store %arg11[%swap3A_2055, %swap3A_2056], %swap3A_2059 {strides = array<i32>} : memref<22x112xf32, #tpu.memory_space<vmem>>, vector<1x16xf32>,
      %swap3A_2060 = arith.constant 13 : i32
      %swap3A_2061 = arith.index_cast %swap3A_2060 : i32 to index
      %swap3A_2062 = arith.constant 64 : index
      %swap3A_2063 = tpu.vector_load %arg11[%swap3A_2061, %swap3A_2062] {strides = array<i32>} : memref<22x112xf32, #tpu.memory_space<vmem>>, vector<1x16xf32>,
      %swap3A_2064 = vector.shape_cast %swap3A_2063 : vector<1x16xf32> to vector<16xf32>
      %swap3A_2065 = vector.shape_cast %get3A_1845 : vector<16xf32> to vector<1x16xf32>
      tpu.vector_store %arg11[%swap3A_2061, %swap3A_2062], %swap3A_2065 {strides = array<i32>} : memref<22x112xf32, #tpu.memory_space<vmem>>, vector<1x16xf32>,
      %swap3A_2066 = arith.constant 14 : i32
      %swap3A_2067 = arith.index_cast %swap3A_2066 : i32 to index
      %swap3A_2068 = arith.constant 64 : index
      %swap3A_2069 = tpu.vector_load %arg11[%swap3A_2067, %swap3A_2068] {strides = array<i32>} : memref<22x112xf32, #tpu.memory_space<vmem>>, vector<1x16xf32>,
      %swap3A_2070 = vector.shape_cast %swap3A_2069 : vector<1x16xf32> to vector<16xf32>
      %swap3A_2071 = vector.shape_cast %get3A_1850 : vector<16xf32> to vector<1x16xf32>
      tpu.vector_store %arg11[%swap3A_2067, %swap3A_2068], %swap3A_2071 {strides = array<i32>} : memref<22x112xf32, #tpu.memory_space<vmem>>, vector<1x16xf32>,
      %swap3A_2072 = arith.constant 15 : i32
      %swap3A_2073 = arith.index_cast %swap3A_2072 : i32 to index
      %swap3A_2074 = arith.constant 64 : index
      %swap3A_2075 = tpu.vector_load %arg11[%swap3A_2073, %swap3A_2074] {strides = array<i32>} : memref<22x112xf32, #tpu.memory_space<vmem>>, vector<1x16xf32>,
      %swap3A_2076 = vector.shape_cast %swap3A_2075 : vector<1x16xf32> to vector<16xf32>
      %swap3A_2077 = vector.shape_cast %get3A_1860 : vector<16xf32> to vector<1x16xf32>
      tpu.vector_store %arg11[%swap3A_2073, %swap3A_2074], %swap3A_2077 {strides = array<i32>} : memref<22x112xf32, #tpu.memory_space<vmem>>, vector<1x16xf32>,
      %swap3A_2078 = arith.constant 16 : i32
      %swap3A_2079 = arith.index_cast %swap3A_2078 : i32 to index
      %swap3A_2080 = arith.constant 64 : index
      %swap3A_2081 = tpu.vector_load %arg11[%swap3A_2079, %swap3A_2080] {strides = array<i32>} : memref<22x112xf32, #tpu.memory_space<vmem>>, vector<1x16xf32>,
      %swap3A_2082 = vector.shape_cast %swap3A_2081 : vector<1x16xf32> to vector<16xf32>
      %swap3A_2083 = vector.shape_cast %get3A_1865 : vector<16xf32> to vector<1x16xf32>
      tpu.vector_store %arg11[%swap3A_2079, %swap3A_2080], %swap3A_2083 {strides = array<i32>} : memref<22x112xf32, #tpu.memory_space<vmem>>, vector<1x16xf32>,
      %swap3A_2084 = arith.constant 17 : i32
      %swap3A_2085 = arith.index_cast %swap3A_2084 : i32 to index
      %swap3A_2086 = arith.constant 64 : index
      %swap3A_2087 = tpu.vector_load %arg11[%swap3A_2085, %swap3A_2086] {strides = array<i32>} : memref<22x112xf32, #tpu.memory_space<vmem>>, vector<1x16xf32>,
      %swap3A_2088 = vector.shape_cast %swap3A_2087 : vector<1x16xf32> to vector<16xf32>
      %swap3A_2089 = vector.shape_cast %get3A_1810 : vector<16xf32> to vector<1x16xf32>
      tpu.vector_store %arg11[%swap3A_2085, %swap3A_2086], %swap3A_2089 {strides = array<i32>} : memref<22x112xf32, #tpu.memory_space<vmem>>, vector<1x16xf32>,
      %swap3A_2090 = arith.constant 18 : i32
      %swap3A_2091 = arith.index_cast %swap3A_2090 : i32 to index
      %swap3A_2092 = arith.constant 64 : index
      %swap3A_2093 = tpu.vector_load %arg11[%swap3A_2091, %swap3A_2092] {strides = array<i32>} : memref<22x112xf32, #tpu.memory_space<vmem>>, vector<1x16xf32>,
      %swap3A_2094 = vector.shape_cast %swap3A_2093 : vector<1x16xf32> to vector<16xf32>
      %swap3A_2095 = vector.shape_cast %get3A_1825 : vector<16xf32> to vector<1x16xf32>
      tpu.vector_store %arg11[%swap3A_2091, %swap3A_2092], %swap3A_2095 {strides = array<i32>} : memref<22x112xf32, #tpu.memory_space<vmem>>, vector<1x16xf32>,
      %swap3A_2096 = arith.constant 19 : i32
      %swap3A_2097 = arith.index_cast %swap3A_2096 : i32 to index
      %swap3A_2098 = arith.constant 64 : index
      %swap3A_2099 = tpu.vector_load %arg11[%swap3A_2097, %swap3A_2098] {strides = array<i32>} : memref<22x112xf32, #tpu.memory_space<vmem>>, vector<1x16xf32>,
      %swap3A_2100 = vector.shape_cast %swap3A_2099 : vector<1x16xf32> to vector<16xf32>
      %swap3A_2101 = vector.shape_cast %get3A_1840 : vector<16xf32> to vector<1x16xf32>
      tpu.vector_store %arg11[%swap3A_2097, %swap3A_2098], %swap3A_2101 {strides = array<i32>} : memref<22x112xf32, #tpu.memory_space<vmem>>, vector<1x16xf32>,
      %swap3A_2102 = arith.constant 20 : i32
      %swap3A_2103 = arith.index_cast %swap3A_2102 : i32 to index
      %swap3A_2104 = arith.constant 64 : index
      %swap3A_2105 = tpu.vector_load %arg11[%swap3A_2103, %swap3A_2104] {strides = array<i32>} : memref<22x112xf32, #tpu.memory_space<vmem>>, vector<1x16xf32>,
      %swap3A_2106 = vector.shape_cast %swap3A_2105 : vector<1x16xf32> to vector<16xf32>
      %swap3A_2107 = vector.shape_cast %get3A_1855 : vector<16xf32> to vector<1x16xf32>
      tpu.vector_store %arg11[%swap3A_2103, %swap3A_2104], %swap3A_2107 {strides = array<i32>} : memref<22x112xf32, #tpu.memory_space<vmem>>, vector<1x16xf32>,
      %swap3A_2108 = arith.constant 21 : i32
      %swap3A_2109 = arith.index_cast %swap3A_2108 : i32 to index
      %swap3A_2110 = arith.constant 64 : index
      %swap3A_2111 = tpu.vector_load %arg11[%swap3A_2109, %swap3A_2110] {strides = array<i32>} : memref<22x112xf32, #tpu.memory_space<vmem>>, vector<1x16xf32>,
      %swap3A_2112 = vector.shape_cast %swap3A_2111 : vector<1x16xf32> to vector<16xf32>
      %swap3A_2113 = vector.shape_cast %get3A_1870 : vector<16xf32> to vector<1x16xf32>
      tpu.vector_store %arg11[%swap3A_2109, %swap3A_2110], %swap3A_2113 {strides = array<i32>} : memref<22x112xf32, #tpu.memory_space<vmem>>, vector<1x16xf32>,
      %get3A_2114 = arith.constant 0 : i32
      %get3A_2115 = arith.index_cast %get3A_2114 : i32 to index
      %get3A_2116 = arith.constant 80 : index
      %get3A_2117 = tpu.vector_load %arg10[%get3A_2115, %get3A_2116] {strides = array<i32>} : memref<20x112xf32, #tpu.memory_space<vmem>>, vector<1x16xf32>,
      %get3A_2118 = vector.shape_cast %get3A_2117 : vector<1x16xf32> to vector<16xf32>
      %get3A_2119 = arith.constant 1 : i32
      %get3A_2120 = arith.index_cast %get3A_2119 : i32 to index
      %get3A_2121 = arith.constant 80 : index
      %get3A_2122 = tpu.vector_load %arg10[%get3A_2120, %get3A_2121] {strides = array<i32>} : memref<20x112xf32, #tpu.memory_space<vmem>>, vector<1x16xf32>,
      %get3A_2123 = vector.shape_cast %get3A_2122 : vector<1x16xf32> to vector<16xf32>
      %get3A_2124 = arith.constant 2 : i32
      %get3A_2125 = arith.index_cast %get3A_2124 : i32 to index
      %get3A_2126 = arith.constant 80 : index
      %get3A_2127 = tpu.vector_load %arg10[%get3A_2125, %get3A_2126] {strides = array<i32>} : memref<20x112xf32, #tpu.memory_space<vmem>>, vector<1x16xf32>,
      %get3A_2128 = vector.shape_cast %get3A_2127 : vector<1x16xf32> to vector<16xf32>
      %get3A_2129 = arith.constant 3 : i32
      %get3A_2130 = arith.index_cast %get3A_2129 : i32 to index
      %get3A_2131 = arith.constant 80 : index
      %get3A_2132 = tpu.vector_load %arg10[%get3A_2130, %get3A_2131] {strides = array<i32>} : memref<20x112xf32, #tpu.memory_space<vmem>>, vector<1x16xf32>,
      %get3A_2133 = vector.shape_cast %get3A_2132 : vector<1x16xf32> to vector<16xf32>
      %get3A_2134 = arith.constant 4 : i32
      %get3A_2135 = arith.index_cast %get3A_2134 : i32 to index
      %get3A_2136 = arith.constant 80 : index
      %get3A_2137 = tpu.vector_load %arg10[%get3A_2135, %get3A_2136] {strides = array<i32>} : memref<20x112xf32, #tpu.memory_space<vmem>>, vector<1x16xf32>,
      %get3A_2138 = vector.shape_cast %get3A_2137 : vector<1x16xf32> to vector<16xf32>
      %get3A_2139 = arith.constant 5 : i32
      %get3A_2140 = arith.index_cast %get3A_2139 : i32 to index
      %get3A_2141 = arith.constant 80 : index
      %get3A_2142 = tpu.vector_load %arg10[%get3A_2140, %get3A_2141] {strides = array<i32>} : memref<20x112xf32, #tpu.memory_space<vmem>>, vector<1x16xf32>,
      %get3A_2143 = vector.shape_cast %get3A_2142 : vector<1x16xf32> to vector<16xf32>
      %get3A_2144 = arith.constant 6 : i32
      %get3A_2145 = arith.index_cast %get3A_2144 : i32 to index
      %get3A_2146 = arith.constant 80 : index
      %get3A_2147 = tpu.vector_load %arg10[%get3A_2145, %get3A_2146] {strides = array<i32>} : memref<20x112xf32, #tpu.memory_space<vmem>>, vector<1x16xf32>,
      %get3A_2148 = vector.shape_cast %get3A_2147 : vector<1x16xf32> to vector<16xf32>
      %get3A_2149 = arith.constant 7 : i32
      %get3A_2150 = arith.index_cast %get3A_2149 : i32 to index
      %get3A_2151 = arith.constant 80 : index
      %get3A_2152 = tpu.vector_load %arg10[%get3A_2150, %get3A_2151] {strides = array<i32>} : memref<20x112xf32, #tpu.memory_space<vmem>>, vector<1x16xf32>,
      %get3A_2153 = vector.shape_cast %get3A_2152 : vector<1x16xf32> to vector<16xf32>
      %get3A_2154 = arith.constant 8 : i32
      %get3A_2155 = arith.index_cast %get3A_2154 : i32 to index
      %get3A_2156 = arith.constant 80 : index
      %get3A_2157 = tpu.vector_load %arg10[%get3A_2155, %get3A_2156] {strides = array<i32>} : memref<20x112xf32, #tpu.memory_space<vmem>>, vector<1x16xf32>,
      %get3A_2158 = vector.shape_cast %get3A_2157 : vector<1x16xf32> to vector<16xf32>
      %get3A_2159 = arith.constant 9 : i32
      %get3A_2160 = arith.index_cast %get3A_2159 : i32 to index
      %get3A_2161 = arith.constant 80 : index
      %get3A_2162 = tpu.vector_load %arg10[%get3A_2160, %get3A_2161] {strides = array<i32>} : memref<20x112xf32, #tpu.memory_space<vmem>>, vector<1x16xf32>,
      %get3A_2163 = vector.shape_cast %get3A_2162 : vector<1x16xf32> to vector<16xf32>
      %get3A_2164 = arith.constant 10 : i32
      %get3A_2165 = arith.index_cast %get3A_2164 : i32 to index
      %get3A_2166 = arith.constant 80 : index
      %get3A_2167 = tpu.vector_load %arg10[%get3A_2165, %get3A_2166] {strides = array<i32>} : memref<20x112xf32, #tpu.memory_space<vmem>>, vector<1x16xf32>,
      %get3A_2168 = vector.shape_cast %get3A_2167 : vector<1x16xf32> to vector<16xf32>
      %get3A_2169 = arith.constant 11 : i32
      %get3A_2170 = arith.index_cast %get3A_2169 : i32 to index
      %get3A_2171 = arith.constant 80 : index
      %get3A_2172 = tpu.vector_load %arg10[%get3A_2170, %get3A_2171] {strides = array<i32>} : memref<20x112xf32, #tpu.memory_space<vmem>>, vector<1x16xf32>,
      %get3A_2173 = vector.shape_cast %get3A_2172 : vector<1x16xf32> to vector<16xf32>
      %get3A_2174 = arith.constant 12 : i32
      %get3A_2175 = arith.index_cast %get3A_2174 : i32 to index
      %get3A_2176 = arith.constant 80 : index
      %get3A_2177 = tpu.vector_load %arg10[%get3A_2175, %get3A_2176] {strides = array<i32>} : memref<20x112xf32, #tpu.memory_space<vmem>>, vector<1x16xf32>,
      %get3A_2178 = vector.shape_cast %get3A_2177 : vector<1x16xf32> to vector<16xf32>
      %get3A_2179 = arith.constant 13 : i32
      %get3A_2180 = arith.index_cast %get3A_2179 : i32 to index
      %get3A_2181 = arith.constant 80 : index
      %get3A_2182 = tpu.vector_load %arg10[%get3A_2180, %get3A_2181] {strides = array<i32>} : memref<20x112xf32, #tpu.memory_space<vmem>>, vector<1x16xf32>,
      %get3A_2183 = vector.shape_cast %get3A_2182 : vector<1x16xf32> to vector<16xf32>
      %get3A_2184 = arith.constant 14 : i32
      %get3A_2185 = arith.index_cast %get3A_2184 : i32 to index
      %get3A_2186 = arith.constant 80 : index
      %get3A_2187 = tpu.vector_load %arg10[%get3A_2185, %get3A_2186] {strides = array<i32>} : memref<20x112xf32, #tpu.memory_space<vmem>>, vector<1x16xf32>,
      %get3A_2188 = vector.shape_cast %get3A_2187 : vector<1x16xf32> to vector<16xf32>
      %get3A_2189 = arith.constant 15 : i32
      %get3A_2190 = arith.index_cast %get3A_2189 : i32 to index
      %get3A_2191 = arith.constant 80 : index
      %get3A_2192 = tpu.vector_load %arg10[%get3A_2190, %get3A_2191] {strides = array<i32>} : memref<20x112xf32, #tpu.memory_space<vmem>>, vector<1x16xf32>,
      %get3A_2193 = vector.shape_cast %get3A_2192 : vector<1x16xf32> to vector<16xf32>
      %get3A_2194 = arith.constant 16 : i32
      %get3A_2195 = arith.index_cast %get3A_2194 : i32 to index
      %get3A_2196 = arith.constant 80 : index
      %get3A_2197 = tpu.vector_load %arg10[%get3A_2195, %get3A_2196] {strides = array<i32>} : memref<20x112xf32, #tpu.memory_space<vmem>>, vector<1x16xf32>,
      %get3A_2198 = vector.shape_cast %get3A_2197 : vector<1x16xf32> to vector<16xf32>
      %get3A_2199 = arith.constant 17 : i32
      %get3A_2200 = arith.index_cast %get3A_2199 : i32 to index
      %get3A_2201 = arith.constant 80 : index
      %get3A_2202 = tpu.vector_load %arg10[%get3A_2200, %get3A_2201] {strides = array<i32>} : memref<20x112xf32, #tpu.memory_space<vmem>>, vector<1x16xf32>,
      %get3A_2203 = vector.shape_cast %get3A_2202 : vector<1x16xf32> to vector<16xf32>
      %get3A_2204 = arith.constant 18 : i32
      %get3A_2205 = arith.index_cast %get3A_2204 : i32 to index
      %get3A_2206 = arith.constant 80 : index
      %get3A_2207 = tpu.vector_load %arg10[%get3A_2205, %get3A_2206] {strides = array<i32>} : memref<20x112xf32, #tpu.memory_space<vmem>>, vector<1x16xf32>,
      %get3A_2208 = vector.shape_cast %get3A_2207 : vector<1x16xf32> to vector<16xf32>
      %get3A_2209 = arith.constant 19 : i32
      %get3A_2210 = arith.index_cast %get3A_2209 : i32 to index
      %get3A_2211 = arith.constant 80 : index
      %get3A_2212 = tpu.vector_load %arg10[%get3A_2210, %get3A_2211] {strides = array<i32>} : memref<20x112xf32, #tpu.memory_space<vmem>>, vector<1x16xf32>,
      %get3A_2213 = vector.shape_cast %get3A_2212 : vector<1x16xf32> to vector<16xf32>
      %get3A_2214 = arith.constant 0 : i32
      %get3A_2215 = arith.index_cast %get3A_2214 : i32 to index
      %get3A_2216 = arith.constant 0 : index
      %get3A_2217 = tpu.vector_load %arg9[%get3A_2215, %get3A_2216] {strides = array<i32>} : memref<16x16xf32, #tpu.memory_space<vmem>>, vector<1x16xf32>,
      %get3A_2218 = vector.shape_cast %get3A_2217 : vector<1x16xf32> to vector<16xf32>
      %mul3A_2219 = arith.mulf %get3A_2118, %get3A_2218 : vector<16xf32>
      %get3A_2220 = arith.constant 4 : i32
      %get3A_2221 = arith.index_cast %get3A_2220 : i32 to index
      %get3A_2222 = arith.constant 0 : index
      %get3A_2223 = tpu.vector_load %arg9[%get3A_2221, %get3A_2222] {strides = array<i32>} : memref<16x16xf32, #tpu.memory_space<vmem>>, vector<1x16xf32>,
      %get3A_2224 = vector.shape_cast %get3A_2223 : vector<1x16xf32> to vector<16xf32>
      %mul3A_2225 = arith.mulf %get3A_2123, %get3A_2224 : vector<16xf32>
      %add3A_2226 = arith.addf %mul3A_2219, %mul3A_2225 : vector<16xf32>
      %get3A_2227 = arith.constant 8 : i32
      %get3A_2228 = arith.index_cast %get3A_2227 : i32 to index
      %get3A_2229 = arith.constant 0 : index
      %get3A_2230 = tpu.vector_load %arg9[%get3A_2228, %get3A_2229] {strides = array<i32>} : memref<16x16xf32, #tpu.memory_space<vmem>>, vector<1x16xf32>,
      %get3A_2231 = vector.shape_cast %get3A_2230 : vector<1x16xf32> to vector<16xf32>
      %mul3A_2232 = arith.mulf %get3A_2128, %get3A_2231 : vector<16xf32>
      %add3A_2233 = arith.addf %add3A_2226, %mul3A_2232 : vector<16xf32>
      %get3A_2234 = arith.constant 12 : i32
      %get3A_2235 = arith.index_cast %get3A_2234 : i32 to index
      %get3A_2236 = arith.constant 0 : index
      %get3A_2237 = tpu.vector_load %arg9[%get3A_2235, %get3A_2236] {strides = array<i32>} : memref<16x16xf32, #tpu.memory_space<vmem>>, vector<1x16xf32>,
      %get3A_2238 = vector.shape_cast %get3A_2237 : vector<1x16xf32> to vector<16xf32>
      %mul3A_2239 = arith.mulf %get3A_2133, %get3A_2238 : vector<16xf32>
      %add3A_2240 = arith.addf %add3A_2233, %mul3A_2239 : vector<16xf32>
      %get3A_2241 = arith.constant 1 : i32
      %get3A_2242 = arith.index_cast %get3A_2241 : i32 to index
      %get3A_2243 = arith.constant 0 : index
      %get3A_2244 = tpu.vector_load %arg9[%get3A_2242, %get3A_2243] {strides = array<i32>} : memref<16x16xf32, #tpu.memory_space<vmem>>, vector<1x16xf32>,
      %get3A_2245 = vector.shape_cast %get3A_2244 : vector<1x16xf32> to vector<16xf32>
      %mul3A_2246 = arith.mulf %get3A_2118, %get3A_2245 : vector<16xf32>
      %get3A_2247 = arith.constant 5 : i32
      %get3A_2248 = arith.index_cast %get3A_2247 : i32 to index
      %get3A_2249 = arith.constant 0 : index
      %get3A_2250 = tpu.vector_load %arg9[%get3A_2248, %get3A_2249] {strides = array<i32>} : memref<16x16xf32, #tpu.memory_space<vmem>>, vector<1x16xf32>,
      %get3A_2251 = vector.shape_cast %get3A_2250 : vector<1x16xf32> to vector<16xf32>
      %mul3A_2252 = arith.mulf %get3A_2123, %get3A_2251 : vector<16xf32>
      %add3A_2253 = arith.addf %mul3A_2246, %mul3A_2252 : vector<16xf32>
      %get3A_2254 = arith.constant 9 : i32
      %get3A_2255 = arith.index_cast %get3A_2254 : i32 to index
      %get3A_2256 = arith.constant 0 : index
      %get3A_2257 = tpu.vector_load %arg9[%get3A_2255, %get3A_2256] {strides = array<i32>} : memref<16x16xf32, #tpu.memory_space<vmem>>, vector<1x16xf32>,
      %get3A_2258 = vector.shape_cast %get3A_2257 : vector<1x16xf32> to vector<16xf32>
      %mul3A_2259 = arith.mulf %get3A_2128, %get3A_2258 : vector<16xf32>
      %add3A_2260 = arith.addf %add3A_2253, %mul3A_2259 : vector<16xf32>
      %get3A_2261 = arith.constant 13 : i32
      %get3A_2262 = arith.index_cast %get3A_2261 : i32 to index
      %get3A_2263 = arith.constant 0 : index
      %get3A_2264 = tpu.vector_load %arg9[%get3A_2262, %get3A_2263] {strides = array<i32>} : memref<16x16xf32, #tpu.memory_space<vmem>>, vector<1x16xf32>,
      %get3A_2265 = vector.shape_cast %get3A_2264 : vector<1x16xf32> to vector<16xf32>
      %mul3A_2266 = arith.mulf %get3A_2133, %get3A_2265 : vector<16xf32>
      %add3A_2267 = arith.addf %add3A_2260, %mul3A_2266 : vector<16xf32>
      %get3A_2268 = arith.constant 2 : i32
      %get3A_2269 = arith.index_cast %get3A_2268 : i32 to index
      %get3A_2270 = arith.constant 0 : index
      %get3A_2271 = tpu.vector_load %arg9[%get3A_2269, %get3A_2270] {strides = array<i32>} : memref<16x16xf32, #tpu.memory_space<vmem>>, vector<1x16xf32>,
      %get3A_2272 = vector.shape_cast %get3A_2271 : vector<1x16xf32> to vector<16xf32>
      %mul3A_2273 = arith.mulf %get3A_2118, %get3A_2272 : vector<16xf32>
      %get3A_2274 = arith.constant 6 : i32
      %get3A_2275 = arith.index_cast %get3A_2274 : i32 to index
      %get3A_2276 = arith.constant 0 : index
      %get3A_2277 = tpu.vector_load %arg9[%get3A_2275, %get3A_2276] {strides = array<i32>} : memref<16x16xf32, #tpu.memory_space<vmem>>, vector<1x16xf32>,
      %get3A_2278 = vector.shape_cast %get3A_2277 : vector<1x16xf32> to vector<16xf32>
      %mul3A_2279 = arith.mulf %get3A_2123, %get3A_2278 : vector<16xf32>
      %add3A_2280 = arith.addf %mul3A_2273, %mul3A_2279 : vector<16xf32>
      %get3A_2281 = arith.constant 10 : i32
      %get3A_2282 = arith.index_cast %get3A_2281 : i32 to index
      %get3A_2283 = arith.constant 0 : index
      %get3A_2284 = tpu.vector_load %arg9[%get3A_2282, %get3A_2283] {strides = array<i32>} : memref<16x16xf32, #tpu.memory_space<vmem>>, vector<1x16xf32>,
      %get3A_2285 = vector.shape_cast %get3A_2284 : vector<1x16xf32> to vector<16xf32>
      %mul3A_2286 = arith.mulf %get3A_2128, %get3A_2285 : vector<16xf32>
      %add3A_2287 = arith.addf %add3A_2280, %mul3A_2286 : vector<16xf32>
      %get3A_2288 = arith.constant 14 : i32
      %get3A_2289 = arith.index_cast %get3A_2288 : i32 to index
      %get3A_2290 = arith.constant 0 : index
      %get3A_2291 = tpu.vector_load %arg9[%get3A_2289, %get3A_2290] {strides = array<i32>} : memref<16x16xf32, #tpu.memory_space<vmem>>, vector<1x16xf32>,
      %get3A_2292 = vector.shape_cast %get3A_2291 : vector<1x16xf32> to vector<16xf32>
      %mul3A_2293 = arith.mulf %get3A_2133, %get3A_2292 : vector<16xf32>
      %add3A_2294 = arith.addf %add3A_2287, %mul3A_2293 : vector<16xf32>
      %get3A_2295 = arith.constant 3 : i32
      %get3A_2296 = arith.index_cast %get3A_2295 : i32 to index
      %get3A_2297 = arith.constant 0 : index
      %get3A_2298 = tpu.vector_load %arg9[%get3A_2296, %get3A_2297] {strides = array<i32>} : memref<16x16xf32, #tpu.memory_space<vmem>>, vector<1x16xf32>,
      %get3A_2299 = vector.shape_cast %get3A_2298 : vector<1x16xf32> to vector<16xf32>
      %mul3A_2300 = arith.mulf %get3A_2118, %get3A_2299 : vector<16xf32>
      %get3A_2301 = arith.constant 7 : i32
      %get3A_2302 = arith.index_cast %get3A_2301 : i32 to index
      %get3A_2303 = arith.constant 0 : index
      %get3A_2304 = tpu.vector_load %arg9[%get3A_2302, %get3A_2303] {strides = array<i32>} : memref<16x16xf32, #tpu.memory_space<vmem>>, vector<1x16xf32>,
      %get3A_2305 = vector.shape_cast %get3A_2304 : vector<1x16xf32> to vector<16xf32>
      %mul3A_2306 = arith.mulf %get3A_2123, %get3A_2305 : vector<16xf32>
      %add3A_2307 = arith.addf %mul3A_2300, %mul3A_2306 : vector<16xf32>
      %get3A_2308 = arith.constant 11 : i32
      %get3A_2309 = arith.index_cast %get3A_2308 : i32 to index
      %get3A_2310 = arith.constant 0 : index
      %get3A_2311 = tpu.vector_load %arg9[%get3A_2309, %get3A_2310] {strides = array<i32>} : memref<16x16xf32, #tpu.memory_space<vmem>>, vector<1x16xf32>,
      %get3A_2312 = vector.shape_cast %get3A_2311 : vector<1x16xf32> to vector<16xf32>
      %mul3A_2313 = arith.mulf %get3A_2128, %get3A_2312 : vector<16xf32>
      %add3A_2314 = arith.addf %add3A_2307, %mul3A_2313 : vector<16xf32>
      %get3A_2315 = arith.constant 15 : i32
      %get3A_2316 = arith.index_cast %get3A_2315 : i32 to index
      %get3A_2317 = arith.constant 0 : index
      %get3A_2318 = tpu.vector_load %arg9[%get3A_2316, %get3A_2317] {strides = array<i32>} : memref<16x16xf32, #tpu.memory_space<vmem>>, vector<1x16xf32>,
      %get3A_2319 = vector.shape_cast %get3A_2318 : vector<1x16xf32> to vector<16xf32>
      %mul3A_2320 = arith.mulf %get3A_2133, %get3A_2319 : vector<16xf32>
      %add3A_2321 = arith.addf %add3A_2314, %mul3A_2320 : vector<16xf32>
      %get3A_2322 = arith.constant 80 : index
      %get3A_2323 = tpu.vector_load %arg8[%get3A_2322] {strides = array<i32>} : memref<112xf32, #tpu.memory_space<vmem>>, vector<16xf32>,
      %get3A_2324 = vector.shape_cast %get3A_2323 : vector<16xf32> to vector<16xf32>
      %swap3A_2325 = arith.constant 0 : i32
      %swap3A_2326 = arith.index_cast %swap3A_2325 : i32 to index
      %swap3A_2327 = arith.constant 80 : index
      %swap3A_2328 = tpu.vector_load %arg11[%swap3A_2326, %swap3A_2327] {strides = array<i32>} : memref<22x112xf32, #tpu.memory_space<vmem>>, vector<1x16xf32>,
      %swap3A_2329 = vector.shape_cast %swap3A_2328 : vector<1x16xf32> to vector<16xf32>
      %swap3A_2330 = vector.shape_cast %get3A_2324 : vector<16xf32> to vector<1x16xf32>
      tpu.vector_store %arg11[%swap3A_2326, %swap3A_2327], %swap3A_2330 {strides = array<i32>} : memref<22x112xf32, #tpu.memory_space<vmem>>, vector<1x16xf32>,
      %swap3A_2331 = arith.constant 1 : i32
      %swap3A_2332 = arith.index_cast %swap3A_2331 : i32 to index
      %swap3A_2333 = arith.constant 80 : index
      %swap3A_2334 = tpu.vector_load %arg11[%swap3A_2332, %swap3A_2333] {strides = array<i32>} : memref<22x112xf32, #tpu.memory_space<vmem>>, vector<1x16xf32>,
      %swap3A_2335 = vector.shape_cast %swap3A_2334 : vector<1x16xf32> to vector<16xf32>
      %swap3A_2336 = vector.shape_cast %add3A_2240 : vector<16xf32> to vector<1x16xf32>
      tpu.vector_store %arg11[%swap3A_2332, %swap3A_2333], %swap3A_2336 {strides = array<i32>} : memref<22x112xf32, #tpu.memory_space<vmem>>, vector<1x16xf32>,
      %swap3A_2337 = arith.constant 2 : i32
      %swap3A_2338 = arith.index_cast %swap3A_2337 : i32 to index
      %swap3A_2339 = arith.constant 80 : index
      %swap3A_2340 = tpu.vector_load %arg11[%swap3A_2338, %swap3A_2339] {strides = array<i32>} : memref<22x112xf32, #tpu.memory_space<vmem>>, vector<1x16xf32>,
      %swap3A_2341 = vector.shape_cast %swap3A_2340 : vector<1x16xf32> to vector<16xf32>
      %swap3A_2342 = vector.shape_cast %add3A_2267 : vector<16xf32> to vector<1x16xf32>
      tpu.vector_store %arg11[%swap3A_2338, %swap3A_2339], %swap3A_2342 {strides = array<i32>} : memref<22x112xf32, #tpu.memory_space<vmem>>, vector<1x16xf32>,
      %swap3A_2343 = arith.constant 3 : i32
      %swap3A_2344 = arith.index_cast %swap3A_2343 : i32 to index
      %swap3A_2345 = arith.constant 80 : index
      %swap3A_2346 = tpu.vector_load %arg11[%swap3A_2344, %swap3A_2345] {strides = array<i32>} : memref<22x112xf32, #tpu.memory_space<vmem>>, vector<1x16xf32>,
      %swap3A_2347 = vector.shape_cast %swap3A_2346 : vector<1x16xf32> to vector<16xf32>
      %swap3A_2348 = vector.shape_cast %add3A_2294 : vector<16xf32> to vector<1x16xf32>
      tpu.vector_store %arg11[%swap3A_2344, %swap3A_2345], %swap3A_2348 {strides = array<i32>} : memref<22x112xf32, #tpu.memory_space<vmem>>, vector<1x16xf32>,
      %swap3A_2349 = arith.constant 4 : i32
      %swap3A_2350 = arith.index_cast %swap3A_2349 : i32 to index
      %swap3A_2351 = arith.constant 80 : index
      %swap3A_2352 = tpu.vector_load %arg11[%swap3A_2350, %swap3A_2351] {strides = array<i32>} : memref<22x112xf32, #tpu.memory_space<vmem>>, vector<1x16xf32>,
      %swap3A_2353 = vector.shape_cast %swap3A_2352 : vector<1x16xf32> to vector<16xf32>
      %swap3A_2354 = vector.shape_cast %add3A_2321 : vector<16xf32> to vector<1x16xf32>
      tpu.vector_store %arg11[%swap3A_2350, %swap3A_2351], %swap3A_2354 {strides = array<i32>} : memref<22x112xf32, #tpu.memory_space<vmem>>, vector<1x16xf32>,
      %swap3A_2355 = arith.constant 5 : i32
      %swap3A_2356 = arith.index_cast %swap3A_2355 : i32 to index
      %swap3A_2357 = arith.constant 80 : index
      %swap3A_2358 = tpu.vector_load %arg11[%swap3A_2356, %swap3A_2357] {strides = array<i32>} : memref<22x112xf32, #tpu.memory_space<vmem>>, vector<1x16xf32>,
      %swap3A_2359 = vector.shape_cast %swap3A_2358 : vector<1x16xf32> to vector<16xf32>
      %swap3A_2360 = vector.shape_cast %broadcast_in_dim3A_402 : vector<16xf32> to vector<1x16xf32>
      tpu.vector_store %arg11[%swap3A_2356, %swap3A_2357], %swap3A_2360 {strides = array<i32>} : memref<22x112xf32, #tpu.memory_space<vmem>>, vector<1x16xf32>,
      %swap3A_2361 = arith.constant 6 : i32
      %swap3A_2362 = arith.index_cast %swap3A_2361 : i32 to index
      %swap3A_2363 = arith.constant 80 : index
      %swap3A_2364 = tpu.vector_load %arg11[%swap3A_2362, %swap3A_2363] {strides = array<i32>} : memref<22x112xf32, #tpu.memory_space<vmem>>, vector<1x16xf32>,
      %swap3A_2365 = vector.shape_cast %swap3A_2364 : vector<1x16xf32> to vector<16xf32>
      %swap3A_2366 = vector.shape_cast %get3A_2138 : vector<16xf32> to vector<1x16xf32>
      tpu.vector_store %arg11[%swap3A_2362, %swap3A_2363], %swap3A_2366 {strides = array<i32>} : memref<22x112xf32, #tpu.memory_space<vmem>>, vector<1x16xf32>,
      %swap3A_2367 = arith.constant 7 : i32
      %swap3A_2368 = arith.index_cast %swap3A_2367 : i32 to index
      %swap3A_2369 = arith.constant 80 : index
      %swap3A_2370 = tpu.vector_load %arg11[%swap3A_2368, %swap3A_2369] {strides = array<i32>} : memref<22x112xf32, #tpu.memory_space<vmem>>, vector<1x16xf32>,
      %swap3A_2371 = vector.shape_cast %swap3A_2370 : vector<1x16xf32> to vector<16xf32>
      %swap3A_2372 = vector.shape_cast %get3A_2143 : vector<16xf32> to vector<1x16xf32>
      tpu.vector_store %arg11[%swap3A_2368, %swap3A_2369], %swap3A_2372 {strides = array<i32>} : memref<22x112xf32, #tpu.memory_space<vmem>>, vector<1x16xf32>,
      %swap3A_2373 = arith.constant 8 : i32
      %swap3A_2374 = arith.index_cast %swap3A_2373 : i32 to index
      %swap3A_2375 = arith.constant 80 : index
      %swap3A_2376 = tpu.vector_load %arg11[%swap3A_2374, %swap3A_2375] {strides = array<i32>} : memref<22x112xf32, #tpu.memory_space<vmem>>, vector<1x16xf32>,
      %swap3A_2377 = vector.shape_cast %swap3A_2376 : vector<1x16xf32> to vector<16xf32>
      %swap3A_2378 = vector.shape_cast %get3A_2148 : vector<16xf32> to vector<1x16xf32>
      tpu.vector_store %arg11[%swap3A_2374, %swap3A_2375], %swap3A_2378 {strides = array<i32>} : memref<22x112xf32, #tpu.memory_space<vmem>>, vector<1x16xf32>,
      %swap3A_2379 = arith.constant 9 : i32
      %swap3A_2380 = arith.index_cast %swap3A_2379 : i32 to index
      %swap3A_2381 = arith.constant 80 : index
      %swap3A_2382 = tpu.vector_load %arg11[%swap3A_2380, %swap3A_2381] {strides = array<i32>} : memref<22x112xf32, #tpu.memory_space<vmem>>, vector<1x16xf32>,
      %swap3A_2383 = vector.shape_cast %swap3A_2382 : vector<1x16xf32> to vector<16xf32>
      %swap3A_2384 = vector.shape_cast %get3A_2158 : vector<16xf32> to vector<1x16xf32>
      tpu.vector_store %arg11[%swap3A_2380, %swap3A_2381], %swap3A_2384 {strides = array<i32>} : memref<22x112xf32, #tpu.memory_space<vmem>>, vector<1x16xf32>,
      %swap3A_2385 = arith.constant 10 : i32
      %swap3A_2386 = arith.index_cast %swap3A_2385 : i32 to index
      %swap3A_2387 = arith.constant 80 : index
      %swap3A_2388 = tpu.vector_load %arg11[%swap3A_2386, %swap3A_2387] {strides = array<i32>} : memref<22x112xf32, #tpu.memory_space<vmem>>, vector<1x16xf32>,
      %swap3A_2389 = vector.shape_cast %swap3A_2388 : vector<1x16xf32> to vector<16xf32>
      %swap3A_2390 = vector.shape_cast %get3A_2163 : vector<16xf32> to vector<1x16xf32>
      tpu.vector_store %arg11[%swap3A_2386, %swap3A_2387], %swap3A_2390 {strides = array<i32>} : memref<22x112xf32, #tpu.memory_space<vmem>>, vector<1x16xf32>,
      %swap3A_2391 = arith.constant 11 : i32
      %swap3A_2392 = arith.index_cast %swap3A_2391 : i32 to index
      %swap3A_2393 = arith.constant 80 : index
      %swap3A_2394 = tpu.vector_load %arg11[%swap3A_2392, %swap3A_2393] {strides = array<i32>} : memref<22x112xf32, #tpu.memory_space<vmem>>, vector<1x16xf32>,
      %swap3A_2395 = vector.shape_cast %swap3A_2394 : vector<1x16xf32> to vector<16xf32>
      %swap3A_2396 = vector.shape_cast %get3A_2173 : vector<16xf32> to vector<1x16xf32>
      tpu.vector_store %arg11[%swap3A_2392, %swap3A_2393], %swap3A_2396 {strides = array<i32>} : memref<22x112xf32, #tpu.memory_space<vmem>>, vector<1x16xf32>,
      %swap3A_2397 = arith.constant 12 : i32
      %swap3A_2398 = arith.index_cast %swap3A_2397 : i32 to index
      %swap3A_2399 = arith.constant 80 : index
      %swap3A_2400 = tpu.vector_load %arg11[%swap3A_2398, %swap3A_2399] {strides = array<i32>} : memref<22x112xf32, #tpu.memory_space<vmem>>, vector<1x16xf32>,
      %swap3A_2401 = vector.shape_cast %swap3A_2400 : vector<1x16xf32> to vector<16xf32>
      %swap3A_2402 = vector.shape_cast %get3A_2178 : vector<16xf32> to vector<1x16xf32>
      tpu.vector_store %arg11[%swap3A_2398, %swap3A_2399], %swap3A_2402 {strides = array<i32>} : memref<22x112xf32, #tpu.memory_space<vmem>>, vector<1x16xf32>,
      %swap3A_2403 = arith.constant 13 : i32
      %swap3A_2404 = arith.index_cast %swap3A_2403 : i32 to index
      %swap3A_2405 = arith.constant 80 : index
      %swap3A_2406 = tpu.vector_load %arg11[%swap3A_2404, %swap3A_2405] {strides = array<i32>} : memref<22x112xf32, #tpu.memory_space<vmem>>, vector<1x16xf32>,
      %swap3A_2407 = vector.shape_cast %swap3A_2406 : vector<1x16xf32> to vector<16xf32>
      %swap3A_2408 = vector.shape_cast %get3A_2188 : vector<16xf32> to vector<1x16xf32>
      tpu.vector_store %arg11[%swap3A_2404, %swap3A_2405], %swap3A_2408 {strides = array<i32>} : memref<22x112xf32, #tpu.memory_space<vmem>>, vector<1x16xf32>,
      %swap3A_2409 = arith.constant 14 : i32
      %swap3A_2410 = arith.index_cast %swap3A_2409 : i32 to index
      %swap3A_2411 = arith.constant 80 : index
      %swap3A_2412 = tpu.vector_load %arg11[%swap3A_2410, %swap3A_2411] {strides = array<i32>} : memref<22x112xf32, #tpu.memory_space<vmem>>, vector<1x16xf32>,
      %swap3A_2413 = vector.shape_cast %swap3A_2412 : vector<1x16xf32> to vector<16xf32>
      %swap3A_2414 = vector.shape_cast %get3A_2193 : vector<16xf32> to vector<1x16xf32>
      tpu.vector_store %arg11[%swap3A_2410, %swap3A_2411], %swap3A_2414 {strides = array<i32>} : memref<22x112xf32, #tpu.memory_space<vmem>>, vector<1x16xf32>,
      %swap3A_2415 = arith.constant 15 : i32
      %swap3A_2416 = arith.index_cast %swap3A_2415 : i32 to index
      %swap3A_2417 = arith.constant 80 : index
      %swap3A_2418 = tpu.vector_load %arg11[%swap3A_2416, %swap3A_2417] {strides = array<i32>} : memref<22x112xf32, #tpu.memory_space<vmem>>, vector<1x16xf32>,
      %swap3A_2419 = vector.shape_cast %swap3A_2418 : vector<1x16xf32> to vector<16xf32>
      %swap3A_2420 = vector.shape_cast %get3A_2203 : vector<16xf32> to vector<1x16xf32>
      tpu.vector_store %arg11[%swap3A_2416, %swap3A_2417], %swap3A_2420 {strides = array<i32>} : memref<22x112xf32, #tpu.memory_space<vmem>>, vector<1x16xf32>,
      %swap3A_2421 = arith.constant 16 : i32
      %swap3A_2422 = arith.index_cast %swap3A_2421 : i32 to index
      %swap3A_2423 = arith.constant 80 : index
      %swap3A_2424 = tpu.vector_load %arg11[%swap3A_2422, %swap3A_2423] {strides = array<i32>} : memref<22x112xf32, #tpu.memory_space<vmem>>, vector<1x16xf32>,
      %swap3A_2425 = vector.shape_cast %swap3A_2424 : vector<1x16xf32> to vector<16xf32>
      %swap3A_2426 = vector.shape_cast %get3A_2208 : vector<16xf32> to vector<1x16xf32>
      tpu.vector_store %arg11[%swap3A_2422, %swap3A_2423], %swap3A_2426 {strides = array<i32>} : memref<22x112xf32, #tpu.memory_space<vmem>>, vector<1x16xf32>,
      %swap3A_2427 = arith.constant 17 : i32
      %swap3A_2428 = arith.index_cast %swap3A_2427 : i32 to index
      %swap3A_2429 = arith.constant 80 : index
      %swap3A_2430 = tpu.vector_load %arg11[%swap3A_2428, %swap3A_2429] {strides = array<i32>} : memref<22x112xf32, #tpu.memory_space<vmem>>, vector<1x16xf32>,
      %swap3A_2431 = vector.shape_cast %swap3A_2430 : vector<1x16xf32> to vector<16xf32>
      %swap3A_2432 = vector.shape_cast %get3A_2153 : vector<16xf32> to vector<1x16xf32>
      tpu.vector_store %arg11[%swap3A_2428, %swap3A_2429], %swap3A_2432 {strides = array<i32>} : memref<22x112xf32, #tpu.memory_space<vmem>>, vector<1x16xf32>,
      %swap3A_2433 = arith.constant 18 : i32
      %swap3A_2434 = arith.index_cast %swap3A_2433 : i32 to index
      %swap3A_2435 = arith.constant 80 : index
      %swap3A_2436 = tpu.vector_load %arg11[%swap3A_2434, %swap3A_2435] {strides = array<i32>} : memref<22x112xf32, #tpu.memory_space<vmem>>, vector<1x16xf32>,
      %swap3A_2437 = vector.shape_cast %swap3A_2436 : vector<1x16xf32> to vector<16xf32>
      %swap3A_2438 = vector.shape_cast %get3A_2168 : vector<16xf32> to vector<1x16xf32>
      tpu.vector_store %arg11[%swap3A_2434, %swap3A_2435], %swap3A_2438 {strides = array<i32>} : memref<22x112xf32, #tpu.memory_space<vmem>>, vector<1x16xf32>,
      %swap3A_2439 = arith.constant 19 : i32
      %swap3A_2440 = arith.index_cast %swap3A_2439 : i32 to index
      %swap3A_2441 = arith.constant 80 : index
      %swap3A_2442 = tpu.vector_load %arg11[%swap3A_2440, %swap3A_2441] {strides = array<i32>} : memref<22x112xf32, #tpu.memory_space<vmem>>, vector<1x16xf32>,
      %swap3A_2443 = vector.shape_cast %swap3A_2442 : vector<1x16xf32> to vector<16xf32>
      %swap3A_2444 = vector.shape_cast %get3A_2183 : vector<16xf32> to vector<1x16xf32>
      tpu.vector_store %arg11[%swap3A_2440, %swap3A_2441], %swap3A_2444 {strides = array<i32>} : memref<22x112xf32, #tpu.memory_space<vmem>>, vector<1x16xf32>,
      %swap3A_2445 = arith.constant 20 : i32
      %swap3A_2446 = arith.index_cast %swap3A_2445 : i32 to index
      %swap3A_2447 = arith.constant 80 : index
      %swap3A_2448 = tpu.vector_load %arg11[%swap3A_2446, %swap3A_2447] {strides = array<i32>} : memref<22x112xf32, #tpu.memory_space<vmem>>, vector<1x16xf32>,
      %swap3A_2449 = vector.shape_cast %swap3A_2448 : vector<1x16xf32> to vector<16xf32>
      %swap3A_2450 = vector.shape_cast %get3A_2198 : vector<16xf32> to vector<1x16xf32>
      tpu.vector_store %arg11[%swap3A_2446, %swap3A_2447], %swap3A_2450 {strides = array<i32>} : memref<22x112xf32, #tpu.memory_space<vmem>>, vector<1x16xf32>,
      %swap3A_2451 = arith.constant 21 : i32
      %swap3A_2452 = arith.index_cast %swap3A_2451 : i32 to index
      %swap3A_2453 = arith.constant 80 : index
      %swap3A_2454 = tpu.vector_load %arg11[%swap3A_2452, %swap3A_2453] {strides = array<i32>} : memref<22x112xf32, #tpu.memory_space<vmem>>, vector<1x16xf32>,
      %swap3A_2455 = vector.shape_cast %swap3A_2454 : vector<1x16xf32> to vector<16xf32>
      %swap3A_2456 = vector.shape_cast %get3A_2213 : vector<16xf32> to vector<1x16xf32>
      tpu.vector_store %arg11[%swap3A_2452, %swap3A_2453], %swap3A_2456 {strides = array<i32>} : memref<22x112xf32, #tpu.memory_space<vmem>>, vector<1x16xf32>,
      %get3A_2457 = arith.constant 0 : i32
      %get3A_2458 = arith.index_cast %get3A_2457 : i32 to index
      %get3A_2459 = arith.constant 96 : index
      %get3A_2460 = tpu.vector_load %arg10[%get3A_2458, %get3A_2459] {strides = array<i32>} : memref<20x112xf32, #tpu.memory_space<vmem>>, vector<1x16xf32>,
      %get3A_2461 = vector.shape_cast %get3A_2460 : vector<1x16xf32> to vector<16xf32>
      %get3A_2462 = arith.constant 1 : i32
      %get3A_2463 = arith.index_cast %get3A_2462 : i32 to index
      %get3A_2464 = arith.constant 96 : index
      %get3A_2465 = tpu.vector_load %arg10[%get3A_2463, %get3A_2464] {strides = array<i32>} : memref<20x112xf32, #tpu.memory_space<vmem>>, vector<1x16xf32>,
      %get3A_2466 = vector.shape_cast %get3A_2465 : vector<1x16xf32> to vector<16xf32>
      %get3A_2467 = arith.constant 2 : i32
      %get3A_2468 = arith.index_cast %get3A_2467 : i32 to index
      %get3A_2469 = arith.constant 96 : index
      %get3A_2470 = tpu.vector_load %arg10[%get3A_2468, %get3A_2469] {strides = array<i32>} : memref<20x112xf32, #tpu.memory_space<vmem>>, vector<1x16xf32>,
      %get3A_2471 = vector.shape_cast %get3A_2470 : vector<1x16xf32> to vector<16xf32>
      %get3A_2472 = arith.constant 3 : i32
      %get3A_2473 = arith.index_cast %get3A_2472 : i32 to index
      %get3A_2474 = arith.constant 96 : index
      %get3A_2475 = tpu.vector_load %arg10[%get3A_2473, %get3A_2474] {strides = array<i32>} : memref<20x112xf32, #tpu.memory_space<vmem>>, vector<1x16xf32>,
      %get3A_2476 = vector.shape_cast %get3A_2475 : vector<1x16xf32> to vector<16xf32>
      %get3A_2477 = arith.constant 4 : i32
      %get3A_2478 = arith.index_cast %get3A_2477 : i32 to index
      %get3A_2479 = arith.constant 96 : index
      %get3A_2480 = tpu.vector_load %arg10[%get3A_2478, %get3A_2479] {strides = array<i32>} : memref<20x112xf32, #tpu.memory_space<vmem>>, vector<1x16xf32>,
      %get3A_2481 = vector.shape_cast %get3A_2480 : vector<1x16xf32> to vector<16xf32>
      %get3A_2482 = arith.constant 5 : i32
      %get3A_2483 = arith.index_cast %get3A_2482 : i32 to index
      %get3A_2484 = arith.constant 96 : index
      %get3A_2485 = tpu.vector_load %arg10[%get3A_2483, %get3A_2484] {strides = array<i32>} : memref<20x112xf32, #tpu.memory_space<vmem>>, vector<1x16xf32>,
      %get3A_2486 = vector.shape_cast %get3A_2485 : vector<1x16xf32> to vector<16xf32>
      %get3A_2487 = arith.constant 6 : i32
      %get3A_2488 = arith.index_cast %get3A_2487 : i32 to index
      %get3A_2489 = arith.constant 96 : index
      %get3A_2490 = tpu.vector_load %arg10[%get3A_2488, %get3A_2489] {strides = array<i32>} : memref<20x112xf32, #tpu.memory_space<vmem>>, vector<1x16xf32>,
      %get3A_2491 = vector.shape_cast %get3A_2490 : vector<1x16xf32> to vector<16xf32>
      %get3A_2492 = arith.constant 7 : i32
      %get3A_2493 = arith.index_cast %get3A_2492 : i32 to index
      %get3A_2494 = arith.constant 96 : index
      %get3A_2495 = tpu.vector_load %arg10[%get3A_2493, %get3A_2494] {strides = array<i32>} : memref<20x112xf32, #tpu.memory_space<vmem>>, vector<1x16xf32>,
      %get3A_2496 = vector.shape_cast %get3A_2495 : vector<1x16xf32> to vector<16xf32>
      %get3A_2497 = arith.constant 8 : i32
      %get3A_2498 = arith.index_cast %get3A_2497 : i32 to index
      %get3A_2499 = arith.constant 96 : index
      %get3A_2500 = tpu.vector_load %arg10[%get3A_2498, %get3A_2499] {strides = array<i32>} : memref<20x112xf32, #tpu.memory_space<vmem>>, vector<1x16xf32>,
      %get3A_2501 = vector.shape_cast %get3A_2500 : vector<1x16xf32> to vector<16xf32>
      %get3A_2502 = arith.constant 9 : i32
      %get3A_2503 = arith.index_cast %get3A_2502 : i32 to index
      %get3A_2504 = arith.constant 96 : index
      %get3A_2505 = tpu.vector_load %arg10[%get3A_2503, %get3A_2504] {strides = array<i32>} : memref<20x112xf32, #tpu.memory_space<vmem>>, vector<1x16xf32>,
      %get3A_2506 = vector.shape_cast %get3A_2505 : vector<1x16xf32> to vector<16xf32>
      %get3A_2507 = arith.constant 10 : i32
      %get3A_2508 = arith.index_cast %get3A_2507 : i32 to index
      %get3A_2509 = arith.constant 96 : index
      %get3A_2510 = tpu.vector_load %arg10[%get3A_2508, %get3A_2509] {strides = array<i32>} : memref<20x112xf32, #tpu.memory_space<vmem>>, vector<1x16xf32>,
      %get3A_2511 = vector.shape_cast %get3A_2510 : vector<1x16xf32> to vector<16xf32>
      %get3A_2512 = arith.constant 11 : i32
      %get3A_2513 = arith.index_cast %get3A_2512 : i32 to index
      %get3A_2514 = arith.constant 96 : index
      %get3A_2515 = tpu.vector_load %arg10[%get3A_2513, %get3A_2514] {strides = array<i32>} : memref<20x112xf32, #tpu.memory_space<vmem>>, vector<1x16xf32>,
      %get3A_2516 = vector.shape_cast %get3A_2515 : vector<1x16xf32> to vector<16xf32>
      %get3A_2517 = arith.constant 12 : i32
      %get3A_2518 = arith.index_cast %get3A_2517 : i32 to index
      %get3A_2519 = arith.constant 96 : index
      %get3A_2520 = tpu.vector_load %arg10[%get3A_2518, %get3A_2519] {strides = array<i32>} : memref<20x112xf32, #tpu.memory_space<vmem>>, vector<1x16xf32>,
      %get3A_2521 = vector.shape_cast %get3A_2520 : vector<1x16xf32> to vector<16xf32>
      %get3A_2522 = arith.constant 13 : i32
      %get3A_2523 = arith.index_cast %get3A_2522 : i32 to index
      %get3A_2524 = arith.constant 96 : index
      %get3A_2525 = tpu.vector_load %arg10[%get3A_2523, %get3A_2524] {strides = array<i32>} : memref<20x112xf32, #tpu.memory_space<vmem>>, vector<1x16xf32>,
      %get3A_2526 = vector.shape_cast %get3A_2525 : vector<1x16xf32> to vector<16xf32>
      %get3A_2527 = arith.constant 14 : i32
      %get3A_2528 = arith.index_cast %get3A_2527 : i32 to index
      %get3A_2529 = arith.constant 96 : index
      %get3A_2530 = tpu.vector_load %arg10[%get3A_2528, %get3A_2529] {strides = array<i32>} : memref<20x112xf32, #tpu.memory_space<vmem>>, vector<1x16xf32>,
      %get3A_2531 = vector.shape_cast %get3A_2530 : vector<1x16xf32> to vector<16xf32>
      %get3A_2532 = arith.constant 15 : i32
      %get3A_2533 = arith.index_cast %get3A_2532 : i32 to index
      %get3A_2534 = arith.constant 96 : index
      %get3A_2535 = tpu.vector_load %arg10[%get3A_2533, %get3A_2534] {strides = array<i32>} : memref<20x112xf32, #tpu.memory_space<vmem>>, vector<1x16xf32>,
      %get3A_2536 = vector.shape_cast %get3A_2535 : vector<1x16xf32> to vector<16xf32>
      %get3A_2537 = arith.constant 16 : i32
      %get3A_2538 = arith.index_cast %get3A_2537 : i32 to index
      %get3A_2539 = arith.constant 96 : index
      %get3A_2540 = tpu.vector_load %arg10[%get3A_2538, %get3A_2539] {strides = array<i32>} : memref<20x112xf32, #tpu.memory_space<vmem>>, vector<1x16xf32>,
      %get3A_2541 = vector.shape_cast %get3A_2540 : vector<1x16xf32> to vector<16xf32>
      %get3A_2542 = arith.constant 17 : i32
      %get3A_2543 = arith.index_cast %get3A_2542 : i32 to index
      %get3A_2544 = arith.constant 96 : index
      %get3A_2545 = tpu.vector_load %arg10[%get3A_2543, %get3A_2544] {strides = array<i32>} : memref<20x112xf32, #tpu.memory_space<vmem>>, vector<1x16xf32>,
      %get3A_2546 = vector.shape_cast %get3A_2545 : vector<1x16xf32> to vector<16xf32>
      %get3A_2547 = arith.constant 18 : i32
      %get3A_2548 = arith.index_cast %get3A_2547 : i32 to index
      %get3A_2549 = arith.constant 96 : index
      %get3A_2550 = tpu.vector_load %arg10[%get3A_2548, %get3A_2549] {strides = array<i32>} : memref<20x112xf32, #tpu.memory_space<vmem>>, vector<1x16xf32>,
      %get3A_2551 = vector.shape_cast %get3A_2550 : vector<1x16xf32> to vector<16xf32>
      %get3A_2552 = arith.constant 19 : i32
      %get3A_2553 = arith.index_cast %get3A_2552 : i32 to index
      %get3A_2554 = arith.constant 96 : index
      %get3A_2555 = tpu.vector_load %arg10[%get3A_2553, %get3A_2554] {strides = array<i32>} : memref<20x112xf32, #tpu.memory_space<vmem>>, vector<1x16xf32>,
      %get3A_2556 = vector.shape_cast %get3A_2555 : vector<1x16xf32> to vector<16xf32>
      %get3A_2557 = arith.constant 0 : i32
      %get3A_2558 = arith.index_cast %get3A_2557 : i32 to index
      %get3A_2559 = arith.constant 0 : index
      %get3A_2560 = tpu.vector_load %arg9[%get3A_2558, %get3A_2559] {strides = array<i32>} : memref<16x16xf32, #tpu.memory_space<vmem>>, vector<1x16xf32>,
      %get3A_2561 = vector.shape_cast %get3A_2560 : vector<1x16xf32> to vector<16xf32>
      %mul3A_2562 = arith.mulf %get3A_2461, %get3A_2561 : vector<16xf32>
      %get3A_2563 = arith.constant 4 : i32
      %get3A_2564 = arith.index_cast %get3A_2563 : i32 to index
      %get3A_2565 = arith.constant 0 : index
      %get3A_2566 = tpu.vector_load %arg9[%get3A_2564, %get3A_2565] {strides = array<i32>} : memref<16x16xf32, #tpu.memory_space<vmem>>, vector<1x16xf32>,
      %get3A_2567 = vector.shape_cast %get3A_2566 : vector<1x16xf32> to vector<16xf32>
      %mul3A_2568 = arith.mulf %get3A_2466, %get3A_2567 : vector<16xf32>
      %add3A_2569 = arith.addf %mul3A_2562, %mul3A_2568 : vector<16xf32>
      %get3A_2570 = arith.constant 8 : i32
      %get3A_2571 = arith.index_cast %get3A_2570 : i32 to index
      %get3A_2572 = arith.constant 0 : index
      %get3A_2573 = tpu.vector_load %arg9[%get3A_2571, %get3A_2572] {strides = array<i32>} : memref<16x16xf32, #tpu.memory_space<vmem>>, vector<1x16xf32>,
      %get3A_2574 = vector.shape_cast %get3A_2573 : vector<1x16xf32> to vector<16xf32>
      %mul3A_2575 = arith.mulf %get3A_2471, %get3A_2574 : vector<16xf32>
      %add3A_2576 = arith.addf %add3A_2569, %mul3A_2575 : vector<16xf32>
      %get3A_2577 = arith.constant 12 : i32
      %get3A_2578 = arith.index_cast %get3A_2577 : i32 to index
      %get3A_2579 = arith.constant 0 : index
      %get3A_2580 = tpu.vector_load %arg9[%get3A_2578, %get3A_2579] {strides = array<i32>} : memref<16x16xf32, #tpu.memory_space<vmem>>, vector<1x16xf32>,
      %get3A_2581 = vector.shape_cast %get3A_2580 : vector<1x16xf32> to vector<16xf32>
      %mul3A_2582 = arith.mulf %get3A_2476, %get3A_2581 : vector<16xf32>
      %add3A_2583 = arith.addf %add3A_2576, %mul3A_2582 : vector<16xf32>
      %get3A_2584 = arith.constant 1 : i32
      %get3A_2585 = arith.index_cast %get3A_2584 : i32 to index
      %get3A_2586 = arith.constant 0 : index
      %get3A_2587 = tpu.vector_load %arg9[%get3A_2585, %get3A_2586] {strides = array<i32>} : memref<16x16xf32, #tpu.memory_space<vmem>>, vector<1x16xf32>,
      %get3A_2588 = vector.shape_cast %get3A_2587 : vector<1x16xf32> to vector<16xf32>
      %mul3A_2589 = arith.mulf %get3A_2461, %get3A_2588 : vector<16xf32>
      %get3A_2590 = arith.constant 5 : i32
      %get3A_2591 = arith.index_cast %get3A_2590 : i32 to index
      %get3A_2592 = arith.constant 0 : index
      %get3A_2593 = tpu.vector_load %arg9[%get3A_2591, %get3A_2592] {strides = array<i32>} : memref<16x16xf32, #tpu.memory_space<vmem>>, vector<1x16xf32>,
      %get3A_2594 = vector.shape_cast %get3A_2593 : vector<1x16xf32> to vector<16xf32>
      %mul3A_2595 = arith.mulf %get3A_2466, %get3A_2594 : vector<16xf32>
      %add3A_2596 = arith.addf %mul3A_2589, %mul3A_2595 : vector<16xf32>
      %get3A_2597 = arith.constant 9 : i32
      %get3A_2598 = arith.index_cast %get3A_2597 : i32 to index
      %get3A_2599 = arith.constant 0 : index
      %get3A_2600 = tpu.vector_load %arg9[%get3A_2598, %get3A_2599] {strides = array<i32>} : memref<16x16xf32, #tpu.memory_space<vmem>>, vector<1x16xf32>,
      %get3A_2601 = vector.shape_cast %get3A_2600 : vector<1x16xf32> to vector<16xf32>
      %mul3A_2602 = arith.mulf %get3A_2471, %get3A_2601 : vector<16xf32>
      %add3A_2603 = arith.addf %add3A_2596, %mul3A_2602 : vector<16xf32>
      %get3A_2604 = arith.constant 13 : i32
      %get3A_2605 = arith.index_cast %get3A_2604 : i32 to index
      %get3A_2606 = arith.constant 0 : index
      %get3A_2607 = tpu.vector_load %arg9[%get3A_2605, %get3A_2606] {strides = array<i32>} : memref<16x16xf32, #tpu.memory_space<vmem>>, vector<1x16xf32>,
      %get3A_2608 = vector.shape_cast %get3A_2607 : vector<1x16xf32> to vector<16xf32>
      %mul3A_2609 = arith.mulf %get3A_2476, %get3A_2608 : vector<16xf32>
      %add3A_2610 = arith.addf %add3A_2603, %mul3A_2609 : vector<16xf32>
      %get3A_2611 = arith.constant 2 : i32
      %get3A_2612 = arith.index_cast %get3A_2611 : i32 to index
      %get3A_2613 = arith.constant 0 : index
      %get3A_2614 = tpu.vector_load %arg9[%get3A_2612, %get3A_2613] {strides = array<i32>} : memref<16x16xf32, #tpu.memory_space<vmem>>, vector<1x16xf32>,
      %get3A_2615 = vector.shape_cast %get3A_2614 : vector<1x16xf32> to vector<16xf32>
      %mul3A_2616 = arith.mulf %get3A_2461, %get3A_2615 : vector<16xf32>
      %get3A_2617 = arith.constant 6 : i32
      %get3A_2618 = arith.index_cast %get3A_2617 : i32 to index
      %get3A_2619 = arith.constant 0 : index
      %get3A_2620 = tpu.vector_load %arg9[%get3A_2618, %get3A_2619] {strides = array<i32>} : memref<16x16xf32, #tpu.memory_space<vmem>>, vector<1x16xf32>,
      %get3A_2621 = vector.shape_cast %get3A_2620 : vector<1x16xf32> to vector<16xf32>
      %mul3A_2622 = arith.mulf %get3A_2466, %get3A_2621 : vector<16xf32>
      %add3A_2623 = arith.addf %mul3A_2616, %mul3A_2622 : vector<16xf32>
      %get3A_2624 = arith.constant 10 : i32
      %get3A_2625 = arith.index_cast %get3A_2624 : i32 to index
      %get3A_2626 = arith.constant 0 : index
      %get3A_2627 = tpu.vector_load %arg9[%get3A_2625, %get3A_2626] {strides = array<i32>} : memref<16x16xf32, #tpu.memory_space<vmem>>, vector<1x16xf32>,
      %get3A_2628 = vector.shape_cast %get3A_2627 : vector<1x16xf32> to vector<16xf32>
      %mul3A_2629 = arith.mulf %get3A_2471, %get3A_2628 : vector<16xf32>
      %add3A_2630 = arith.addf %add3A_2623, %mul3A_2629 : vector<16xf32>
      %get3A_2631 = arith.constant 14 : i32
      %get3A_2632 = arith.index_cast %get3A_2631 : i32 to index
      %get3A_2633 = arith.constant 0 : index
      %get3A_2634 = tpu.vector_load %arg9[%get3A_2632, %get3A_2633] {strides = array<i32>} : memref<16x16xf32, #tpu.memory_space<vmem>>, vector<1x16xf32>,
      %get3A_2635 = vector.shape_cast %get3A_2634 : vector<1x16xf32> to vector<16xf32>
      %mul3A_2636 = arith.mulf %get3A_2476, %get3A_2635 : vector<16xf32>
      %add3A_2637 = arith.addf %add3A_2630, %mul3A_2636 : vector<16xf32>
      %get3A_2638 = arith.constant 3 : i32
      %get3A_2639 = arith.index_cast %get3A_2638 : i32 to index
      %get3A_2640 = arith.constant 0 : index
      %get3A_2641 = tpu.vector_load %arg9[%get3A_2639, %get3A_2640] {strides = array<i32>} : memref<16x16xf32, #tpu.memory_space<vmem>>, vector<1x16xf32>,
      %get3A_2642 = vector.shape_cast %get3A_2641 : vector<1x16xf32> to vector<16xf32>
      %mul3A_2643 = arith.mulf %get3A_2461, %get3A_2642 : vector<16xf32>
      %get3A_2644 = arith.constant 7 : i32
      %get3A_2645 = arith.index_cast %get3A_2644 : i32 to index
      %get3A_2646 = arith.constant 0 : index
      %get3A_2647 = tpu.vector_load %arg9[%get3A_2645, %get3A_2646] {strides = array<i32>} : memref<16x16xf32, #tpu.memory_space<vmem>>, vector<1x16xf32>,
      %get3A_2648 = vector.shape_cast %get3A_2647 : vector<1x16xf32> to vector<16xf32>
      %mul3A_2649 = arith.mulf %get3A_2466, %get3A_2648 : vector<16xf32>
      %add3A_2650 = arith.addf %mul3A_2643, %mul3A_2649 : vector<16xf32>
      %get3A_2651 = arith.constant 11 : i32
      %get3A_2652 = arith.index_cast %get3A_2651 : i32 to index
      %get3A_2653 = arith.constant 0 : index
      %get3A_2654 = tpu.vector_load %arg9[%get3A_2652, %get3A_2653] {strides = array<i32>} : memref<16x16xf32, #tpu.memory_space<vmem>>, vector<1x16xf32>,
      %get3A_2655 = vector.shape_cast %get3A_2654 : vector<1x16xf32> to vector<16xf32>
      %mul3A_2656 = arith.mulf %get3A_2471, %get3A_2655 : vector<16xf32>
      %add3A_2657 = arith.addf %add3A_2650, %mul3A_2656 : vector<16xf32>
      %get3A_2658 = arith.constant 15 : i32
      %get3A_2659 = arith.index_cast %get3A_2658 : i32 to index
      %get3A_2660 = arith.constant 0 : index
      %get3A_2661 = tpu.vector_load %arg9[%get3A_2659, %get3A_2660] {strides = array<i32>} : memref<16x16xf32, #tpu.memory_space<vmem>>, vector<1x16xf32>,
      %get3A_2662 = vector.shape_cast %get3A_2661 : vector<1x16xf32> to vector<16xf32>
      %mul3A_2663 = arith.mulf %get3A_2476, %get3A_2662 : vector<16xf32>
      %add3A_2664 = arith.addf %add3A_2657, %mul3A_2663 : vector<16xf32>
      %get3A_2665 = arith.constant 96 : index
      %get3A_2666 = tpu.vector_load %arg8[%get3A_2665] {strides = array<i32>} : memref<112xf32, #tpu.memory_space<vmem>>, vector<16xf32>,
      %get3A_2667 = vector.shape_cast %get3A_2666 : vector<16xf32> to vector<16xf32>
      %swap3A_2668 = arith.constant 0 : i32
      %swap3A_2669 = arith.index_cast %swap3A_2668 : i32 to index
      %swap3A_2670 = arith.constant 96 : index
      %swap3A_2671 = tpu.vector_load %arg11[%swap3A_2669, %swap3A_2670] {strides = array<i32>} : memref<22x112xf32, #tpu.memory_space<vmem>>, vector<1x16xf32>,
      %swap3A_2672 = vector.shape_cast %swap3A_2671 : vector<1x16xf32> to vector<16xf32>
      %swap3A_2673 = vector.shape_cast %get3A_2667 : vector<16xf32> to vector<1x16xf32>
      tpu.vector_store %arg11[%swap3A_2669, %swap3A_2670], %swap3A_2673 {strides = array<i32>} : memref<22x112xf32, #tpu.memory_space<vmem>>, vector<1x16xf32>,
      %swap3A_2674 = arith.constant 1 : i32
      %swap3A_2675 = arith.index_cast %swap3A_2674 : i32 to index
      %swap3A_2676 = arith.constant 96 : index
      %swap3A_2677 = tpu.vector_load %arg11[%swap3A_2675, %swap3A_2676] {strides = array<i32>} : memref<22x112xf32, #tpu.memory_space<vmem>>, vector<1x16xf32>,
      %swap3A_2678 = vector.shape_cast %swap3A_2677 : vector<1x16xf32> to vector<16xf32>
      %swap3A_2679 = vector.shape_cast %add3A_2583 : vector<16xf32> to vector<1x16xf32>
      tpu.vector_store %arg11[%swap3A_2675, %swap3A_2676], %swap3A_2679 {strides = array<i32>} : memref<22x112xf32, #tpu.memory_space<vmem>>, vector<1x16xf32>,
      %swap3A_2680 = arith.constant 2 : i32
      %swap3A_2681 = arith.index_cast %swap3A_2680 : i32 to index
      %swap3A_2682 = arith.constant 96 : index
      %swap3A_2683 = tpu.vector_load %arg11[%swap3A_2681, %swap3A_2682] {strides = array<i32>} : memref<22x112xf32, #tpu.memory_space<vmem>>, vector<1x16xf32>,
      %swap3A_2684 = vector.shape_cast %swap3A_2683 : vector<1x16xf32> to vector<16xf32>
      %swap3A_2685 = vector.shape_cast %add3A_2610 : vector<16xf32> to vector<1x16xf32>
      tpu.vector_store %arg11[%swap3A_2681, %swap3A_2682], %swap3A_2685 {strides = array<i32>} : memref<22x112xf32, #tpu.memory_space<vmem>>, vector<1x16xf32>,
      %swap3A_2686 = arith.constant 3 : i32
      %swap3A_2687 = arith.index_cast %swap3A_2686 : i32 to index
      %swap3A_2688 = arith.constant 96 : index
      %swap3A_2689 = tpu.vector_load %arg11[%swap3A_2687, %swap3A_2688] {strides = array<i32>} : memref<22x112xf32, #tpu.memory_space<vmem>>, vector<1x16xf32>,
      %swap3A_2690 = vector.shape_cast %swap3A_2689 : vector<1x16xf32> to vector<16xf32>
      %swap3A_2691 = vector.shape_cast %add3A_2637 : vector<16xf32> to vector<1x16xf32>
      tpu.vector_store %arg11[%swap3A_2687, %swap3A_2688], %swap3A_2691 {strides = array<i32>} : memref<22x112xf32, #tpu.memory_space<vmem>>, vector<1x16xf32>,
      %swap3A_2692 = arith.constant 4 : i32
      %swap3A_2693 = arith.index_cast %swap3A_2692 : i32 to index
      %swap3A_2694 = arith.constant 96 : index
      %swap3A_2695 = tpu.vector_load %arg11[%swap3A_2693, %swap3A_2694] {strides = array<i32>} : memref<22x112xf32, #tpu.memory_space<vmem>>, vector<1x16xf32>,
      %swap3A_2696 = vector.shape_cast %swap3A_2695 : vector<1x16xf32> to vector<16xf32>
      %swap3A_2697 = vector.shape_cast %add3A_2664 : vector<16xf32> to vector<1x16xf32>
      tpu.vector_store %arg11[%swap3A_2693, %swap3A_2694], %swap3A_2697 {strides = array<i32>} : memref<22x112xf32, #tpu.memory_space<vmem>>, vector<1x16xf32>,
      %swap3A_2698 = arith.constant 5 : i32
      %swap3A_2699 = arith.index_cast %swap3A_2698 : i32 to index
      %swap3A_2700 = arith.constant 96 : index
      %swap3A_2701 = tpu.vector_load %arg11[%swap3A_2699, %swap3A_2700] {strides = array<i32>} : memref<22x112xf32, #tpu.memory_space<vmem>>, vector<1x16xf32>,
      %swap3A_2702 = vector.shape_cast %swap3A_2701 : vector<1x16xf32> to vector<16xf32>
      %swap3A_2703 = vector.shape_cast %broadcast_in_dim3A_402 : vector<16xf32> to vector<1x16xf32>
      tpu.vector_store %arg11[%swap3A_2699, %swap3A_2700], %swap3A_2703 {strides = array<i32>} : memref<22x112xf32, #tpu.memory_space<vmem>>, vector<1x16xf32>,
      %swap3A_2704 = arith.constant 6 : i32
      %swap3A_2705 = arith.index_cast %swap3A_2704 : i32 to index
      %swap3A_2706 = arith.constant 96 : index
      %swap3A_2707 = tpu.vector_load %arg11[%swap3A_2705, %swap3A_2706] {strides = array<i32>} : memref<22x112xf32, #tpu.memory_space<vmem>>, vector<1x16xf32>,
      %swap3A_2708 = vector.shape_cast %swap3A_2707 : vector<1x16xf32> to vector<16xf32>
      %swap3A_2709 = vector.shape_cast %get3A_2481 : vector<16xf32> to vector<1x16xf32>
      tpu.vector_store %arg11[%swap3A_2705, %swap3A_2706], %swap3A_2709 {strides = array<i32>} : memref<22x112xf32, #tpu.memory_space<vmem>>, vector<1x16xf32>,
      %swap3A_2710 = arith.constant 7 : i32
      %swap3A_2711 = arith.index_cast %swap3A_2710 : i32 to index
      %swap3A_2712 = arith.constant 96 : index
      %swap3A_2713 = tpu.vector_load %arg11[%swap3A_2711, %swap3A_2712] {strides = array<i32>} : memref<22x112xf32, #tpu.memory_space<vmem>>, vector<1x16xf32>,
      %swap3A_2714 = vector.shape_cast %swap3A_2713 : vector<1x16xf32> to vector<16xf32>
      %swap3A_2715 = vector.shape_cast %get3A_2486 : vector<16xf32> to vector<1x16xf32>
      tpu.vector_store %arg11[%swap3A_2711, %swap3A_2712], %swap3A_2715 {strides = array<i32>} : memref<22x112xf32, #tpu.memory_space<vmem>>, vector<1x16xf32>,
      %swap3A_2716 = arith.constant 8 : i32
      %swap3A_2717 = arith.index_cast %swap3A_2716 : i32 to index
      %swap3A_2718 = arith.constant 96 : index
      %swap3A_2719 = tpu.vector_load %arg11[%swap3A_2717, %swap3A_2718] {strides = array<i32>} : memref<22x112xf32, #tpu.memory_space<vmem>>, vector<1x16xf32>,
      %swap3A_2720 = vector.shape_cast %swap3A_2719 : vector<1x16xf32> to vector<16xf32>
      %swap3A_2721 = vector.shape_cast %get3A_2491 : vector<16xf32> to vector<1x16xf32>
      tpu.vector_store %arg11[%swap3A_2717, %swap3A_2718], %swap3A_2721 {strides = array<i32>} : memref<22x112xf32, #tpu.memory_space<vmem>>, vector<1x16xf32>,
      %swap3A_2722 = arith.constant 9 : i32
      %swap3A_2723 = arith.index_cast %swap3A_2722 : i32 to index
      %swap3A_2724 = arith.constant 96 : index
      %swap3A_2725 = tpu.vector_load %arg11[%swap3A_2723, %swap3A_2724] {strides = array<i32>} : memref<22x112xf32, #tpu.memory_space<vmem>>, vector<1x16xf32>,
      %swap3A_2726 = vector.shape_cast %swap3A_2725 : vector<1x16xf32> to vector<16xf32>
      %swap3A_2727 = vector.shape_cast %get3A_2501 : vector<16xf32> to vector<1x16xf32>
      tpu.vector_store %arg11[%swap3A_2723, %swap3A_2724], %swap3A_2727 {strides = array<i32>} : memref<22x112xf32, #tpu.memory_space<vmem>>, vector<1x16xf32>,
      %swap3A_2728 = arith.constant 10 : i32
      %swap3A_2729 = arith.index_cast %swap3A_2728 : i32 to index
      %swap3A_2730 = arith.constant 96 : index
      %swap3A_2731 = tpu.vector_load %arg11[%swap3A_2729, %swap3A_2730] {strides = array<i32>} : memref<22x112xf32, #tpu.memory_space<vmem>>, vector<1x16xf32>,
      %swap3A_2732 = vector.shape_cast %swap3A_2731 : vector<1x16xf32> to vector<16xf32>
      %swap3A_2733 = vector.shape_cast %get3A_2506 : vector<16xf32> to vector<1x16xf32>
      tpu.vector_store %arg11[%swap3A_2729, %swap3A_2730], %swap3A_2733 {strides = array<i32>} : memref<22x112xf32, #tpu.memory_space<vmem>>, vector<1x16xf32>,
      %swap3A_2734 = arith.constant 11 : i32
      %swap3A_2735 = arith.index_cast %swap3A_2734 : i32 to index
      %swap3A_2736 = arith.constant 96 : index
      %swap3A_2737 = tpu.vector_load %arg11[%swap3A_2735, %swap3A_2736] {strides = array<i32>} : memref<22x112xf32, #tpu.memory_space<vmem>>, vector<1x16xf32>,
      %swap3A_2738 = vector.shape_cast %swap3A_2737 : vector<1x16xf32> to vector<16xf32>
      %swap3A_2739 = vector.shape_cast %get3A_2516 : vector<16xf32> to vector<1x16xf32>
      tpu.vector_store %arg11[%swap3A_2735, %swap3A_2736], %swap3A_2739 {strides = array<i32>} : memref<22x112xf32, #tpu.memory_space<vmem>>, vector<1x16xf32>,
      %swap3A_2740 = arith.constant 12 : i32
      %swap3A_2741 = arith.index_cast %swap3A_2740 : i32 to index
      %swap3A_2742 = arith.constant 96 : index
      %swap3A_2743 = tpu.vector_load %arg11[%swap3A_2741, %swap3A_2742] {strides = array<i32>} : memref<22x112xf32, #tpu.memory_space<vmem>>, vector<1x16xf32>,
      %swap3A_2744 = vector.shape_cast %swap3A_2743 : vector<1x16xf32> to vector<16xf32>
      %swap3A_2745 = vector.shape_cast %get3A_2521 : vector<16xf32> to vector<1x16xf32>
      tpu.vector_store %arg11[%swap3A_2741, %swap3A_2742], %swap3A_2745 {strides = array<i32>} : memref<22x112xf32, #tpu.memory_space<vmem>>, vector<1x16xf32>,
      %swap3A_2746 = arith.constant 13 : i32
      %swap3A_2747 = arith.index_cast %swap3A_2746 : i32 to index
      %swap3A_2748 = arith.constant 96 : index
      %swap3A_2749 = tpu.vector_load %arg11[%swap3A_2747, %swap3A_2748] {strides = array<i32>} : memref<22x112xf32, #tpu.memory_space<vmem>>, vector<1x16xf32>,
      %swap3A_2750 = vector.shape_cast %swap3A_2749 : vector<1x16xf32> to vector<16xf32>
      %swap3A_2751 = vector.shape_cast %get3A_2531 : vector<16xf32> to vector<1x16xf32>
      tpu.vector_store %arg11[%swap3A_2747, %swap3A_2748], %swap3A_2751 {strides = array<i32>} : memref<22x112xf32, #tpu.memory_space<vmem>>, vector<1x16xf32>,
      %swap3A_2752 = arith.constant 14 : i32
      %swap3A_2753 = arith.index_cast %swap3A_2752 : i32 to index
      %swap3A_2754 = arith.constant 96 : index
      %swap3A_2755 = tpu.vector_load %arg11[%swap3A_2753, %swap3A_2754] {strides = array<i32>} : memref<22x112xf32, #tpu.memory_space<vmem>>, vector<1x16xf32>,
      %swap3A_2756 = vector.shape_cast %swap3A_2755 : vector<1x16xf32> to vector<16xf32>
      %swap3A_2757 = vector.shape_cast %get3A_2536 : vector<16xf32> to vector<1x16xf32>
      tpu.vector_store %arg11[%swap3A_2753, %swap3A_2754], %swap3A_2757 {strides = array<i32>} : memref<22x112xf32, #tpu.memory_space<vmem>>, vector<1x16xf32>,
      %swap3A_2758 = arith.constant 15 : i32
      %swap3A_2759 = arith.index_cast %swap3A_2758 : i32 to index
      %swap3A_2760 = arith.constant 96 : index
      %swap3A_2761 = tpu.vector_load %arg11[%swap3A_2759, %swap3A_2760] {strides = array<i32>} : memref<22x112xf32, #tpu.memory_space<vmem>>, vector<1x16xf32>,
      %swap3A_2762 = vector.shape_cast %swap3A_2761 : vector<1x16xf32> to vector<16xf32>
      %swap3A_2763 = vector.shape_cast %get3A_2546 : vector<16xf32> to vector<1x16xf32>
      tpu.vector_store %arg11[%swap3A_2759, %swap3A_2760], %swap3A_2763 {strides = array<i32>} : memref<22x112xf32, #tpu.memory_space<vmem>>, vector<1x16xf32>,
      %swap3A_2764 = arith.constant 16 : i32
      %swap3A_2765 = arith.index_cast %swap3A_2764 : i32 to index
      %swap3A_2766 = arith.constant 96 : index
      %swap3A_2767 = tpu.vector_load %arg11[%swap3A_2765, %swap3A_2766] {strides = array<i32>} : memref<22x112xf32, #tpu.memory_space<vmem>>, vector<1x16xf32>,
      %swap3A_2768 = vector.shape_cast %swap3A_2767 : vector<1x16xf32> to vector<16xf32>
      %swap3A_2769 = vector.shape_cast %get3A_2551 : vector<16xf32> to vector<1x16xf32>
      tpu.vector_store %arg11[%swap3A_2765, %swap3A_2766], %swap3A_2769 {strides = array<i32>} : memref<22x112xf32, #tpu.memory_space<vmem>>, vector<1x16xf32>,
      %swap3A_2770 = arith.constant 17 : i32
      %swap3A_2771 = arith.index_cast %swap3A_2770 : i32 to index
      %swap3A_2772 = arith.constant 96 : index
      %swap3A_2773 = tpu.vector_load %arg11[%swap3A_2771, %swap3A_2772] {strides = array<i32>} : memref<22x112xf32, #tpu.memory_space<vmem>>, vector<1x16xf32>,
      %swap3A_2774 = vector.shape_cast %swap3A_2773 : vector<1x16xf32> to vector<16xf32>
      %swap3A_2775 = vector.shape_cast %get3A_2496 : vector<16xf32> to vector<1x16xf32>
      tpu.vector_store %arg11[%swap3A_2771, %swap3A_2772], %swap3A_2775 {strides = array<i32>} : memref<22x112xf32, #tpu.memory_space<vmem>>, vector<1x16xf32>,
      %swap3A_2776 = arith.constant 18 : i32
      %swap3A_2777 = arith.index_cast %swap3A_2776 : i32 to index
      %swap3A_2778 = arith.constant 96 : index
      %swap3A_2779 = tpu.vector_load %arg11[%swap3A_2777, %swap3A_2778] {strides = array<i32>} : memref<22x112xf32, #tpu.memory_space<vmem>>, vector<1x16xf32>,
      %swap3A_2780 = vector.shape_cast %swap3A_2779 : vector<1x16xf32> to vector<16xf32>
      %swap3A_2781 = vector.shape_cast %get3A_2511 : vector<16xf32> to vector<1x16xf32>
      tpu.vector_store %arg11[%swap3A_2777, %swap3A_2778], %swap3A_2781 {strides = array<i32>} : memref<22x112xf32, #tpu.memory_space<vmem>>, vector<1x16xf32>,
      %swap3A_2782 = arith.constant 19 : i32
      %swap3A_2783 = arith.index_cast %swap3A_2782 : i32 to index
      %swap3A_2784 = arith.constant 96 : index
      %swap3A_2785 = tpu.vector_load %arg11[%swap3A_2783, %swap3A_2784] {strides = array<i32>} : memref<22x112xf32, #tpu.memory_space<vmem>>, vector<1x16xf32>,
      %swap3A_2786 = vector.shape_cast %swap3A_2785 : vector<1x16xf32> to vector<16xf32>
      %swap3A_2787 = vector.shape_cast %get3A_2526 : vector<16xf32> to vector<1x16xf32>
      tpu.vector_store %arg11[%swap3A_2783, %swap3A_2784], %swap3A_2787 {strides = array<i32>} : memref<22x112xf32, #tpu.memory_space<vmem>>, vector<1x16xf32>,
      %swap3A_2788 = arith.constant 20 : i32
      %swap3A_2789 = arith.index_cast %swap3A_2788 : i32 to index
      %swap3A_2790 = arith.constant 96 : index
      %swap3A_2791 = tpu.vector_load %arg11[%swap3A_2789, %swap3A_2790] {strides = array<i32>} : memref<22x112xf32, #tpu.memory_space<vmem>>, vector<1x16xf32>,
      %swap3A_2792 = vector.shape_cast %swap3A_2791 : vector<1x16xf32> to vector<16xf32>
      %swap3A_2793 = vector.shape_cast %get3A_2541 : vector<16xf32> to vector<1x16xf32>
      tpu.vector_store %arg11[%swap3A_2789, %swap3A_2790], %swap3A_2793 {strides = array<i32>} : memref<22x112xf32, #tpu.memory_space<vmem>>, vector<1x16xf32>,
      %swap3A_2794 = arith.constant 21 : i32
      %swap3A_2795 = arith.index_cast %swap3A_2794 : i32 to index
      %swap3A_2796 = arith.constant 96 : index
      %swap3A_2797 = tpu.vector_load %arg11[%swap3A_2795, %swap3A_2796] {strides = array<i32>} : memref<22x112xf32, #tpu.memory_space<vmem>>, vector<1x16xf32>,
      %swap3A_2798 = vector.shape_cast %swap3A_2797 : vector<1x16xf32> to vector<16xf32>
      %swap3A_2799 = vector.shape_cast %get3A_2556 : vector<16xf32> to vector<1x16xf32>
      tpu.vector_store %arg11[%swap3A_2795, %swap3A_2796], %swap3A_2799 {strides = array<i32>} : memref<22x112xf32, #tpu.memory_space<vmem>>, vector<1x16xf32>,
      "tpu.region"() ({
        %run_scoped3A = tpu.sem_alloc : memref<!tpu.dma_semaphore, #tpu.memory_space<semaphore_mem>>
        tpu.enqueue_dma source(%arg11 : memref<22x112xf32, #tpu.memory_space<vmem>>) target(%arg6 : memref<22x112xf32, #tpu.memory_space<hbm>>) target_semaphore(%run_scoped3A : memref<!tpu.dma_semaphore, #tpu.memory_space<semaphore_mem>>)
        tpu.wait_dma2 semaphore(%run_scoped3A : memref<!tpu.dma_semaphore, #tpu.memory_space<semaphore_mem>>) src(%arg11 : memref<22x112xf32, #tpu.memory_space<vmem>>) dst(%arg6 : memref<22x112xf32, #tpu.memory_space<hbm>>)
        tpu.yield
      }) : () -> ()
    } else {
    }
    return
  }
}

</mosaic_0001>

<sc_bundles>
// kernel: _run.3.cloned.1.call-start
scs
__scs_entry_jumppad:
0x0: {  	(pc) =	sbr.rel $0x88, $3  }
0x1: {  	(tag) =	ssettag $0x0;
	lr =	simm.s32 $0x1  }
0x2: {  	[smem:$0x3F9D] =	sst lr;
	_ =	strace $0xD0000000  }
0x3: {  	_ = 	snop  }
0x4: {  	_ = 	snop  }
0x5: {  	_ = 	snop  }
0x6: {  	_ = 	snop  }
0x7: {  	_ = 	snop  }
__scs_overlays_trampoline_lowered:
0x8: {  	[smem:$0x3FAC] =	sst s0  }
0x9: {  	[smem:$0x3FAD] =	sst s1  }
0xa: {  	[smem:$0x3FAE] =	sst s2  }
0xb: {  	[smem:$0x3FAF] =	sst s3  }
0xc: {  	[smem:$0x3FB0] =	sst s4  }
0xd: {  	[smem:$0x3FB1] =	sst s5  }
0xe: {  	[smem:$0x3FB2] =	sst s6  }
0xf: {  	[smem:$0x3FB3] =	sst s7  }
0x10: {  	[smem:$0x3FB4] =	sst s8  }
0x11: {  	[smem:$0x3FB5] =	sst s9;
	s0 =	simm.s32 @!p0 $0x0  }
0x12: {  	s1 =	sld [smem:$0x3F9B];
	s0 =	simm.s32 @p0 $0x1  }
0x13: {  	[smem:$0x3FB6] =	sst s0;
	s0 =	simm.s32 @!p1 $0x0  }
0x14: {  	s2 =	sld [smem:$0x3F9A];
	s0 =	simm.s32 @p1 $0x1  }
0x15: {  	[smem:$0x3FB7] =	sst s0;
	s0 =	simm.s32 @!p2 $0x0  }
0x16: {  	s3 =	sld [smem:$0x3FDB];
	s0 =	simm.s32 @p2 $0x1  }
0x17: {  	s4 =	simm.s32 $0x1BF5;
	[smem:$0x3FB9] =	sst s0  }
0x18: {  	s0 =	sld [smem:$0x3F9C];
	_ =	swait.ge [sflag:s4], $0x0  }
0x19: {  	s7 =	sld [smem:$0x3F9D]  }
0x1a: {  	s8 =	sadd.s32 $0xFFFFE003, lr  }
0x1b: {  	s9 =	sadd.s32 $0xFFFFFEF7, lr;
	s5 =	simm.s32 $0xFFFFFFFF;
	p2 =	slt.u32 s8, $0xFFFFF086  }
0x1c: {  	p1 =	slt.u32 s9, $0xF7A;
	s5 =	simm.s32 @!p2 $0x0  }
0x1d: {  	s5 =	simm.s32 @p1 $0x1;
	p0 =	seq.s32 s7, s2  }
0x1e: {  	s7 =	smul.u32 @!p0 $0xF7A, s2;
	p2 =	seq.s32 @!p0 s5, $0x0  }
0x1f: {  	s9 =	smul.u32 $0xF7A, s1;
	s8 =	simm.s32 @!p0 $0x1BF5;
	p2 =	por !p2, p0  }
0x20: {  	[sflag:s8] =	ssyncset.s32 @!p0 $0xFFFFF086;
	s6 =	sadd.s32 @!p0 s3, s7;
	s7 =	simm.s32 @!p0 $0x108  }
0x21: {  	s3 =	sadd.s32 s3, s9;
	s6 =	sadd.s32 @!p0 $0x88, s6;
	s7 =	simm.s32 @p2 $0x1082  }
0x22: {  	[simem:s7], [sflag:s8] =	dma.local @!p0 [hbm:s6], $0xF7A  }
0x23: {  	s9 =	sor.u32 $0xD0000000, s2;
	s6 =	simm.s32 $0x108;
	_ =	swait.ge @!p0 [sflag:s8], $0x0  }
0x24: {  	s3 =	sadd.s32 $0x88, s3;
	s6 =	simm.s32 @!p1 $0x1082;
	[sflag:s4] =	ssyncset.s32 $0xFFFFF086  }
0x25: {  	[simem:s6], [sflag:s4] =	dma.local [hbm:s3], $0xF7A  }
0x26: {  	[smem:$0x3F9D] =	sst s1;
	(tag) =	ssettag s2;
	_ =	strace s9  }
0x27: {  	s1 =	sld [smem:$0x3FAD]  }
0x28: {  	s2 =	sld [smem:$0x3FAE]  }
0x29: {  	s4 =	sld [smem:$0x3FB0]  }
0x2a: {  	p0 =	seq.s32 s5, $0x0;
	s5 =	sld [smem:$0x3FB1]  }
0x2b: {  	s6 =	sld [smem:$0x3FB2]  }
0x2c: {  	s7 =	sld [smem:$0x3FB3]  }
0x2d: {  	s3 =	simm.s32 $0x108;
	s8 =	sld [smem:$0x3FB4]  }
0x2e: {  	s3 =	simm.s32 @!p0 $0x1082;
	s9 =	sld [smem:$0x3FB5]  }
0x2f: {  	lr =	sadd.s32 s0, s3;
	s0 =	sld [smem:$0x3FAC]  }
0x30: {  	s3 =	sld [smem:$0x3FAF]  }
0x31: {  	[smem:$0x3FB8] =	sst s10  }
0x32: {  	s10 =	sld [smem:$0x3FB6];
	_ =	sdelay $0x3  }
0x33: {  	p0 =	seq.s32 s10, $0x1;
	s10 =	sld [smem:$0x3FB8];
	_ =	sdelay $0x3  }
0x34: {  	[smem:$0x3FB8] =	sst s10  }
0x35: {  	s10 =	sld [smem:$0x3FB7];
	_ =	sdelay $0x3  }
0x36: {  	p1 =	seq.s32 s10, $0x1;
	s10 =	sld [smem:$0x3FB8];
	_ =	sdelay $0x3  }
0x37: {  	[smem:$0x3FB8] =	sst s10  }
0x38: {  	s10 =	sld [smem:$0x3FB9]  }
0x39: {  	_ = 	snop;
	(pc) =	sbr.ind lr, $3  }
0x3a: {  	_ = 	snop  }
0x3b: {  	_ = 	snop  }
0x3c: {  	p2 =	seq.s32 s10, $0x1;
	s10 =	sld [smem:$0x3FB8]  }
0x3d: {  	_ =	shalt  }
0x3e: {  	_ =	shalt  }
0x3f: {  	_ =	shalt  }
0x40: {  	_ =	shalt  }
0x41: {  	_ =	shalt  }
0x42: {  	_ =	shalt  }
0x43: {  	_ =	shalt  }
0x44: {  	_ =	shalt  }
0x45: {  	_ =	shalt  }
0x46: {  	_ =	shalt  }
0x47: {  	_ =	shalt  }
0x48: {  	_ =	shalt  }
0x49: {  	_ =	shalt  }
0x4a: {  	_ =	shalt  }
0x4b: {  	_ =	shalt  }
0x4c: {  	_ =	shalt  }
0x4d: {  	_ =	shalt  }
0x4e: {  	_ =	shalt  }
0x4f: {  	_ =	shalt  }
0x50: {  	_ =	shalt  }
0x51: {  	_ =	shalt  }
0x52: {  	_ =	shalt  }
0x53: {  	_ =	shalt  }
0x54: {  	_ =	shalt  }
0x55: {  	_ =	shalt  }
0x56: {  	_ =	shalt  }
0x57: {  	_ =	shalt  }
0x58: {  	_ =	shalt  }
0x59: {  	_ =	shalt  }
0x5a: {  	_ =	shalt  }
0x5b: {  	_ =	shalt  }
0x5c: {  	_ =	shalt  }
0x5d: {  	_ =	shalt  }
0x5e: {  	_ =	shalt  }
0x5f: {  	_ =	shalt  }
0x60: {  	_ =	shalt  }
0x61: {  	_ =	shalt  }
0x62: {  	_ =	shalt  }
0x63: {  	_ =	shalt  }
0x64: {  	_ =	shalt  }
0x65: {  	_ =	shalt  }
0x66: {  	_ =	shalt  }
0x67: {  	_ =	shalt  }
0x68: {  	_ =	shalt  }
0x69: {  	_ =	shalt  }
0x6a: {  	_ =	shalt  }
0x6b: {  	_ =	shalt  }
0x6c: {  	_ =	shalt  }
0x6d: {  	_ =	shalt  }
0x6e: {  	_ =	shalt  }
0x6f: {  	_ =	shalt  }
0x70: {  	_ =	shalt  }
0x71: {  	_ =	shalt  }
0x72: {  	_ =	shalt  }
0x73: {  	_ =	shalt  }
0x74: {  	_ =	shalt  }
0x75: {  	_ =	shalt  }
0x76: {  	_ =	shalt  }
0x77: {  	_ =	shalt  }
0x78: {  	_ =	shalt  }
0x79: {  	_ =	shalt  }
0x7a: {  	_ =	shalt  }
0x7b: {  	_ =	shalt  }
0x7c: {  	_ =	shalt  }
0x7d: {  	_ =	shalt  }
0x7e: {  	_ =	shalt  }
0x7f: {  	_ =	shalt  }
0x80: {  	_ =	shalt  }
0x81: {  	_ =	shalt  }
0x82: {  	_ =	shalt  }
0x83: {  	_ =	shalt  }
0x84: {  	_ =	shalt  }
0x85: {  	_ =	shalt  }
0x86: {  	_ =	shalt  }
0x87: {  	_ =	shalt  }
.Lfunc_end0:
.L_simem_size_0:
called_computation_lowered:
.L_overlay_start_0:
0x88: {  	s2 =	sld [smem:$0x3FD9]  }
0x89: {  	s3 =	sld [smem:$0x3FFE];
	_ =	sdelay $0x1  }
0x8a: {  	s1 =	srdreg.scid  }
0x8b: {  	s0 =	sand.u32 $0x1, s1  }
0x8c: {  	s18 =	sshll.u32 s0, $0xA;
	s2 =	sadd.s32 s3, s2  }
0x8d: {  	s2 =	sadd.s32 s2, s18  }
0x8e: {  	[smem:$0x3FC4] =	sst s2  }
0x8f: {  	_ = 	snop  }
0x90: {  	s2 =	sld [smem:$0x3FC9]  }
0x91: {  	s19 =	sld [smem:$0x3FC8]  }
0x92: {  	s4 =	sld [smem:$0x3FC7]  }
0x93: {  	s5 =	sld [smem:$0x3FC6]  }
0x94: {  	s6 =	sld [smem:$0x3FD0];
	(tm) =	ssettm $0x1  }
0x95: {  	s7 =	sld [smem:$0x3FFB];
	_ =	sdelay $0x3  }
0x96: {  	_ =	strace s7  }
0x97: {  	s7 =	sld [smem:$0x3FFC];
	_ =	sdelay $0x3  }
0x98: {  	_ =	strace s7  }
0x99: {  	s7 =	sld [smem:$0x3FFD];
	_ =	sdelay $0x3  }
0x9a: {  	_ =	strace s7  }
0x9b: {  	_ =	strace $0x8FFFFFFF  }
0x9c: {  	s20 =	sld [smem:$0x3FDB];
	_ =	sdelay $0x1  }
0x9d: {  	s8 =	simm.s32 $_scs_section_size  }
0x9e: {  	s9 =	simm.s32 $_size__tile_overlayer_lowered;
	s10 =	simm.s32 $_tile_overlayer_lowered  }
0x9f: {  	s23 =	simm.s32 $0x1BFF;
	s22 =	sshll.u32 s10, $0x1;
	s7 =	sadd.s32 s8, s20  }
0xa0: {  	s11 =	simm.s32 $0x0;
	s21 =	sshll.u32 s9, $0x1;
	s9 =	sadd.s32 s22, s7  }
0xa1: {  	[timem:s11], [sflag:s23] =	dma.local [hbm:s9], s21  }
0xa2: {  	_ =	swait.ge [sflag:s23], s21  }
0xa3: {  	s8 =	ssub.s32 $0x0, s21;
	[sflag:s23] =	ssyncset.done $0x0  }
0xa4: {  	[sflag:s23] =	ssyncadd.s32 s8;
	_ =	sdelay $0x1  }
0xa5: {  	s24 =	simm.s32 $0x1B8B  }
0xa6: {  	_ =	swait.ge [sflag:s24], $0x1  }
0xa7: {  	[sflag:s24] =	ssyncset.done $0x0  }
0xa8: {  	s25 =	simm.s32 $0x1B8E;
	[sflag:s24] =	ssyncadd.s32 $0xFFFFFFFF  }
0xa9: {  	s26 =	simm.s32 $execute0_lowered;
	[smem:$0x3FD2] =	sst s25  }
0xaa: {  	s8 =	sshll.u32 s26, $0x1;
	_ =	strace $0x80000046;
	[dreg:$0x1] =	wrdreg $0xFFFFFFFF  }
0xab: {  	s28 =	simm.s32 $_size_execute0_lowered;
	s7 =	sadd.s32 s7, s8;
	[dreg:$0x0] =	wrdreg $0x0  }
0xac: {  	s8 =	sshll.u32 s28, $0x1;
	[dreg:$0x2] =	wrdreg s7  }
0xad: {  	[dreg:$0x3] =	wrdreg s8  }
0xae: {  	[dreg:$0x4] =	wrdreg $0xC0  }
0xaf: {  	_ =	task [dreg:s11], $0x5FFFF  }
0xb0: {  	[dreg:$0x1] =	wrdreg $0xFFFFFFFF  }
0xb1: {  	[dreg:$0x0] =	wrdreg $0x60  }
0xb2: {  	[dreg:$0x2] =	wrdreg s2  }
0xb3: {  	[dreg:$0x3] =	wrdreg s19  }
0xb4: {  	[dreg:$0x4] =	wrdreg s4  }
0xb5: {  	[dreg:$0x5] =	wrdreg s5  }
0xb6: {  	[dreg:$0x6] =	wrdreg s6  }
0xb7: {  	[dreg:$0x7] =	wrdreg $0x9  }
0xb8: {  	_ =	task.clear_ibuf [dreg:s11], $0x8FFFF;
	_ =	strace $0x90000046  }
0xb9: {  	s29 =	simm.s32 $0x9;
	_ =	strace $0x80000048  }
0xba: {  	_ =	swait.ge [sflag:s29], $0x1  }
0xbb: {  	[sflag:s29] =	ssyncadd.s32 $0xFFFFFFFF  }
0xbc: {  	_ =	strace $0x90000048  }
0xbd: {  	_ =	sfence  }
0xbe: {  	s30 =	sld [smem:$0x0];
	_ =	sdelay $0x2  }
0xbf: {  	s31 =	sshll.u32 s1, $0xD;
	s1 =	sshrl.u32 s1, $0x2  }
0xc0: {  	s3 =	sand.u32 $0x4000, s31;
	s1 =	sadd.s32 s1, s30  }
0xc1: {  	s0 =	sor.u32 s3, s0;
	s1 =	sshll.u32 s1, $0x11  }
0xc2: {  	s0 =	sor.u32 s1, s0  }
0xc3: {  	s0 =	sadd.s32 $0x8F2B, s0  }
0xc4: {  	[sflag:s0] =	ssyncadd.remote.s32 $0x1  }
0xc5: {  	_ =	sfence.sel $0xFFFF  }
0xc6: {  	[dreg:$0x0] =	wrdreg $0xFFFFFFFF;
	(pc) =	sbr.abs _section_cstart, $3  }
0xc7: {  	[dreg:$0x1] =	wrdreg $0xFFFFFFFF  }
0xc8: {  	_ =	task.clear_ibuf [dreg:s11], $0x2FFFF;
	_ =	strace $0x9FFFFFFF  }
0xc9: {  	(tm) =	ssettm $0x7FFFFFFF  }
tec
execute0_lowered:
.L_overlay_start_1:
0x0: {  	(tag) =	ssettag $0x1  }
0x1: {  	s1 =	rddreg [dreg:$0x1];
	s29 =	srdreg.scid  }
0x2: {  	s26 =	rddreg [dreg:$0x2];
	s30 =	stileid.u32;
	s2 =	sand.u32 $0x1, s29  }
0x3: {  	s28 =	rddreg [dreg:$0x3];
	s31 =	sor.u32 s30, s2  }
0x4: {  	s3 =	rddreg [dreg:$0x4];
	p0 =	sne.s32 s31, $0x0  }
.Ltmp0:
0x5: {  	[dreg:$0x6] =	wrdreg s1;
	(pc) =	sbr.rel @p0 .LBB2_3-.Ltmp0, $4  }
0x6: {  	[dreg:$0x7] =	wrdreg s26  }
0x7: {  	[dreg:$0x8] =	wrdreg s28  }
0x8: {  	[dreg:$0x9] =	wrdreg s3  }
0x9: {  	s0 =	rddreg [dreg:$0x0];
	_ =	strace $0x80000047  }
0xa: {  	s3 =	simm.s32 $0xC00  }
0xb: {  	s11 =	simm.s32 $0xC80;
	[dreg:$0xa] =	wrdreg s3  }
0xc: {  	s12 =	simm.s32 $0x1480;
	[dreg:$0xb] =	wrdreg s11  }
0xd: {  	s13 =	simm.s32 $0x80;
	[dreg:$0xc] =	wrdreg s12  }
0xe: {  	s14 =	simm.s32 $0x1500;
	[dreg:$0xd] =	wrdreg s13  }
0xf: {  	s15 =	simm.s32 $0x100;
	[dreg:$0xe] =	wrdreg s14  }
0x10: {  	s16 =	simm.s32 $0x1580;
	[dreg:$0xf] =	wrdreg s15  }
0x11: {  	s17 =	simm.s32 $0x180;
	[dreg:$0x10] =	wrdreg s16  }
0x12: {  	s18 =	simm.s32 $0x1600;
	[dreg:$0x11] =	wrdreg s17  }
0x13: {  	s19 =	simm.s32 $0x200;
	[dreg:$0x12] =	wrdreg s18  }
0x14: {  	s20 =	simm.s32 $0x1680;
	s21 =	simm.s32 $0x280;
	[dreg:$0x13] =	wrdreg s19  }
0x15: {  	s22 =	simm.s32 $0x1700;
	s2 =	ssub.s32 $0x2, s2;
	[dreg:$0x14] =	wrdreg s20  }
0x16: {  	s23 =	simm.s32 $0x300;
	s5 =	simm.s32 $0x1780;
	[dreg:$0x15] =	wrdreg s21  }
0x17: {  	s24 =	simm.s32 $0x380;
	s25 =	simm.s32 $0x1800;
	[dreg:$0x16] =	wrdreg s22  }
0x18: {  	s26 =	simm.s32 $0x400;
	s6 =	simm.s32 $0x70;
	[dreg:$0x17] =	wrdreg s23  }
0x19: {  	s10 =	simm.s32 $0x500;
	s28 =	simm.s32 $0x1D80;
	[dreg:$0x18] =	wrdreg s5  }
0x1a: {  	s29 =	simm.s32 $0x980;
	s30 =	simm.s32 $0x1E00;
	[dreg:$0x19] =	wrdreg s24  }
0x1b: {  	s31 =	simm.s32 $0x1;
	s4 =	sshrl.u32 s2, $0x1;
	[dreg:$0x1a] =	wrdreg s25  }
0x1c: {  	s5 =	simm.s32 $0x2;
	[dreg:$0x1b] =	wrdreg s26;
	s11 =	simm.s32 $0x1980  }
0x1d: {  	s12 =	simm.s32 $0x580;
	s13 =	simm.s32 $0x1A00;
	s14 =	simm.s32 $0x600  }
0x1e: {  	s15 =	simm.s32 $0x1A80;
	s16 =	simm.s32 $0x680;
	s17 =	simm.s32 $0x1B00  }
0x1f: {  	s18 =	simm.s32 $0x700;
	s19 =	simm.s32 $0x1B80;
	s20 =	simm.s32 $0x780  }
0x20: {  	s21 =	simm.s32 $0x1C00;
	s22 =	simm.s32 $0x800;
	s23 =	simm.s32 $0x1C80  }
0x21: {  	s24 =	simm.s32 $0x880;
	s25 =	simm.s32 $0x1D00;
	s26 =	simm.s32 $0x900  }
0x22: {  	s3 =	ssub.s32 s2, s4;
	s4 =	simm.s32 $0x0;
	s2 =	simm.s32 $0x2080  }
.LBB2_2:
0x23: {  	s1 =	rddreg [dreg:$0x6]  }
0x24: {  	[tilespmem:s4], [sflag:$0x2] =	stream.linear.gather [hbm4b:s1+s4], $0xA00, $0x38;
	[tilespmem:$0x2C80] =	vst v63  }
0x25: {  	_ =	swait.ge [sflag:s5], $0xA00  }
0x26: {  	s9 =	rddreg [dreg:$0x7];
	[sflag:s5] =	ssyncset.done $0x0  }
0x27: {  	s7 =	rddreg [dreg:$0xa];
	[sflag:s5] =	ssyncadd.s32 $0xFFFFF600  }
0x28: {  	[tilespmem:s7], [sflag:$0x2] =	stream.linear.gather [hbm4b:s9+s4], $0x80, $0x38;
	[tilespmem:$0x2C80] =	vst v63  }
0x29: {  	_ =	swait.ge [sflag:s5], $0x80  }
0x2a: {  	[sflag:s5] =	ssyncset.done $0x0;
	s8 =	rddreg [dreg:$0x8]  }
0x2b: {  	s9 =	rddreg [dreg:$0xb];
	[sflag:s5] =	ssyncadd.s32 $0xFFFFFF80  }
0x2c: {  	[tilespmem:s9], [sflag:$0x2] =	stream.linear.gather [hbm4b:s8+s4], $0x800, $0x38;
	[tilespmem:$0x2C80] =	vst v63  }
0x2d: {  	_ =	swait.ge [sflag:s5], $0x800  }
0x2e: {  	s7 =	rddreg [dreg:$0xc]  }
0x2f: {  	s9 =	rddreg [dreg:$0xd]  }
0x30: {  	[sflag:s5] =	ssyncset.done $0x0;
	s8 =	rddreg [dreg:$0xe]  }
0x31: {  	s1 =	rddreg [dreg:$0xf];
	[sflag:s5] =	ssyncadd.s32 $0xFFFFF800  }
0x32: {  	[tilespmem:s7], [sflag:$0x1] =	stream.indirect.gather [hbm4b:s0+s6], $0x1, s4, s6, $0xb8;
	[tilespmem:$0x2C80] =	vst v63  }
0x33: {  	s7 =	rddreg [dreg:$0x10]  }
0x34: {  	[tilespmem:s8], [sflag:$0x1] =	stream.indirect.gather [hbm4b:s0+s6], $0x1, s9, s6, $0xb8;
	[tilespmem:$0x2C80] =	vst v63  }
0x35: {  	s8 =	rddreg [dreg:$0x11]  }
0x36: {  	s9 =	rddreg [dreg:$0x12]  }
0x37: {  	[tilespmem:s7], [sflag:$0x1] =	stream.indirect.gather [hbm4b:s0+s6], $0x1, s1, s6, $0xb8;
	[tilespmem:$0x2C80] =	vst v63  }
0x38: {  	s1 =	rddreg [dreg:$0x13]  }
0x39: {  	s7 =	rddreg [dreg:$0x14]  }
0x3a: {  	[tilespmem:s9], [sflag:$0x1] =	stream.indirect.gather [hbm4b:s0+s6], $0x1, s8, s6, $0xb8;
	[tilespmem:$0x2C80] =	vst v63  }
0x3b: {  	s8 =	rddreg [dreg:$0x15]  }
0x3c: {  	s9 =	rddreg [dreg:$0x16]  }
0x3d: {  	[tilespmem:s7], [sflag:$0x1] =	stream.indirect.gather [hbm4b:s0+s6], $0x1, s1, s6, $0xb8;
	[tilespmem:$0x2C80] =	vst v63  }
0x3e: {  	s1 =	rddreg [dreg:$0x17]  }
0x3f: {  	s7 =	rddreg [dreg:$0x18]  }
0x40: {  	[tilespmem:s9], [sflag:$0x1] =	stream.indirect.gather [hbm4b:s0+s6], $0x1, s8, s6, $0xb8;
	[tilespmem:$0x2C80] =	vst v63  }
0x41: {  	s8 =	rddreg [dreg:$0x19]  }
0x42: {  	[tilespmem:s7], [sflag:$0x1] =	stream.indirect.gather [hbm4b:s0+s6], $0x1, s1, s6, $0xb8;
	[tilespmem:$0x2C80] =	vst v63  }
0x43: {  	s9 =	rddreg [dreg:$0x1a]  }
0x44: {  	[tilespmem:s9], [sflag:$0x1] =	stream.indirect.gather [hbm4b:s0+s6], $0x1, s8, s6, $0xb8;
	[tilespmem:$0x2C80] =	vst v63  }
0x45: {  	s7 =	rddreg [dreg:$0x1b];
	s9 =	simm.s32 $0x1880  }
0x46: {  	[tilespmem:s9], [sflag:$0x1] =	stream.indirect.gather [hbm4b:s0+s6], $0x1, s7, s6, $0xb8;
	[tilespmem:$0x2C80] =	vst v63  }
0x47: {  	s8 =	simm.s32 $0x1900;
	s7 =	simm.s32 $0x480  }
0x48: {  	[tilespmem:s8], [sflag:$0x1] =	stream.indirect.gather [hbm4b:s0+s6], $0x1, s7, s6, $0xb8;
	[tilespmem:$0x2C80] =	vst v63  }
0x49: {  	_ = 	snop  }
0x4a: {  	[tilespmem:s11], [sflag:$0x1] =	stream.indirect.gather [hbm4b:s0+s6], $0x1, s10, s6, $0xb8;
	[tilespmem:$0x2C80] =	vst v63  }
0x4b: {  	_ = 	snop  }
0x4c: {  	[tilespmem:s13], [sflag:$0x1] =	stream.indirect.gather [hbm4b:s0+s6], $0x1, s12, s6, $0xb8;
	[tilespmem:$0x2C80] =	vst v63  }
0x4d: {  	_ = 	snop  }
0x4e: {  	[tilespmem:s15], [sflag:$0x1] =	stream.indirect.gather [hbm4b:s0+s6], $0x1, s14, s6, $0xb8;
	[tilespmem:$0x2C80] =	vst v63  }
0x4f: {  	_ = 	snop  }
0x50: {  	[tilespmem:s17], [sflag:$0x1] =	stream.indirect.gather [hbm4b:s0+s6], $0x1, s16, s6, $0xb8;
	[tilespmem:$0x2C80] =	vst v63  }
0x51: {  	_ = 	snop  }
0x52: {  	[tilespmem:s19], [sflag:$0x1] =	stream.indirect.gather [hbm4b:s0+s6], $0x1, s18, s6, $0xb8;
	[tilespmem:$0x2C80] =	vst v63  }
0x53: {  	_ = 	snop  }
0x54: {  	[tilespmem:s21], [sflag:$0x1] =	stream.indirect.gather [hbm4b:s0+s6], $0x1, s20, s6, $0xb8;
	[tilespmem:$0x2C80] =	vst v63  }
0x55: {  	_ = 	snop  }
0x56: {  	[tilespmem:s23], [sflag:$0x1] =	stream.indirect.gather [hbm4b:s0+s6], $0x1, s22, s6, $0xb8;
	[tilespmem:$0x2C80] =	vst v63  }
0x57: {  	_ = 	snop  }
0x58: {  	[tilespmem:s25], [sflag:$0x1] =	stream.indirect.gather [hbm4b:s0+s6], $0x1, s24, s6, $0xb8;
	[tilespmem:$0x2C80] =	vst v63  }
0x59: {  	_ = 	snop  }
0x5a: {  	[tilespmem:s28], [sflag:$0x1] =	stream.indirect.gather [hbm4b:s0+s6], $0x1, s26, s6, $0xb8;
	[tilespmem:$0x2C80] =	vst v63  }
0x5b: {  	_ = 	snop  }
0x5c: {  	[tilespmem:s30], [sflag:$0x1] =	stream.indirect.gather [hbm4b:s0+s6], $0x1, s29, s6, $0xb8;
	[tilespmem:$0x2C80] =	vst v63  }
0x5d: {  	_ =	swait.ge [sflag:s31], $0x70  }
0x5e: {  	[sflag:s31] =	ssyncset.done $0x0  }
0x5f: {  	[sflag:s31] =	ssyncadd.s32 $0xFFFFFF90  }
0x60: {  	_ =	swait.ge [sflag:s31], $0x70  }
0x61: {  	[sflag:s31] =	ssyncset.done $0x0  }
0x62: {  	[sflag:s31] =	ssyncadd.s32 $0xFFFFFF90  }
0x63: {  	_ =	swait.ge [sflag:s31], $0x70  }
0x64: {  	[sflag:s31] =	ssyncset.done $0x0  }
0x65: {  	[sflag:s31] =	ssyncadd.s32 $0xFFFFFF90  }
0x66: {  	_ =	swait.ge [sflag:s31], $0x70  }
0x67: {  	[sflag:s31] =	ssyncset.done $0x0  }
0x68: {  	[sflag:s31] =	ssyncadd.s32 $0xFFFFFF90  }
0x69: {  	_ =	swait.ge [sflag:s31], $0x70  }
0x6a: {  	[sflag:s31] =	ssyncset.done $0x0  }
0x6b: {  	[sflag:s31] =	ssyncadd.s32 $0xFFFFFF90  }
0x6c: {  	_ =	swait.ge [sflag:s31], $0x70  }
0x6d: {  	[sflag:s31] =	ssyncset.done $0x0  }
0x6e: {  	[sflag:s31] =	ssyncadd.s32 $0xFFFFFF90  }
0x6f: {  	_ =	swait.ge [sflag:s31], $0x70  }
0x70: {  	[sflag:s31] =	ssyncset.done $0x0  }
0x71: {  	[sflag:s31] =	ssyncadd.s32 $0xFFFFFF90  }
0x72: {  	_ =	swait.ge [sflag:s31], $0x70  }
0x73: {  	[sflag:s31] =	ssyncset.done $0x0  }
0x74: {  	[sflag:s31] =	ssyncadd.s32 $0xFFFFFF90  }
0x75: {  	_ =	swait.ge [sflag:s31], $0x70  }
0x76: {  	[sflag:s31] =	ssyncset.done $0x0  }
0x77: {  	[sflag:s31] =	ssyncadd.s32 $0xFFFFFF90  }
0x78: {  	_ =	swait.ge [sflag:s31], $0x70  }
0x79: {  	[sflag:s31] =	ssyncset.done $0x0  }
0x7a: {  	[sflag:s31] =	ssyncadd.s32 $0xFFFFFF90  }
0x7b: {  	_ =	swait.ge [sflag:s31], $0x70  }
0x7c: {  	[sflag:s31] =	ssyncset.done $0x0  }
0x7d: {  	[sflag:s31] =	ssyncadd.s32 $0xFFFFFF90  }
0x7e: {  	_ =	swait.ge [sflag:s31], $0x70  }
0x7f: {  	[sflag:s31] =	ssyncset.done $0x0  }
0x80: {  	[sflag:s31] =	ssyncadd.s32 $0xFFFFFF90  }
0x81: {  	_ =	swait.ge [sflag:s31], $0x70  }
0x82: {  	[sflag:s31] =	ssyncset.done $0x0  }
0x83: {  	[sflag:s31] =	ssyncadd.s32 $0xFFFFFF90  }
0x84: {  	_ =	swait.ge [sflag:s31], $0x70  }
0x85: {  	[sflag:s31] =	ssyncset.done $0x0  }
0x86: {  	[sflag:s31] =	ssyncadd.s32 $0xFFFFFF90  }
0x87: {  	_ =	swait.ge [sflag:s31], $0x70  }
0x88: {  	[sflag:s31] =	ssyncset.done $0x0  }
0x89: {  	[sflag:s31] =	ssyncadd.s32 $0xFFFFFF90  }
0x8a: {  	_ =	swait.ge [sflag:s31], $0x70  }
0x8b: {  	[sflag:s31] =	ssyncset.done $0x0  }
0x8c: {  	[sflag:s31] =	ssyncadd.s32 $0xFFFFFF90  }
0x8d: {  	_ =	swait.ge [sflag:s31], $0x70  }
0x8e: {  	[sflag:s31] =	ssyncset.done $0x0  }
0x8f: {  	[sflag:s31] =	ssyncadd.s32 $0xFFFFFF90  }
0x90: {  	_ =	swait.ge [sflag:s31], $0x70  }
0x91: {  	[sflag:s31] =	ssyncset.done $0x0  }
0x92: {  	[sflag:s31] =	ssyncadd.s32 $0xFFFFFF90  }
0x93: {  	_ =	swait.ge [sflag:s31], $0x70  }
0x94: {  	[sflag:s31] =	ssyncset.done $0x0  }
0x95: {  	[sflag:s31] =	ssyncadd.s32 $0xFFFFFF90  }
0x96: {  	_ =	swait.ge [sflag:s31], $0x70  }
0x97: {  	[sflag:s31] =	ssyncset.done $0x0  }
0x98: {  	[sflag:s31] =	ssyncadd.s32 $0xFFFFFF90  }
0x99: {  	v39 =	vld [tilespmem:$0x1480]  }
0x9a: {  	v40 =	vld [tilespmem:$0x1500]  }
0x9b: {  	v33 =	vld [tilespmem:$0x1580]  }
0x9c: {  	v2 =	vld [tilespmem:$0x1600]  }
0x9d: {  	v51 =	vld [tilespmem:$0x1680]  }
0x9e: {  	v52 =	vld [tilespmem:$0x1700]  }
0x9f: {  	v56 =	vld [tilespmem:$0x1780]  }
0xa0: {  	v0 =	vld [tilespmem:$0x1800]  }
0xa1: {  	v27 =	vld [tilespmem:$0x1980]  }
0xa2: {  	v28 =	vld [tilespmem:$0x1B00]  }
0xa3: {  	v29 =	vld [tilespmem:$0x1C00]  }
0xa4: {  	v30 =	vld [tilespmem:$0x1C80]  }
0xa5: {  	v53 =	vld [tilespmem:$0x1880];
	[tilespmem:$0x1FCF0] =	vst v0  }
0xa6: {  	v58 =	vld [tilespmem:$0x1900];
	[tilespmem:$0x1FD00] =	vst v27  }
0xa7: {  	v57 =	vld [tilespmem:$0x1A00];
	[tilespmem:$0x1FD10] =	vst v28  }
0xa8: {  	v61 =	vld [tilespmem:$0x1A80];
	[tilespmem:$0x1FCC0] =	vst v29  }
0xa9: {  	v60 =	vld [tilespmem:$0x1B80];
	[tilespmem:$0x1FD20] =	vst v30  }
0xaa: {  	v0 =	vld [tilespmem:$0x1D00]  }
0xab: {  	v31 =	vld [tilespmem:$0x1D80]  }
0xac: {  	v32 =	vld [tilespmem:$0x1E00]  }
0xad: {  	v16 =	vld [tilespmem:$0xC80]  }
0xae: {  	v19 =	vld [tilespmem:$0xE80]  }
0xaf: {  	v24 =	vld [tilespmem:$0x1080]  }
0xb0: {  	v42 =	vld [tilespmem:$0x1280]  }
0xb1: {  	v26 =	vld [tilespmem:$0xD00]  }
0xb2: {  	v6 =	vld [tilespmem:$0x1100]  }
0xb3: {  	v17 =	vld [tilespmem:$0x1300]  }
0xb4: {  	v9 =	vld [tilespmem:$0xD80]  }
0xb5: {  	v10 =	vld [tilespmem:$0xF80]  }
0xb6: {  	v12 =	vld [tilespmem:$0x1180]  }
0xb7: {  	v15 =	vld [tilespmem:$0x1380]  }
0xb8: {  	v7 =	vld [tilespmem:$0xE00]  }
0xb9: {  	v8 =	vld [tilespmem:$0x1000]  }
0xba: {  	v11 =	vld [tilespmem:$0x1200]  }
0xbb: {  	v13 =	vld [tilespmem:$0x1400]  }
0xbc: {  	v14 =	vld [tilespmem:$0xC00]  }
0xbd: {  	v4 =	vld [tilespmem:$0x1490]  }
0xbe: {  	v3 =	vld [tilespmem:$0x1510]  }
0xbf: {  	v5 =	vld [tilespmem:$0x1590]  }
0xc0: {  	v63 =	vld [tilespmem:$0x1610]  }
0xc1: {  	v34 =	vld [tilespmem:$0x1690]  }
0xc2: {  	v35 =	vld [tilespmem:$0x1710]  }
0xc3: {  	v36 =	vld [tilespmem:$0x1790]  }
0xc4: {  	v37 =	vld [tilespmem:$0x1810]  }
0xc5: {  	v38 =	vld [tilespmem:$0x1890]  }
0xc6: {  	v41 =	vld [tilespmem:$0x1910]  }
0xc7: {  	v43 =	vld [tilespmem:$0x1990]  }
0xc8: {  	v44 =	vld [tilespmem:$0x1A10]  }
0xc9: {  	v45 =	vld [tilespmem:$0x1A90]  }
0xca: {  	v46 =	vld [tilespmem:$0x1B10]  }
0xcb: {  	v47 =	vld [tilespmem:$0x1B90]  }
0xcc: {  	v48 =	vld [tilespmem:$0x1C10]  }
0xcd: {  	v49 =	vld [tilespmem:$0x1C90]  }
0xce: {  	v50 =	vld [tilespmem:$0x1D10]  }
0xcf: {  	v54 =	vld [tilespmem:$0x1D90]  }
0xd0: {  	v55 =	vld [tilespmem:$0x1E10]  }
0xd1: {  	v21 =	vld [tilespmem:$0xC80]  }
0xd2: {  	v22 =	vld [tilespmem:$0xE80]  }
0xd3: {  	v23 =	vld [tilespmem:$0x1080]  }
0xd4: {  	v18 =	vld [tilespmem:$0xD00]  }
0xd5: {  	v20 =	vld [tilespmem:$0xF00]  }
0xd6: {  	v25 =	vld [tilespmem:$0x1100]  }
0xd7: {  	v27 =	vld [tilespmem:$0xD80]  }
0xd8: {  	v28 =	vld [tilespmem:$0xF80]  }
0xd9: {  	v29 =	vld [tilespmem:$0xE00]  }
0xda: {  	v30 =	vld [tilespmem:$0x1000]  }
0xdb: {  	v59 =	vld [tilespmem:$0x16A0]  }
0xdc: {  	v62 =	vld [tilespmem:$0x1720]  }
0xdd: {  	[tilespmem:$0x2380] =	vst v51;
	v51 =	vld [tilespmem:$0x1930]  }
0xde: {  	[tilespmem:$0x2400] =	vst v52;
	v52 =	vld [tilespmem:$0x19B0]  }
0xdf: {  	[tilespmem:$0x2480] =	vst v56;
	v56 =	vld [tilespmem:$0x1A30]  }
0xe0: {  	[tilespmem:$0x2500] =	vst v53;
	v53 =	vld [tilespmem:$0x1B30]  }
0xe1: {  	[tilespmem:$0x2600] =	vst v57;
	v57 =	vld [tilespmem:$0x1E30]  }
0xe2: {  	[tilespmem:$0x1FD30] =	vst v32;
	v32 =	vld [tilespmem:$0xF00]  }
0xe3: {  	[tilespmem:$0x1FD50] =	vst v35;
	v35 =	vld [tilespmem:$0x1280]  }
0xe4: {  	[tilespmem:$0x1FD60] =	vst v36;
	v36 =	vld [tilespmem:$0x1300]  }
0xe5: {  	[tilespmem:$0x1FD40] =	vst v34;
	v34 =	vld [tilespmem:$0x1180]  }
0xe6: {  	[tilespmem:$0x1FE00] =	vst v43;
	v43 =	vld [tilespmem:$0x1380]  }
0xe7: {  	[tilespmem:$0x1FCE0] =	vst v31;
	v31 =	vld [tilespmem:$0x1200]  }
0xe8: {  	[tilespmem:$0x1FDF0] =	vst v37;
	v37 =	vld [tilespmem:$0x1400]  }
0xe9: {  	[tilespmem:$0x1FD70] =	vst v38;
	v38 =	vld [tilespmem:$0xC10]  }
0xea: {  	[tilespmem:$0x1FE40] =	vst v49;
	v49 =	vld [tilespmem:$0x14A0]  }
0xeb: {  	[tilespmem:$0x1FDD0] =	vst v50;
	v50 =	vld [tilespmem:$0x1520]  }
0xec: {  	[tilespmem:$0x1FD90] =	vst v44;
	v44 =	vld [tilespmem:$0x15A0]  }
0xed: {  	[tilespmem:$0x1FD80] =	vst v41;
	v41 =	vld [tilespmem:$0x1620]  }
0xee: {  	[tilespmem:$0x1FDA0] =	vst v45;
	v45 =	vld [tilespmem:$0x17A0]  }
0xef: {  	[tilespmem:$0x1FE10] =	vst v46;
	v46 =	vld [tilespmem:$0x1820]  }
0xf0: {  	[tilespmem:$0x1FDB0] =	vst v47;
	v47 =	vld [tilespmem:$0x18A0]  }
0xf1: {  	[tilespmem:$0x1FDC0] =	vst v48;
	v48 =	vld [tilespmem:$0x1920]  }
0xf2: {  	[tilespmem:$0x1FDE0] =	vst v54;
	v54 =	vld [tilespmem:$0x19A0]  }
0xf3: {  	[tilespmem:$0x1FE60] =	vst v55;
	v55 =	vld [tilespmem:$0x1A20]  }
0xf4: {  	[tilespmem:$0x1FE80] =	vst v59;
	v59 =	vld [tilespmem:$0x1AA0]  }
0xf5: {  	[tilespmem:$0x1FE90] =	vst v62;
	v62 =	vld [tilespmem:$0x1B20]  }
0xf6: {  	[tilespmem:$0x1FCD0] =	vst v0;
	v0 =	vld [tilespmem:$0x1180]  }
0xf7: {  	v1 =	vmul.f32 v16, v39;
	v26 =	vmul.f32 v26, v39;
	v16 =	vld [tilespmem:$0x1000]  }
0xf8: {  	[tilespmem:$0x2700] =	vst v60;
	v9 =	vmul.f32 v9, v39;
	v7 =	vmul.f32 v7, v39;
	v39 =	vld [tilespmem:$0x15B0]  }
0xf9: {  	[tilespmem:$0x2080] =	vst v14;
	v14 =	vld [tilespmem:$0x1730]  }
0xfa: {  	[tilespmem:$0x1FFD0] =	vst v56;
	v56 =	vld [tilespmem:$0x1CB0]  }
0xfb: {  	[tilespmem:$0x1FFF0] =	vst v52;
	v60 =	vmul.f32 v21, v4;
	v52 =	vld [tilespmem:$0x1D30]  }
0xfc: {  	v21 =	vmul.f32 v23, v5;
	v23 =	vmul.f32 v25, v5;
	v25 =	vld [tilespmem:$0x1FCF0]  }
0xfd: {  	v10 =	vmul.f32 v10, v40;
	[tilespmem:$0x2A30] =	vst v53;
	v53 =	vld [tilespmem:$0x1280]  }
0xfe: {  	v8 =	vmul.f32 v8, v40;
	[tilespmem:$0x2B30] =	vst v57;
	v57 =	vld [tilespmem:$0x1300]  }
0xff: {  	[tilespmem:$0x2680] =	vst v61;
	v12 =	vmul.f32 v12, v33;
	v61 =	vmul.f32 v22, v3;
	v22 =	vld [tilespmem:$0x1FCE0];
	v9 =	vadd.f32 v10, v9  }
0x100: {  	v7 =	vadd.f32 v8, v7;
	v8 =	vmul.f32 v11, v33;
	v10 =	vld [tilespmem:$0x1FD90]  }
0x101: {  	v9 =	vadd.f32 v12, v9;
	v12 =	vld [tilespmem:$0x16B0]  }
0x102: {  	v7 =	vadd.f32 v8, v7;
	v8 =	vld [tilespmem:$0x1FD80]  }
0x103: {  	[tilespmem:$0x1FEA0] =	vst v45;
	v45 =	vld [tilespmem:$0x1BA0]  }
0x104: {  	[tilespmem:$0x1FF30] =	vst v46;
	v46 =	vld [tilespmem:$0x1C20]  }
0x105: {  	[tilespmem:$0x1FEB0] =	vst v47;
	v47 =	vld [tilespmem:$0x1CA0]  }
0x106: {  	[tilespmem:$0x1FEC0] =	vst v48;
	v48 =	vld [tilespmem:$0x1D20]  }
0x107: {  	[tilespmem:$0x1FF40] =	vst v54;
	v54 =	vld [tilespmem:$0x1DA0]  }
0x108: {  	[tilespmem:$0x1FED0] =	vst v55;
	v55 =	vld [tilespmem:$0x1E20]  }
0x109: {  	[tilespmem:$0x1FEE0] =	vst v59;
	v59 =	vld [tilespmem:$0x1280]  }
0x10a: {  	[tilespmem:$0x1FF50] =	vst v62;
	v62 =	vld [tilespmem:$0x1300]  }
0x10b: {  	[tilespmem:$0x1FE30] =	vst v0;
	v0 =	vld [tilespmem:$0x1380]  }
0x10c: {  	[tilespmem:$0x1FF90] =	vst v14;
	v14 =	vmul.f32 v18, v4;
	v18 =	vld [tilespmem:$0x1DB0]  }
0x10d: {  	[tilespmem:$0x2900] =	vst v25;
	v25 =	vld [tilespmem:$0x1080]  }
0x10e: {  	[tilespmem:$0x2580] =	vst v58;
	v58 =	vmul.f32 v37, v63;
	v37 =	vld [tilespmem:$0x1200]  }
0x10f: {  	v32 =	vmul.f32 v32, v40;
	[tilespmem:$0x2090] =	vst v38;
	v38 =	vld [tilespmem:$0x1400]  }
0x110: {  	[tilespmem:$0x2830] =	vst v52;
	v52 =	vld [tilespmem:$0x1080]  }
0x111: {  	[tilespmem:$0x2AB0] =	vst v56;
	v56 =	vld [tilespmem:$0x1100];
	v32 =	vadd.f32 v32, v26;
	v26 =	vmul.f32 v6, v33  }
0x112: {  	v11 =	vmul.f32 v17, v2;
	v17 =	vmul.f32 v15, v2;
	v6 =	vld [tilespmem:$0x1400]  }
0x113: {  	v26 =	vadd.f32 v26, v32;
	v32 =	vmul.f32 v42, v2;
	v42 =	vld [tilespmem:$0x1530]  }
0x114: {  	v2 =	vmul.f32 v13, v2;
	v13 =	vadd.f32 v17, v9;
	v17 =	vld [tilespmem:$0x17B0]  }
0x115: {  	v9 =	vld [tilespmem:$0x1AB0]  }
0x116: {  	[tilespmem:$0x1FF80] =	vst v12;
	v12 =	vld [tilespmem:$0x1C30]  }
0x117: {  	[tilespmem:$0x2590] =	vst v8;
	v8 =	vld [tilespmem:$0x18C0]  }
0x118: {  	[tilespmem:$0x1FF00] =	vst v46;
	v46 =	vld [tilespmem:$0xC80]  }
0x119: {  	[tilespmem:$0x1FF60] =	vst v47;
	v47 =	vld [tilespmem:$0xE80]  }
0x11a: {  	[tilespmem:$0x1FF20] =	vst v54;
	v54 =	vld [tilespmem:$0x1080]  }
0x11b: {  	[tilespmem:$0x1FF10] =	vst v48;
	v48 =	vld [tilespmem:$0xD00]  }
0x11c: {  	[tilespmem:$0x1FEF0] =	vst v45;
	v45 =	vld [tilespmem:$0xF00]  }
0x11d: {  	[tilespmem:$0x1FF70] =	vst v55;
	v55 =	vld [tilespmem:$0x1100]  }
0x11e: {  	[tilespmem:$0x1FE50] =	vst v62;
	v62 =	vld [tilespmem:$0xD80]  }
0x11f: {  	[tilespmem:$0x1FE20] =	vst v59;
	v59 =	vld [tilespmem:$0xF80]  }
0x120: {  	[tilespmem:$0x1FE70] =	vst v0;
	v0 =	vmul.f32 v19, v40;
	v19 =	vld [tilespmem:$0xE00]  }
0x121: {  	v40 =	vld [tilespmem:$0x14B0]  }
0x122: {  	v11 =	vadd.f32 v11, v26;
	v26 =	vld [tilespmem:$0x1830]  }
0x123: {  	[tilespmem:$0x2200] =	vst v13;
	v13 =	vld [tilespmem:$0x1BB0]  }
0x124: {  	v0 =	vadd.f32 v0, v1;
	v1 =	vmul.f32 v24, v33;
	v24 =	vld [tilespmem:$0x1200]  }
0x125: {  	v15 =	vadd.f32 v2, v7;
	v33 =	vld [tilespmem:$0x1630]  }
0x126: {  	[tilespmem:$0x2180] =	vst v11;
	v11 =	vld [tilespmem:$0x1FCC0]  }
0x127: {  	[tilespmem:$0x2280] =	vst v15;
	v15 =	vmul.f32 v20, v3;
	v20 =	vld [tilespmem:$0x1FCD0]  }
0x128: {  	v1 =	vadd.f32 v1, v0;
	v0 =	vld [tilespmem:$0xC20]  }
0x129: {  	[tilespmem:$0x1FFA0] =	vst v17;
	v17 =	vld [tilespmem:$0xC80]  }
0x12a: {  	[tilespmem:$0x26B0] =	vst v9;
	v9 =	vld [tilespmem:$0x16D0]  }
0x12b: {  	v7 =	vadd.f32 v15, v14;
	v14 =	vld [tilespmem:$0x1FDB0]  }
0x12c: {  	v15 =	vmul.f32 v46, v49;
	v46 =	vld [tilespmem:$0x1540]  }
0x12d: {  	[tilespmem:$0x2880] =	vst v22;
	v22 =	vmul.f32 v48, v49;
	v48 =	vld [tilespmem:$0x1FDD0]  }
0x12e: {  	[tilespmem:$0x1FFC0] =	vst v51;
	v51 =	vmul.f32 v43, v63;
	v43 =	vmul.f32 v45, v50;
	v45 =	vld [tilespmem:$0x15C0]  }
0x12f: {  	v1 =	vadd.f32 v32, v1;
	v32 =	vld [tilespmem:$0x18B0]  }
0x130: {  	[tilespmem:$0x1FFE0] =	vst v26;
	v26 =	vmul.f32 v27, v4;
	v27 =	vmul.f32 v28, v3;
	v28 =	vld [tilespmem:$0x1FD00]  }
0x131: {  	v4 =	vmul.f32 v29, v4;
	v3 =	vmul.f32 v30, v3;
	v29 =	vld [tilespmem:$0x1FD10]  }
0x132: {  	v30 =	vmul.f32 v35, v63;
	v35 =	vmul.f32 v36, v63;
	v36 =	vld [tilespmem:$0x1FD30]  }
0x133: {  	v63 =	vld [tilespmem:$0x1FD50]  }
0x134: {  	v7 =	vadd.f32 v23, v7;
	v23 =	vld [tilespmem:$0xE80]  }
0x135: {  	v3 =	vadd.f32 v3, v4;
	v4 =	vld [tilespmem:$0x1280]  }
0x136: {  	v2 =	vadd.f32 v27, v26;
	v26 =	vld [tilespmem:$0xD00]  }
0x137: {  	v27 =	vld [tilespmem:$0xF00]  }
0x138: {  	[tilespmem:$0x2100] =	vst v1;
	v1 =	vadd.f32 v61, v60;
	v61 =	vld [tilespmem:$0x1FD40]  }
0x139: {  	[tilespmem:$0x2780] =	vst v11;
	v11 =	vld [tilespmem:$0x1FDA0]  }
0x13a: {  	[tilespmem:$0x2800] =	vst v20;
	v20 =	vmul.f32 v47, v50;
	v47 =	vld [tilespmem:$0x14C0]  }
0x13b: {  	v7 =	vadd.f32 v35, v7;
	v35 =	vld [tilespmem:$0xE00]  }
0x13c: {  	[tilespmem:$0x20A0] =	vst v0;
	v0 =	vld [tilespmem:$0x1B40]  }
0x13d: {  	v1 =	vadd.f32 v21, v1;
	v21 =	vld [tilespmem:$0x1FDC0]  }
0x13e: {  	[tilespmem:$0x2810] =	vst v48;
	v48 =	vld [tilespmem:$0x1FE00]  }
0x13f: {  	[tilespmem:$0x2710] =	vst v14;
	v14 =	vld [tilespmem:$0x1840]  }
0x140: {  	[tilespmem:$0x1FFB0] =	vst v32;
	v32 =	vmul.f32 v34, v5;
	v34 =	vld [tilespmem:$0x1FD20]  }
0x141: {  	[tilespmem:$0x2980] =	vst v28;
	v28 =	vld [tilespmem:$0x1100]  }
0x142: {  	[tilespmem:$0x2A00] =	vst v29;
	v29 =	vld [tilespmem:$0x1300]  }
0x143: {  	v5 =	vmul.f32 v31, v5;
	v31 =	vld [tilespmem:$0xF80]  }
0x144: {  	[tilespmem:$0x2190] =	vst v7;
	v7 =	vld [tilespmem:$0x1FD70]  }
0x145: {  	[tilespmem:$0x2B00] =	vst v36;
	v36 =	vld [tilespmem:$0x1000]  }
0x146: {  	[tilespmem:$0x2410] =	vst v63;
	v63 =	vmul.f32 v59, v50;
	v59 =	vld [tilespmem:$0x1FE40]  }
0x147: {  	v1 =	vadd.f32 v30, v1;
	v30 =	vld [tilespmem:$0xD80]  }
0x148: {  	v2 =	vadd.f32 v32, v2;
	v32 =	vld [tilespmem:$0x1180]  }
0x149: {  	v3 =	vadd.f32 v5, v3;
	v5 =	vld [tilespmem:$0x1FD60]  }
0x14a: {  	[tilespmem:$0x2390] =	vst v61;
	v61 =	vld [tilespmem:$0x1FDF0]  }
0x14b: {  	[tilespmem:$0x2690] =	vst v11;
	v11 =	vld [tilespmem:$0x1DC0]  }
0x14c: {  	[tilespmem:$0x2110] =	vst v1;
	v1 =	vadd.f32 v20, v15;
	v15 =	vld [tilespmem:$0x1740]  }
0x14d: {  	v20 =	vld [tilespmem:$0x17C0]  }
0x14e: {  	v2 =	vadd.f32 v51, v2;
	v51 =	vld [tilespmem:$0xC30]  }
0x14f: {  	v60 =	vadd.f32 v58, v3;
	v58 =	vld [tilespmem:$0x1FDE0]  }
0x150: {  	v3 =	vadd.f32 v43, v22;
	v43 =	vld [tilespmem:$0x1640]  }
0x151: {  	v22 =	vld [tilespmem:$0x16C0]  }
0x152: {  	[tilespmem:$0x2790] =	vst v21;
	v21 =	vld [tilespmem:$0x19C0]  }
0x153: {  	v54 =	vmul.f32 v54, v44;
	[tilespmem:$0x2990] =	vst v48;
	v48 =	vld [tilespmem:$0x1FEA0]  }
0x154: {  	[tilespmem:$0x2A80] =	vst v34;
	v34 =	vld [tilespmem:$0x1380]  }
0x155: {  	v1 =	vadd.f32 v54, v1;
	v54 =	vld [tilespmem:$0x1FE10]  }
0x156: {  	v62 =	vmul.f32 v62, v49;
	[tilespmem:$0x2A90] =	vst v59;
	v59 =	vld [tilespmem:$0x1FF00]  }
0x157: {  	[tilespmem:$0x2290] =	vst v60;
	v60 =	vmul.f32 v55, v44;
	v55 =	vld [tilespmem:$0x1FE20]  }
0x158: {  	v49 =	vmul.f32 v19, v49;
	v50 =	vmul.f32 v16, v50;
	[tilespmem:$0x2210] =	vst v2;
	v2 =	vadd.f32 v63, v62;
	v63 =	vld [tilespmem:$0x1FE60]  }
0x159: {  	[tilespmem:$0x2910] =	vst v61;
	v61 =	vld [tilespmem:$0x1FE50]  }
0x15a: {  	[tilespmem:$0x2490] =	vst v5;
	v5 =	vadd.f32 v50, v49;
	v49 =	vld [tilespmem:$0x1FEB0]  }
0x15b: {  	v50 =	vld [tilespmem:$0x1FEC0]  }
0x15c: {  	[tilespmem:$0x2890] =	vst v58;
	v58 =	vld [tilespmem:$0x1FE30]  }
0x15d: {  	[tilespmem:$0x24A0] =	vst v48;
	v48 =	vld [tilespmem:$0x1FF30]  }
0x15e: {  	v3 =	vadd.f32 v60, v3;
	v60 =	vmul.f32 v24, v44;
	[tilespmem:$0x20B0] =	vst v51;
	v51 =	vld [tilespmem:$0x1FFB0]  }
0x15f: {  	[tilespmem:$0x2A10] =	vst v54;
	v54 =	vld [tilespmem:$0x1FED0]  }
0x160: {  	v5 =	vadd.f32 v60, v5;
	v60 =	vld [tilespmem:$0x1FF10]  }
0x161: {  	[tilespmem:$0x27A0] =	vst v59;
	v59 =	vld [tilespmem:$0x1FF50]  }
0x162: {  	v6 =	vmul.f32 v6, v41;
	[tilespmem:$0x2510] =	vst v7;
	v7 =	vmul.f32 v55, v41;
	v55 =	vld [tilespmem:$0x1FEE0]  }
0x163: {  	[tilespmem:$0x2B10] =	vst v63;
	v63 =	vmul.f32 v28, v39;
	v28 =	vld [tilespmem:$0xD00]  }
0x164: {  	v24 =	vadd.f32 v6, v5;
	v6 =	vld [tilespmem:$0x1AC0]  }
0x165: {  	v26 =	vmul.f32 v26, v40;
	v27 =	vmul.f32 v27, v42;
	v5 =	vld [tilespmem:$0x1BC0]  }
0x166: {  	v62 =	vmul.f32 v61, v41;
	v61 =	vmul.f32 v25, v39;
	v25 =	vld [tilespmem:$0x1280]  }
0x167: {  	v26 =	vadd.f32 v27, v26;
	[tilespmem:$0x25A0] =	vst v50;
	v50 =	vmul.f32 v31, v42;
	v31 =	vld [tilespmem:$0xF00]  }
0x168: {  	[tilespmem:$0x2520] =	vst v49;
	v49 =	vmul.f32 v30, v40;
	v30 =	vld [tilespmem:$0xF80]  }
0x169: {  	v26 =	vadd.f32 v63, v26;
	v63 =	vld [tilespmem:$0x1FF70]  }
0x16a: {  	v17 =	vmul.f32 v17, v40;
	v16 =	vadd.f32 v62, v3;
	v3 =	vld [tilespmem:$0x1940]  }
0x16b: {  	[tilespmem:$0x2610] =	vst v10;
	v23 =	vmul.f32 v23, v42;
	v10 =	vmul.f32 v58, v44;
	v44 =	vld [tilespmem:$0x1FE90]  }
0x16c: {  	v58 =	vld [tilespmem:$0x1FEF0]  }
0x16d: {  	v17 =	vadd.f32 v23, v17;
	[tilespmem:$0x22A0] =	vst v24;
	v24 =	vld [tilespmem:$0xE80]  }
0x16e: {  	v62 =	vld [tilespmem:$0x1FF20]  }
0x16f: {  	v17 =	vadd.f32 v61, v17;
	v61 =	vld [tilespmem:$0x1FF60]  }
0x170: {  	[tilespmem:$0x2920] =	vst v48;
	v48 =	vld [tilespmem:$0x1FF80]  }
0x171: {  	v23 =	vadd.f32 v50, v49;
	v49 =	vld [tilespmem:$0x1FF90]  }
0x172: {  	v1 =	vadd.f32 v7, v1;
	v50 =	vld [tilespmem:$0x1FFA0]  }
0x173: {  	[tilespmem:$0x2530] =	vst v51;
	v51 =	vld [tilespmem:$0xE80]  }
0x174: {  	[tilespmem:$0x2120] =	vst v1;
	v1 =	vld [tilespmem:$0x1CC0]  }
0x175: {  	v29 =	vmul.f32 v29, v33;
	[tilespmem:$0x2620] =	vst v54;
	v54 =	vld [tilespmem:$0x1FF40]  }
0x176: {  	[tilespmem:$0x2820] =	vst v60;
	v60 =	vmul.f32 v32, v39;
	v32 =	vld [tilespmem:$0x1300]  }
0x177: {  	v26 =	vadd.f32 v29, v26;
	v29 =	vld [tilespmem:$0x1200]  }
0x178: {  	v2 =	vadd.f32 v10, v2;
	v10 =	vld [tilespmem:$0x1FE70]  }
0x179: {  	v4 =	vmul.f32 v4, v33;
	[tilespmem:$0x21A0] =	vst v16;
	v16 =	vld [tilespmem:$0xC80]  }
0x17a: {  	[tilespmem:$0x26A0] =	vst v55;
	v55 =	vmul.f32 v35, v40;
	v40 =	vmul.f32 v34, v33;
	v34 =	vld [tilespmem:$0x1400]  }
0x17b: {  	v4 =	vadd.f32 v4, v17;
	v35 =	vld [tilespmem:$0xC40]  }
0x17c: {  	[tilespmem:$0x21B0] =	vst v26;
	v26 =	vld [tilespmem:$0xE00]  }
0x17d: {  	[tilespmem:$0x2130] =	vst v4;
	v4 =	vld [tilespmem:$0x1850]  }
0x17e: {  	[tilespmem:$0x2720] =	vst v58;
	v58 =	vmul.f32 v36, v42;
	v36 =	vld [tilespmem:$0x1100]  }
0x17f: {  	[tilespmem:$0x28A0] =	vst v62;
	v62 =	vmul.f32 v37, v39;
	v37 =	vld [tilespmem:$0xD80]  }
0x180: {  	[tilespmem:$0x28B0] =	vst v18;
	v42 =	vmul.f32 v38, v33;
	v33 =	vld [tilespmem:$0x1180]  }
0x181: {  	[tilespmem:$0x27B0] =	vst v12;
	v39 =	vadd.f32 v60, v23;
	v23 =	vld [tilespmem:$0x1380]  }
0x182: {  	[tilespmem:$0x2540] =	vst v8;
	v38 =	vld [tilespmem:$0x14D0]  }
0x183: {  	[tilespmem:$0x2A20] =	vst v59;
	v59 =	vmul.f32 v24, v46;
	v24 =	vld [tilespmem:$0x18D0]  }
0x184: {  	[tilespmem:$0x2AA0] =	vst v61;
	v61 =	vmul.f32 v31, v46;
	v31 =	vld [tilespmem:$0x1950]  }
0x185: {  	[tilespmem:$0x24B0] =	vst v50;
	v50 =	vld [tilespmem:$0xC80]  }
0x186: {  	[tilespmem:$0x29A0] =	vst v54;
	v54 =	vld [tilespmem:$0x1FFC0]  }
0x187: {  	[tilespmem:$0x23B0] =	vst v48;
	v48 =	vmul.f32 v32, v43;
	v32 =	vld [tilespmem:$0x1AD0]  }
0x188: {  	[tilespmem:$0x2730] =	vst v13;
	v7 =	vmul.f32 v10, v41;
	v41 =	vld [tilespmem:$0x1FE80]  }
0x189: {  	[tilespmem:$0x23D0] =	vst v9;
	v10 =	vld [tilespmem:$0x1D40]  }
0x18a: {  	[tilespmem:$0x2A40] =	vst v0;
	v17 =	vadd.f32 v40, v39;
	v39 =	vld [tilespmem:$0x1550]  }
0x18b: {  	[tilespmem:$0x2940] =	vst v14;
	v40 =	vld [tilespmem:$0x15D0]  }
0x18c: {  	[tilespmem:$0x28C0] =	vst v11;
	v60 =	vmul.f32 v28, v47;
	v27 =	vadd.f32 v58, v55;
	v55 =	vld [tilespmem:$0x1FFD0]  }
0x18d: {  	[tilespmem:$0x2440] =	vst v15;
	v58 =	vmul.f32 v16, v47;
	v16 =	vld [tilespmem:$0x1750]  }
0x18e: {  	[tilespmem:$0x24C0] =	vst v20;
	v12 =	vadd.f32 v61, v60;
	v60 =	vld [tilespmem:$0x1180]  }
0x18f: {  	[tilespmem:$0x23C0] =	vst v22;
	v61 =	vld [tilespmem:$0xE00]  }
0x190: {  	[tilespmem:$0x2430] =	vst v49;
	v49 =	vmul.f32 v34, v43;
	v34 =	vld [tilespmem:$0x1380]  }
0x191: {  	[tilespmem:$0x29C0] =	vst v21;
	v19 =	vadd.f32 v7, v2;
	v2 =	vld [tilespmem:$0x1A40]  }
0x192: {  	[tilespmem:$0x26C0] =	vst v6;
	v7 =	vld [tilespmem:$0x1C40]  }
0x193: {  	[tilespmem:$0x2230] =	vst v17;
	v17 =	vld [tilespmem:$0x17D0]  }
0x194: {  	[tilespmem:$0x2740] =	vst v5;
	v13 =	vadd.f32 v59, v58;
	v58 =	vld [tilespmem:$0xD80]  }
0x195: {  	[tilespmem:$0x2B20] =	vst v63;
	v59 =	vld [tilespmem:$0xF80]  }
0x196: {  	[tilespmem:$0x2420] =	vst v44;
	v63 =	vmul.f32 v36, v45;
	v36 =	vld [tilespmem:$0x1FFE0]  }
0x197: {  	v25 =	vmul.f32 v25, v43;
	[tilespmem:$0x25C0] =	vst v3;
	v23 =	vmul.f32 v23, v43;
	v43 =	vld [tilespmem:$0x1400]  }
0x198: {  	[tilespmem:$0x2550] =	vst v24;
	v24 =	vld [tilespmem:$0xF80]  }
0x199: {  	v27 =	vadd.f32 v62, v27;
	[tilespmem:$0x25D0] =	vst v31;
	v31 =	vld [tilespmem:$0x1380]  }
0x19a: {  	[tilespmem:$0x2220] =	vst v19;
	v19 =	vld [tilespmem:$0x1E40]  }
0x19b: {  	[tilespmem:$0x2AC0] =	vst v1;
	v44 =	vadd.f32 v42, v27;
	v27 =	vld [tilespmem:$0x1000]  }
0x19c: {  	[tilespmem:$0x20C0] =	vst v35;
	v42 =	vld [tilespmem:$0x1650]  }
0x19d: {  	[tilespmem:$0x25B0] =	vst v54;
	v54 =	vld [tilespmem:$0xD00]  }
0x19e: {  	[tilespmem:$0x26D0] =	vst v32;
	v32 =	vld [tilespmem:$0x1200]  }
0x19f: {  	[tilespmem:$0x23A0] =	vst v41;
	v41 =	vld [tilespmem:$0x1080]  }
0x1a0: {  	[tilespmem:$0x2950] =	vst v4;
	v18 =	vadd.f32 v63, v12;
	v12 =	vld [tilespmem:$0x19D0]  }
0x1a1: {  	[tilespmem:$0x2630] =	vst v55;
	v55 =	vld [tilespmem:$0xF00]  }
0x1a2: {  	[tilespmem:$0x2840] =	vst v10;
	v63 =	vld [tilespmem:$0x1000]  }
0x1a3: {  	v15 =	vmul.f32 v51, v39;
	v51 =	vld [tilespmem:$0x1560];
	[tilespmem:$0x2450] =	vst v16  }
0x1a4: {  	[tilespmem:$0x22B0] =	vst v44;
	v44 =	vld [tilespmem:$0x1FFF0]  }
0x1a5: {  	[tilespmem:$0x27C0] =	vst v7;
	v7 =	vmul.f32 v58, v38;
	v58 =	vld [tilespmem:$0x1280]  }
0x1a6: {  	[tilespmem:$0x2640] =	vst v2;
	v10 =	vmul.f32 v59, v39;
	v59 =	vld [tilespmem:$0xD00]  }
0x1a7: {  	v18 =	vadd.f32 v48, v18;
	v48 =	vmul.f32 v60, v40;
	v60 =	vld [tilespmem:$0xF00];
	[tilespmem:$0x24D0] =	vst v17  }
0x1a8: {  	[tilespmem:$0x2930] =	vst v36;
	v36 =	vmul.f32 v52, v40;
	v52 =	vld [tilespmem:$0x15E0]  }
0x1a9: {  	v26 =	vmul.f32 v26, v47;
	v27 =	vmul.f32 v27, v46;
	[tilespmem:$0x21C0] =	vst v18;
	v18 =	vld [tilespmem:$0x1CD0]  }
0x1aa: {  	[tilespmem:$0x2B40] =	vst v19;
	v5 =	vmul.f32 v57, v42;
	v57 =	vld [tilespmem:$0x1080];
	v62 =	vmul.f32 v41, v45  }
0x1ab: {  	v41 =	vmul.f32 v37, v47;
	v47 =	vmul.f32 v33, v45;
	v33 =	vld [tilespmem:$0x1A50];
	[tilespmem:$0x29D0] =	vst v12  }
0x1ac: {  	v37 =	vld [tilespmem:$0x1200];
	[tilespmem:$0x29B0] =	vst v44;
	v26 =	vadd.f32 v27, v26;
	v27 =	vimm.f32 $0.0e+00  }
0x1ad: {  	v2 =	vmul.f32 v55, v39;
	v55 =	vld [tilespmem:$0xC80];
	[tilespmem:$0x2300] =	vst v27  }
0x1ae: {  	v29 =	vmul.f32 v29, v45;
	v45 =	vmul.f32 v61, v38;
	v61 =	vld [tilespmem:$0x1100];
	[tilespmem:$0x2310] =	vst v27  }
0x1af: {  	v30 =	vmul.f32 v30, v46;
	v7 =	vadd.f32 v10, v7;
	v46 =	vmul.f32 v63, v39;
	v63 =	vld [tilespmem:$0xD80];
	[tilespmem:$0x2320] =	vst v27  }
0x1b0: {  	v39 =	vld [tilespmem:$0xC60];
	[tilespmem:$0x2330] =	vst v27  }
0x1b1: {  	v3 =	vmul.f32 v34, v42;
	v44 =	vld [tilespmem:$0xC50];
	v7 =	vadd.f32 v48, v7;
	[tilespmem:$0x2340] =	vst v27  }
0x1b2: {  	v48 =	vld [tilespmem:$0x16E0];
	[tilespmem:$0x2350] =	vst v27  }
0x1b3: {  	v28 =	vadd.f32 v30, v41;
	v30 =	vmul.f32 v54, v38;
	v54 =	vld [tilespmem:$0x1660];
	[tilespmem:$0x2360] =	vst v27;
	v3 =	vadd.f32 v3, v7  }
0x1b4: {  	v13 =	vadd.f32 v62, v13;
	v41 =	vmul.f32 v56, v40;
	v56 =	vld [tilespmem:$0xE80];
	[tilespmem:$0x2AD0] =	vst v18  }
0x1b5: {  	v26 =	vadd.f32 v29, v26;
	v29 =	vld [tilespmem:$0x1BD0];
	[tilespmem:$0x2250] =	vst v3  }
0x1b6: {  	v7 =	vmul.f32 v60, v51;
	v60 =	vld [tilespmem:$0x19E0];
	v25 =	vadd.f32 v25, v13;
	[tilespmem:$0x2650] =	vst v33  }
0x1b7: {  	v62 =	vmul.f32 v50, v38;
	v13 =	vld [tilespmem:$0x1B50];
	[tilespmem:$0x20E0] =	vst v39  }
0x1b8: {  	v28 =	vadd.f32 v47, v28;
	v47 =	vld [tilespmem:$0x1E50];
	[tilespmem:$0x2140] =	vst v25  }
0x1b9: {  	v35 =	vadd.f32 v15, v62;
	v62 =	vld [tilespmem:$0x1300];
	v26 =	vadd.f32 v49, v26;
	[tilespmem:$0x20D0] =	vst v44  }
0x1ba: {  	v0 =	vadd.f32 v2, v30;
	v30 =	vld [tilespmem:$0x1000];
	v23 =	vadd.f32 v23, v28;
	[tilespmem:$0x23E0] =	vst v48  }
0x1bb: {  	v49 =	vld [tilespmem:$0x14E0];
	[tilespmem:$0x22C0] =	vst v26  }
0x1bc: {  	v3 =	vmul.f32 v57, v52;
	v57 =	vld [tilespmem:$0x1D60];
	[tilespmem:$0x2240] =	vst v23  }
0x1bd: {  	v8 =	vmul.f32 v53, v42;
	v34 =	vmul.f32 v61, v52;
	v61 =	vld [tilespmem:$0x1B60];
	v1 =	vadd.f32 v36, v35;
	[tilespmem:$0x2750] =	vst v29  }
0x1be: {  	v25 =	vld [tilespmem:$0x1C50];
	v0 =	vadd.f32 v41, v0;
	[tilespmem:$0x29E0] =	vst v60  }
0x1bf: {  	v2 =	vadd.f32 v46, v45;
	v50 =	vmul.f32 v37, v40;
	v28 =	vld [tilespmem:$0x1180];
	v1 =	vadd.f32 v8, v1;
	[tilespmem:$0x2A50] =	vst v13  }
0x1c0: {  	v35 =	vld [tilespmem:$0x1400];
	v0 =	vadd.f32 v5, v0;
	[tilespmem:$0x2B50] =	vst v47  }
0x1c1: {  	v53 =	vmul.f32 v43, v42;
	v26 =	vld [tilespmem:$0x1DD0];
	v2 =	vadd.f32 v50, v2;
	[tilespmem:$0x2150] =	vst v1  }
0x1c2: {  	v50 =	vld [tilespmem:$0x17E0];
	[tilespmem:$0x21D0] =	vst v0  }
0x1c3: {  	v33 =	vmul.f32 v58, v54;
	v58 =	vld [tilespmem:$0x1DE0];
	v2 =	vadd.f32 v53, v2;
	[tilespmem:$0x2860] =	vst v57  }
0x1c4: {  	v23 =	vld [tilespmem:$0x1D50];
	[tilespmem:$0x2A60] =	vst v61  }
0x1c5: {  	v29 =	vld [tilespmem:$0xE00];
	[tilespmem:$0x22D0] =	vst v2  }
0x1c6: {  	v53 =	vld [tilespmem:$0x1A60];
	[tilespmem:$0x27D0] =	vst v25  }
0x1c7: {  	v38 =	vmul.f32 v24, v51;
	v44 =	vmul.f32 v62, v54;
	v62 =	vld [tilespmem:$0x1CE0];
	[tilespmem:$0x28D0] =	vst v26  }
0x1c8: {  	v41 =	vmul.f32 v30, v51;
	v0 =	vmul.f32 v56, v51;
	v51 =	vld [tilespmem:$0x18E0];
	[tilespmem:$0x24E0] =	vst v50  }
0x1c9: {  	v1 =	vmul.f32 v55, v49;
	v55 =	vld [tilespmem:$0x1BE0];
	[tilespmem:$0x28E0] =	vst v58  }
0x1ca: {  	v56 =	vld [tilespmem:$0x1C60];
	[tilespmem:$0x2850] =	vst v23  }
0x1cb: {  	v5 =	vmul.f32 v59, v49;
	v59 =	vld [tilespmem:$0x1860];
	[tilespmem:$0x2660] =	vst v53  }
0x1cc: {  	v37 =	vmul.f32 v63, v49;
	v63 =	vld [tilespmem:$0x1E60];
	[tilespmem:$0x2AE0] =	vst v62  }
0x1cd: {  	v8 =	vmul.f32 v32, v52;
	v43 =	vmul.f32 v28, v52;
	v52 =	vld [tilespmem:$0x1960];
	[tilespmem:$0x2560] =	vst v51  }
0x1ce: {  	v46 =	vmul.f32 v31, v54;
	v47 =	vmul.f32 v35, v54;
	v54 =	vld [tilespmem:$0x1AE0];
	v0 =	vadd.f32 v0, v1;
	[tilespmem:$0x2760] =	vst v55  }
0x1cf: {  	v36 =	vadd.f32 v7, v5;
	v42 =	vadd.f32 v38, v37;
	[tilespmem:$0x27E0] =	vst v56  }
0x1d0: {  	v40 =	vmul.f32 v29, v49;
	v0 =	vadd.f32 v3, v0;
	[tilespmem:$0x2960] =	vst v59  }
0x1d1: {  	v2 =	vadd.f32 v34, v36;
	v45 =	vadd.f32 v43, v42;
	[tilespmem:$0x2B60] =	vst v63  }
0x1d2: {  	v49 =	vld [tilespmem:$0x1760];
	v3 =	vadd.f32 v41, v40;
	v0 =	vadd.f32 v33, v0;
	[tilespmem:$0x25E0] =	vst v52  }
0x1d3: {  	v2 =	vadd.f32 v44, v2;
	[tilespmem:$0x26E0] =	vst v54  }
0x1d4: {  	v1 =	vadd.f32 v46, v45;
	v3 =	vadd.f32 v8, v3;
	[tilespmem:$0x2160] =	vst v0  }
0x1d5: {  	[tilespmem:$0x21E0] =	vst v2  }
0x1d6: {  	[tilespmem:$0x2260] =	vst v1;
	v3 =	vadd.f32 v47, v3  }
0x1d7: {  	p0 =	sne.s32 s3, $0x1;
	[tilespmem:$0x2460] =	vst v49  }
.Ltmp1:
0x1d8: {  	s9 =	rddreg [dreg:$0x9];
	[tilespmem:$0x22E0] =	vst v3;
	(pc) =	sbr.rel @p0 .LBB2_2-.Ltmp1, $4  }
0x1d9: {  	[hbm4b:s9+s4] =	stream.linear.scatter [tilespmem:s2], [sflag:$0x2], $0xB00, $0x38;
	[tilespmem:$0x2C80] =	vst v63  }
0x1da: {  	_ =	swait.ge [sflag:s5], $0xB00  }
0x1db: {  	[sflag:s5] =	ssyncset.done $0x0  }
0x1dc: {  	s3 =	sadd.s32 $0xFFFFFFFF, s3;
	[sflag:s5] =	ssyncadd.s32 $0xFFFFF500  }
.LBB2_3:
0x1dd: {  	_ =	sfence.sel $0x180000  }
0x1de: {  	[bflag:$0x0] =	sbarrier.arrive $0xFFFF  }
0x1df: {  	_ =	strace $0x90000047  }
0x1e0: {  	s0 =	stileid.u32;
	[bflag:$0x2] =	sbarrier.arrive $0xFFFF  }
0x1e1: {  	p0 =	sne.s32 s0, $0x0;
	s0 =	rddreg [dreg:$0x5]  }
0x1e2: {  	s0 =	sadd.s32 @!p0 $0x100000, s0  }
0x1e3: {  	[sflag:s0] =	ssyncadd.tile.s32 @!p0 $0x1;
	_ =	shalt  }
.Lfunc_end2:
_tile_overlayer_lowered:
.L_overlay_start_2:
0x1e4: {  	(tag) =	ssettag $0x2  }
0x1e5: {  	s0 =	rddreg [dreg:$0x0];
	s2 =	stileid.u32  }
0x1e6: {  	s1 =	rddreg [dreg:$0x1];
	p0 =	sne.s32 s2, $0x0  }
0x1e7: {  	s3 =	rddreg [dreg:$0x2];
	[bflag:$0x3] =	sbarrier.arrive $0xFFFF;
	s2 =	simm.s32 @!p0 $0x1C02  }
0x1e8: {  	[timem:s3], [sflag:s2] =	dma.local @!p0 [hbm:s0], s1  }
0x1e9: {  	s0 =	simm.s32 @!p0 $0x2  }
0x1ea: {  	_ =	swait.ge @!p0 [sflag:s0], s1  }
0x1eb: {  	s1 =	ssub.s32 @!p0 $0x0, s1;
	[sflag:s0] =	ssyncset.done @!p0 $0x0  }
0x1ec: {  	[sflag:s0] =	ssyncadd.s32 @!p0 s1  }
0x1ed: {  	[bflag:$0x3] =	sbarrier.arrive $0xFFFF  }
0x1ee: {  	_ =	shalt  }

</sc_bundles>
